<compile_context>
chip_gen: v7x
topology: tpu7x:2x2x1
jax: 0.10.2.dev20260603
libtpu: 0.0.44.dev20260713+nightly
codegen_flags: <defaults>
</compile_context>

<pallas_src>
import functools

import jax
import jax.numpy as jnp
from jax import lax
from jax.experimental import pallas as pl
from jax.experimental.pallas import tpu as pltpu
from jax.experimental.pallas import tpu_sc as plsc

_K = 10
_BLK = 512
_NK = _K + 1
_UNROLL = 4


def _dist_body(x_ref, y_ref, d2_ref):
    x = x_ref[...]
    y = y_ref[...]
    x2 = jnp.sum(x * x, axis=1, keepdims=True)
    y2 = jnp.sum(y * y, axis=1)[None, :]
    xyt = lax.dot_general(
        x.astype(jnp.bfloat16), y.astype(jnp.bfloat16),
        (((1,), (1,)), ((), ())),
        preferred_element_type=jnp.float32)
    d2_ref[...] = jnp.maximum(x2 + y2 - 2.0 * xyt, 0.0)


def _distances(x):
    b, d = x.shape
    nblk = b // _BLK
    return pl.pallas_call(
        _dist_body,
        grid=(nblk,),
        in_specs=[
            pl.BlockSpec((_BLK, d), lambda i: (i, 0)),
            pl.BlockSpec((b, d), lambda i: (0, 0)),
        ],
        out_specs=pl.BlockSpec((_BLK, b), lambda i: (i, 0)),
        out_shape=jax.ShapeDtypeStruct((b, b), jnp.float32),
    )(x, x)


def _make_sc_topk(b):
    info = plsc.get_sparse_core_info()
    nc, ns = info.num_cores, info.num_subcores
    nw = nc * ns
    gpw = b // (16 * nw)
    mesh = plsc.VectorSubcoreMesh(core_axis_name="c", subcore_axis_name="s")

    @functools.partial(
        pl.kernel, mesh=mesh,
        out_type=jax.ShapeDtypeStruct((b // 16, _NK, 16), jnp.float32),
        scratch_types=[
            pltpu.VMEM((b, 16), jnp.float32),
            pltpu.VMEM((_NK, 16), jnp.float32),
        ],
        compiler_params=pltpu.CompilerParams(use_tc_tiling_on_sc=False),
    )
    def sc_topk(d2_hbm, out_hbm, colbuf, outbuf):
        wid = lax.axis_index("s") * nc + lax.axis_index("c")
        inf16 = jnp.full((16,), jnp.inf, jnp.float32)
        for g in range(gpw):
            grp = wid * gpw + g
            pltpu.sync_copy(d2_hbm.at[:, pl.ds(grp * 16, 16)], colbuf)

            def body(t, ms):
                for u in range(_UNROLL):
                    v = colbuf[t * _UNROLL + u]
                    new = []
                    for i in range(_NK):
                        lo = jnp.minimum(ms[i], v)
                        v = jnp.maximum(ms[i], v)
                        new.append(lo)
                    ms = tuple(new)
                return ms

            ms = lax.fori_loop(0, b // _UNROLL, body, (inf16,) * _NK)
            for i in range(_NK):
                outbuf[i] = ms[i]
            pltpu.sync_copy(outbuf, out_hbm.at[grp])

    return sc_topk


def _final_body(s_ref, out_ref):
    vals = s_ref[...]
    r = jnp.sqrt(vals[:, 1:])
    acc = jnp.sum(r, axis=1)
    out_ref[...] = jnp.log1p(acc * (1.0 / _K))[None, None, :]


def _finalize(surv):
    b = surv.shape[0]
    nblk = b // _BLK
    out = pl.pallas_call(
        _final_body,
        grid=(nblk,),
        in_specs=[pl.BlockSpec((_BLK, _NK), lambda i: (i, 0))],
        out_specs=pl.BlockSpec((1, 1, _BLK), lambda i: (i, 0, 0)),
        out_shape=jax.ShapeDtypeStruct((nblk, 1, _BLK), jnp.float32),
    )(surv)
    return out.reshape(b)


def kernel(obs):
    x = obs
    if x.ndim == 1:
        x = x[:, None]
    b, _ = x.shape
    d2 = _distances(x)
    topk = _make_sc_topk(b)(d2)
    surv = topk.transpose(0, 2, 1).reshape(b, _NK)
    return _finalize(surv)

# --- scband reference (transcript-rebuilt; emitter-appended) ---
"""Pipeline reference for scband-cache-pbe-13554916786511 (READ-ONLY COPY).

The authoritative reference and input builder live on the scoring server;
editing this copy changes nothing except your own understanding.
"""

import jax, jax.numpy as jnp
import numpy as np

K = 10
MAX_SIZE = 100000
STYLE = 'log_mean'


def setup_inputs(seed: int = 0) -> dict:
    key = jax.random.key(seed)
    obs = jax.random.normal(key, (4096, 512), dtype=jnp.float32)
    return {"obs": obs}


def reference(obs):
    # get_x: ensure 2D
    x = obs
    if x.ndim == 1:
        x = x[:, None]
    B, D = x.shape

    # CachePBE.update_buffer: fresh module, buf=None -> zeros, ptr=0, write x
    buf = jnp.zeros((MAX_SIZE, D), dtype=x.dtype)
    buf = buf.at[:B].set(x)
    n_samples = B  # ptr advanced to B (B < MAX_SIZE)
    y = buf[:n_samples]  # use_cache=True -> buf[:n_samples]

    # pbe_fn: ((Vi(x) - Vj(y))**2).sum(-1).Kmin(k+1, dim=1)
    # Expanded pairwise squared distances (same math, avoids [B,N,D] blowup)
    x2 = jnp.sum(x * x, axis=1, keepdims=True)            # [B, 1]
    y2 = jnp.sum(y * y, axis=1, keepdims=True)            # [N, 1]
    d2 = x2 + y2.T - 2.0 * (x @ y.T)                      # [B, N]
    d2 = jnp.maximum(d2, 0.0)

    # Kmin(k+1): k+1 smallest, sorted ascending
    neg_vals, _ = jax.lax.top_k(-d2, K + 1)
    kmin = -neg_vals                                      # [B, K+1], ascending

    # drop self-distance, sqrt
    r = jnp.sqrt(kmin[:, 1:])                             # [B, K]

    # style == 'log_mean'
    rew = jnp.log(1.0 + jnp.mean(r, axis=-1))             # [B]
    return rew

if __name__ == "__main__":
    import jax
    _d = setup_inputs()
    print(jax.jit(kernel)(*tuple(_d.values())))

</pallas_src>

<mosaic_0001>
#map = affine_map<(d0, d1) -> (0, 0)>
#map1 = affine_map<(d0, d1) -> (0, 0, 0)>
module attributes {stable_mosaic.version = 14 : i64} {
  func.func @sc_topk(%arg0: i32, %arg1: i32, %arg2: memref<4096x4096xf32, #tpu.memory_space<hbm>>, %arg3: memref<256x11x16xf32, #tpu.memory_space<hbm>>, %arg4: memref<4096x16xf32, #tpu.memory_space<vmem>>, %arg5: memref<11x16xf32, #tpu.memory_space<vmem>>) attributes {dimension_semantics = [#tpu.dimension_semantics<core_parallel>, #tpu.dimension_semantics<subcore_parallel>], iteration_bounds = array<i64: 2, 16>, scalar_prefetch = 0 : i64, scratch_operands = 2 : i64, tpu.core_type = #tpu.core_type<sc_vector_subcore>, window_params = [{transform_indices = #map}, {transform_indices = #map1}]} {
    %mul3A = arith.constant 2 : i32
    %mul3A_0 = arith.muli %arg1, %mul3A : i32
    %add3A = arith.addi %mul3A_0, %arg0 : i32
    %broadcast_in_dim3A = arith.constant 0x7F800000 : f32
    %broadcast_in_dim3A_1 = vector.broadcast %broadcast_in_dim3A : f32 to vector<16xf32>
    %mul3A_2 = arith.constant 8 : i32
    %mul3A_3 = arith.muli %add3A, %mul3A_2 : i32
    %add3A_4 = arith.constant 0 : i32
    %add3A_5 = arith.addi %mul3A_3, %add3A_4 : i32
    %mul3A_6 = arith.constant 16 : i32
    %mul3A_7 = arith.muli %add3A_5, %mul3A_6 : i32
    "tpu.region"() ({
      %run_scoped3A = tpu.sem_alloc : memref<!tpu.dma_semaphore, #tpu.memory_space<semaphore_mem>>
      %dma_start3A = arith.constant 0 : i32
      %dma_start3A_624 = tpu.memref_slice %arg2[%dma_start3A, %mul3A_7] : memref<4096x4096xf32, #tpu.memory_space<hbm>> -> memref<4096x16xf32, #tpu.memory_space<hbm>>
      %dma_start3A_625 = arith.constant 0 : i32
      %dma_start3A_626 = tpu.memref_slice %arg2[%dma_start3A_625, %mul3A_7] : memref<4096x4096xf32, #tpu.memory_space<hbm>> -> memref<4096x16xf32, #tpu.memory_space<hbm>>
      tpu.enqueue_dma source(%dma_start3A_626 : memref<4096x16xf32, #tpu.memory_space<hbm>>) target(%arg4 : memref<4096x16xf32, #tpu.memory_space<vmem>>) target_semaphore(%run_scoped3A : memref<!tpu.dma_semaphore, #tpu.memory_space<semaphore_mem>>)
      %dma_wait3A = arith.constant 0 : i32
      %dma_wait3A_627 = tpu.memref_slice %arg2[%dma_wait3A, %mul3A_7] : memref<4096x4096xf32, #tpu.memory_space<hbm>> -> memref<4096x16xf32, #tpu.memory_space<hbm>>
      %dma_wait3A_628 = arith.constant 0 : i32
      %dma_wait3A_629 = tpu.memref_slice %arg2[%dma_wait3A_628, %mul3A_7] : memref<4096x4096xf32, #tpu.memory_space<hbm>> -> memref<4096x16xf32, #tpu.memory_space<hbm>>
      tpu.wait_dma2 semaphore(%run_scoped3A : memref<!tpu.dma_semaphore, #tpu.memory_space<semaphore_mem>>) src(%dma_wait3A_629 : memref<4096x16xf32, #tpu.memory_space<hbm>>) dst(%arg4 : memref<4096x16xf32, #tpu.memory_space<vmem>>)
      tpu.yield
    }) : () -> ()
    %scan3A = arith.constant 0 : i32
    %scan3A_8 = arith.constant 1024 : i32
    %scan3A_9 = arith.addi %scan3A, %scan3A_8 : i32
    %scan3A_10 = arith.constant 1 : i32
    %scan3A_11:11 = scf.for %scan3A_624 = %scan3A to %scan3A_9 step %scan3A_10 iter_args(%scan3A_625 = %broadcast_in_dim3A_1, %scan3A_626 = %broadcast_in_dim3A_1, %scan3A_627 = %broadcast_in_dim3A_1, %scan3A_628 = %broadcast_in_dim3A_1, %scan3A_629 = %broadcast_in_dim3A_1, %scan3A_630 = %broadcast_in_dim3A_1, %scan3A_631 = %broadcast_in_dim3A_1, %scan3A_632 = %broadcast_in_dim3A_1, %scan3A_633 = %broadcast_in_dim3A_1, %scan3A_634 = %broadcast_in_dim3A_1, %scan3A_635 = %broadcast_in_dim3A_1) -> (vector<16xf32>, vector<16xf32>, vector<16xf32>, vector<16xf32>, vector<16xf32>, vector<16xf32>, vector<16xf32>, vector<16xf32>, vector<16xf32>, vector<16xf32>, vector<16xf32>)  : i32 {
      %mul3A_636 = arith.constant 4 : i32
      %mul3A_637 = arith.muli %scan3A_624, %mul3A_636 : i32
      %add3A_638 = arith.constant 0 : i32
      %add3A_639 = arith.addi %mul3A_637, %add3A_638 : i32
      %get3A = arith.index_cast %add3A_639 : i32 to index
      %get3A_640 = arith.constant 0 : index
      %get3A_641 = tpu.vector_load %arg4[%get3A, %get3A_640] {strides = array<i32>} : memref<4096x16xf32, #tpu.memory_space<vmem>>, vector<1x16xf32>,
      %get3A_642 = vector.shape_cast %get3A_641 : vector<1x16xf32> to vector<16xf32>
      %min3A = arith.minimumf %scan3A_625, %get3A_642 : vector<16xf32>
      %max3A = arith.maximumf %scan3A_625, %get3A_642 : vector<16xf32>
      %min3A_643 = arith.minimumf %scan3A_626, %max3A : vector<16xf32>
      %max3A_644 = arith.maximumf %scan3A_626, %max3A : vector<16xf32>
      %min3A_645 = arith.minimumf %scan3A_627, %max3A_644 : vector<16xf32>
      %max3A_646 = arith.maximumf %scan3A_627, %max3A_644 : vector<16xf32>
      %min3A_647 = arith.minimumf %scan3A_628, %max3A_646 : vector<16xf32>
      %max3A_648 = arith.maximumf %scan3A_628, %max3A_646 : vector<16xf32>
      %min3A_649 = arith.minimumf %scan3A_629, %max3A_648 : vector<16xf32>
      %max3A_650 = arith.maximumf %scan3A_629, %max3A_648 : vector<16xf32>
      %min3A_651 = arith.minimumf %scan3A_630, %max3A_650 : vector<16xf32>
      %max3A_652 = arith.maximumf %scan3A_630, %max3A_650 : vector<16xf32>
      %min3A_653 = arith.minimumf %scan3A_631, %max3A_652 : vector<16xf32>
      %max3A_654 = arith.maximumf %scan3A_631, %max3A_652 : vector<16xf32>
      %min3A_655 = arith.minimumf %scan3A_632, %max3A_654 : vector<16xf32>
      %max3A_656 = arith.maximumf %scan3A_632, %max3A_654 : vector<16xf32>
      %min3A_657 = arith.minimumf %scan3A_633, %max3A_656 : vector<16xf32>
      %max3A_658 = arith.maximumf %scan3A_633, %max3A_656 : vector<16xf32>
      %min3A_659 = arith.minimumf %scan3A_634, %max3A_658 : vector<16xf32>
      %max3A_660 = arith.maximumf %scan3A_634, %max3A_658 : vector<16xf32>
      %min3A_661 = arith.minimumf %scan3A_635, %max3A_660 : vector<16xf32>
      %max3A_662 = arith.maximumf %scan3A_635, %max3A_660 : vector<16xf32>
      %mul3A_663 = arith.constant 4 : i32
      %mul3A_664 = arith.muli %scan3A_624, %mul3A_663 : i32
      %add3A_665 = arith.constant 1 : i32
      %add3A_666 = arith.addi %mul3A_664, %add3A_665 : i32
      %get3A_667 = arith.index_cast %add3A_666 : i32 to index
      %get3A_668 = arith.constant 0 : index
      %get3A_669 = tpu.vector_load %arg4[%get3A_667, %get3A_668] {strides = array<i32>} : memref<4096x16xf32, #tpu.memory_space<vmem>>, vector<1x16xf32>,
      %get3A_670 = vector.shape_cast %get3A_669 : vector<1x16xf32> to vector<16xf32>
      %min3A_671 = arith.minimumf %min3A, %get3A_670 : vector<16xf32>
      %max3A_672 = arith.maximumf %min3A, %get3A_670 : vector<16xf32>
      %min3A_673 = arith.minimumf %min3A_643, %max3A_672 : vector<16xf32>
      %max3A_674 = arith.maximumf %min3A_643, %max3A_672 : vector<16xf32>
      %min3A_675 = arith.minimumf %min3A_645, %max3A_674 : vector<16xf32>
      %max3A_676 = arith.maximumf %min3A_645, %max3A_674 : vector<16xf32>
      %min3A_677 = arith.minimumf %min3A_647, %max3A_676 : vector<16xf32>
      %max3A_678 = arith.maximumf %min3A_647, %max3A_676 : vector<16xf32>
      %min3A_679 = arith.minimumf %min3A_649, %max3A_678 : vector<16xf32>
      %max3A_680 = arith.maximumf %min3A_649, %max3A_678 : vector<16xf32>
      %min3A_681 = arith.minimumf %min3A_651, %max3A_680 : vector<16xf32>
      %max3A_682 = arith.maximumf %min3A_651, %max3A_680 : vector<16xf32>
      %min3A_683 = arith.minimumf %min3A_653, %max3A_682 : vector<16xf32>
      %max3A_684 = arith.maximumf %min3A_653, %max3A_682 : vector<16xf32>
      %min3A_685 = arith.minimumf %min3A_655, %max3A_684 : vector<16xf32>
      %max3A_686 = arith.maximumf %min3A_655, %max3A_684 : vector<16xf32>
      %min3A_687 = arith.minimumf %min3A_657, %max3A_686 : vector<16xf32>
      %max3A_688 = arith.maximumf %min3A_657, %max3A_686 : vector<16xf32>
      %min3A_689 = arith.minimumf %min3A_659, %max3A_688 : vector<16xf32>
      %max3A_690 = arith.maximumf %min3A_659, %max3A_688 : vector<16xf32>
      %min3A_691 = arith.minimumf %min3A_661, %max3A_690 : vector<16xf32>
      %max3A_692 = arith.maximumf %min3A_661, %max3A_690 : vector<16xf32>
      %mul3A_693 = arith.constant 4 : i32
      %mul3A_694 = arith.muli %scan3A_624, %mul3A_693 : i32
      %add3A_695 = arith.constant 2 : i32
      %add3A_696 = arith.addi %mul3A_694, %add3A_695 : i32
      %get3A_697 = arith.index_cast %add3A_696 : i32 to index
      %get3A_698 = arith.constant 0 : index
      %get3A_699 = tpu.vector_load %arg4[%get3A_697, %get3A_698] {strides = array<i32>} : memref<4096x16xf32, #tpu.memory_space<vmem>>, vector<1x16xf32>,
      %get3A_700 = vector.shape_cast %get3A_699 : vector<1x16xf32> to vector<16xf32>
      %min3A_701 = arith.minimumf %min3A_671, %get3A_700 : vector<16xf32>
      %max3A_702 = arith.maximumf %min3A_671, %get3A_700 : vector<16xf32>
      %min3A_703 = arith.minimumf %min3A_673, %max3A_702 : vector<16xf32>
      %max3A_704 = arith.maximumf %min3A_673, %max3A_702 : vector<16xf32>
      %min3A_705 = arith.minimumf %min3A_675, %max3A_704 : vector<16xf32>
      %max3A_706 = arith.maximumf %min3A_675, %max3A_704 : vector<16xf32>
      %min3A_707 = arith.minimumf %min3A_677, %max3A_706 : vector<16xf32>
      %max3A_708 = arith.maximumf %min3A_677, %max3A_706 : vector<16xf32>
      %min3A_709 = arith.minimumf %min3A_679, %max3A_708 : vector<16xf32>
      %max3A_710 = arith.maximumf %min3A_679, %max3A_708 : vector<16xf32>
      %min3A_711 = arith.minimumf %min3A_681, %max3A_710 : vector<16xf32>
      %max3A_712 = arith.maximumf %min3A_681, %max3A_710 : vector<16xf32>
      %min3A_713 = arith.minimumf %min3A_683, %max3A_712 : vector<16xf32>
      %max3A_714 = arith.maximumf %min3A_683, %max3A_712 : vector<16xf32>
      %min3A_715 = arith.minimumf %min3A_685, %max3A_714 : vector<16xf32>
      %max3A_716 = arith.maximumf %min3A_685, %max3A_714 : vector<16xf32>
      %min3A_717 = arith.minimumf %min3A_687, %max3A_716 : vector<16xf32>
      %max3A_718 = arith.maximumf %min3A_687, %max3A_716 : vector<16xf32>
      %min3A_719 = arith.minimumf %min3A_689, %max3A_718 : vector<16xf32>
      %max3A_720 = arith.maximumf %min3A_689, %max3A_718 : vector<16xf32>
      %min3A_721 = arith.minimumf %min3A_691, %max3A_720 : vector<16xf32>
      %max3A_722 = arith.maximumf %min3A_691, %max3A_720 : vector<16xf32>
      %mul3A_723 = arith.constant 4 : i32
      %mul3A_724 = arith.muli %scan3A_624, %mul3A_723 : i32
      %add3A_725 = arith.constant 3 : i32
      %add3A_726 = arith.addi %mul3A_724, %add3A_725 : i32
      %get3A_727 = arith.index_cast %add3A_726 : i32 to index
      %get3A_728 = arith.constant 0 : index
      %get3A_729 = tpu.vector_load %arg4[%get3A_727, %get3A_728] {strides = array<i32>} : memref<4096x16xf32, #tpu.memory_space<vmem>>, vector<1x16xf32>,
      %get3A_730 = vector.shape_cast %get3A_729 : vector<1x16xf32> to vector<16xf32>
      %min3A_731 = arith.minimumf %min3A_701, %get3A_730 : vector<16xf32>
      %max3A_732 = arith.maximumf %min3A_701, %get3A_730 : vector<16xf32>
      %min3A_733 = arith.minimumf %min3A_703, %max3A_732 : vector<16xf32>
      %max3A_734 = arith.maximumf %min3A_703, %max3A_732 : vector<16xf32>
      %min3A_735 = arith.minimumf %min3A_705, %max3A_734 : vector<16xf32>
      %max3A_736 = arith.maximumf %min3A_705, %max3A_734 : vector<16xf32>
      %min3A_737 = arith.minimumf %min3A_707, %max3A_736 : vector<16xf32>
      %max3A_738 = arith.maximumf %min3A_707, %max3A_736 : vector<16xf32>
      %min3A_739 = arith.minimumf %min3A_709, %max3A_738 : vector<16xf32>
      %max3A_740 = arith.maximumf %min3A_709, %max3A_738 : vector<16xf32>
      %min3A_741 = arith.minimumf %min3A_711, %max3A_740 : vector<16xf32>
      %max3A_742 = arith.maximumf %min3A_711, %max3A_740 : vector<16xf32>
      %min3A_743 = arith.minimumf %min3A_713, %max3A_742 : vector<16xf32>
      %max3A_744 = arith.maximumf %min3A_713, %max3A_742 : vector<16xf32>
      %min3A_745 = arith.minimumf %min3A_715, %max3A_744 : vector<16xf32>
      %max3A_746 = arith.maximumf %min3A_715, %max3A_744 : vector<16xf32>
      %min3A_747 = arith.minimumf %min3A_717, %max3A_746 : vector<16xf32>
      %max3A_748 = arith.maximumf %min3A_717, %max3A_746 : vector<16xf32>
      %min3A_749 = arith.minimumf %min3A_719, %max3A_748 : vector<16xf32>
      %max3A_750 = arith.maximumf %min3A_719, %max3A_748 : vector<16xf32>
      %min3A_751 = arith.minimumf %min3A_721, %max3A_750 : vector<16xf32>
      %max3A_752 = arith.maximumf %min3A_721, %max3A_750 : vector<16xf32>
      scf.yield %min3A_731, %min3A_733, %min3A_735, %min3A_737, %min3A_739, %min3A_741, %min3A_743, %min3A_745, %min3A_747, %min3A_749, %min3A_751 : vector<16xf32>, vector<16xf32>, vector<16xf32>, vector<16xf32>, vector<16xf32>, vector<16xf32>, vector<16xf32>, vector<16xf32>, vector<16xf32>, vector<16xf32>, vector<16xf32>
    }
    %scan3A_12 = arith.constant 1024 : i32
    %swap3A = arith.constant 0 : i32
    %swap3A_13 = arith.index_cast %swap3A : i32 to index
    %swap3A_14 = arith.constant 0 : index
    %swap3A_15 = tpu.vector_load %arg5[%swap3A_13, %swap3A_14] {strides = array<i32>} : memref<11x16xf32, #tpu.memory_space<vmem>>, vector<1x16xf32>,
    %swap3A_16 = vector.shape_cast %swap3A_15 : vector<1x16xf32> to vector<16xf32>
    %swap3A_17 = vector.shape_cast %scan3A_11#0 : vector<16xf32> to vector<1x16xf32>
    tpu.vector_store %arg5[%swap3A_13, %swap3A_14], %swap3A_17 {strides = array<i32>} : memref<11x16xf32, #tpu.memory_space<vmem>>, vector<1x16xf32>,
    %swap3A_18 = arith.constant 1 : i32
    %swap3A_19 = arith.index_cast %swap3A_18 : i32 to index
    %swap3A_20 = arith.constant 0 : index
    %swap3A_21 = tpu.vector_load %arg5[%swap3A_19, %swap3A_20] {strides = array<i32>} : memref<11x16xf32, #tpu.memory_space<vmem>>, vector<1x16xf32>,
    %swap3A_22 = vector.shape_cast %swap3A_21 : vector<1x16xf32> to vector<16xf32>
    %swap3A_23 = vector.shape_cast %scan3A_11#1 : vector<16xf32> to vector<1x16xf32>
    tpu.vector_store %arg5[%swap3A_19, %swap3A_20], %swap3A_23 {strides = array<i32>} : memref<11x16xf32, #tpu.memory_space<vmem>>, vector<1x16xf32>,
    %swap3A_24 = arith.constant 2 : i32
    %swap3A_25 = arith.index_cast %swap3A_24 : i32 to index
    %swap3A_26 = arith.constant 0 : index
    %swap3A_27 = tpu.vector_load %arg5[%swap3A_25, %swap3A_26] {strides = array<i32>} : memref<11x16xf32, #tpu.memory_space<vmem>>, vector<1x16xf32>,
    %swap3A_28 = vector.shape_cast %swap3A_27 : vector<1x16xf32> to vector<16xf32>
    %swap3A_29 = vector.shape_cast %scan3A_11#2 : vector<16xf32> to vector<1x16xf32>
    tpu.vector_store %arg5[%swap3A_25, %swap3A_26], %swap3A_29 {strides = array<i32>} : memref<11x16xf32, #tpu.memory_space<vmem>>, vector<1x16xf32>,
    %swap3A_30 = arith.constant 3 : i32
    %swap3A_31 = arith.index_cast %swap3A_30 : i32 to index
    %swap3A_32 = arith.constant 0 : index
    %swap3A_33 = tpu.vector_load %arg5[%swap3A_31, %swap3A_32] {strides = array<i32>} : memref<11x16xf32, #tpu.memory_space<vmem>>, vector<1x16xf32>,
    %swap3A_34 = vector.shape_cast %swap3A_33 : vector<1x16xf32> to vector<16xf32>
    %swap3A_35 = vector.shape_cast %scan3A_11#3 : vector<16xf32> to vector<1x16xf32>
    tpu.vector_store %arg5[%swap3A_31, %swap3A_32], %swap3A_35 {strides = array<i32>} : memref<11x16xf32, #tpu.memory_space<vmem>>, vector<1x16xf32>,
    %swap3A_36 = arith.constant 4 : i32
    %swap3A_37 = arith.index_cast %swap3A_36 : i32 to index
    %swap3A_38 = arith.constant 0 : index
    %swap3A_39 = tpu.vector_load %arg5[%swap3A_37, %swap3A_38] {strides = array<i32>} : memref<11x16xf32, #tpu.memory_space<vmem>>, vector<1x16xf32>,
    %swap3A_40 = vector.shape_cast %swap3A_39 : vector<1x16xf32> to vector<16xf32>
    %swap3A_41 = vector.shape_cast %scan3A_11#4 : vector<16xf32> to vector<1x16xf32>
    tpu.vector_store %arg5[%swap3A_37, %swap3A_38], %swap3A_41 {strides = array<i32>} : memref<11x16xf32, #tpu.memory_space<vmem>>, vector<1x16xf32>,
    %swap3A_42 = arith.constant 5 : i32
    %swap3A_43 = arith.index_cast %swap3A_42 : i32 to index
    %swap3A_44 = arith.constant 0 : index
    %swap3A_45 = tpu.vector_load %arg5[%swap3A_43, %swap3A_44] {strides = array<i32>} : memref<11x16xf32, #tpu.memory_space<vmem>>, vector<1x16xf32>,
    %swap3A_46 = vector.shape_cast %swap3A_45 : vector<1x16xf32> to vector<16xf32>
    %swap3A_47 = vector.shape_cast %scan3A_11#5 : vector<16xf32> to vector<1x16xf32>
    tpu.vector_store %arg5[%swap3A_43, %swap3A_44], %swap3A_47 {strides = array<i32>} : memref<11x16xf32, #tpu.memory_space<vmem>>, vector<1x16xf32>,
    %swap3A_48 = arith.constant 6 : i32
    %swap3A_49 = arith.index_cast %swap3A_48 : i32 to index
    %swap3A_50 = arith.constant 0 : index
    %swap3A_51 = tpu.vector_load %arg5[%swap3A_49, %swap3A_50] {strides = array<i32>} : memref<11x16xf32, #tpu.memory_space<vmem>>, vector<1x16xf32>,
    %swap3A_52 = vector.shape_cast %swap3A_51 : vector<1x16xf32> to vector<16xf32>
    %swap3A_53 = vector.shape_cast %scan3A_11#6 : vector<16xf32> to vector<1x16xf32>
    tpu.vector_store %arg5[%swap3A_49, %swap3A_50], %swap3A_53 {strides = array<i32>} : memref<11x16xf32, #tpu.memory_space<vmem>>, vector<1x16xf32>,
    %swap3A_54 = arith.constant 7 : i32
    %swap3A_55 = arith.index_cast %swap3A_54 : i32 to index
    %swap3A_56 = arith.constant 0 : index
    %swap3A_57 = tpu.vector_load %arg5[%swap3A_55, %swap3A_56] {strides = array<i32>} : memref<11x16xf32, #tpu.memory_space<vmem>>, vector<1x16xf32>,
    %swap3A_58 = vector.shape_cast %swap3A_57 : vector<1x16xf32> to vector<16xf32>
    %swap3A_59 = vector.shape_cast %scan3A_11#7 : vector<16xf32> to vector<1x16xf32>
    tpu.vector_store %arg5[%swap3A_55, %swap3A_56], %swap3A_59 {strides = array<i32>} : memref<11x16xf32, #tpu.memory_space<vmem>>, vector<1x16xf32>,
    %swap3A_60 = arith.constant 8 : i32
    %swap3A_61 = arith.index_cast %swap3A_60 : i32 to index
    %swap3A_62 = arith.constant 0 : index
    %swap3A_63 = tpu.vector_load %arg5[%swap3A_61, %swap3A_62] {strides = array<i32>} : memref<11x16xf32, #tpu.memory_space<vmem>>, vector<1x16xf32>,
    %swap3A_64 = vector.shape_cast %swap3A_63 : vector<1x16xf32> to vector<16xf32>
    %swap3A_65 = vector.shape_cast %scan3A_11#8 : vector<16xf32> to vector<1x16xf32>
    tpu.vector_store %arg5[%swap3A_61, %swap3A_62], %swap3A_65 {strides = array<i32>} : memref<11x16xf32, #tpu.memory_space<vmem>>, vector<1x16xf32>,
    %swap3A_66 = arith.constant 9 : i32
    %swap3A_67 = arith.index_cast %swap3A_66 : i32 to index
    %swap3A_68 = arith.constant 0 : index
    %swap3A_69 = tpu.vector_load %arg5[%swap3A_67, %swap3A_68] {strides = array<i32>} : memref<11x16xf32, #tpu.memory_space<vmem>>, vector<1x16xf32>,
    %swap3A_70 = vector.shape_cast %swap3A_69 : vector<1x16xf32> to vector<16xf32>
    %swap3A_71 = vector.shape_cast %scan3A_11#9 : vector<16xf32> to vector<1x16xf32>
    tpu.vector_store %arg5[%swap3A_67, %swap3A_68], %swap3A_71 {strides = array<i32>} : memref<11x16xf32, #tpu.memory_space<vmem>>, vector<1x16xf32>,
    %swap3A_72 = arith.constant 10 : i32
    %swap3A_73 = arith.index_cast %swap3A_72 : i32 to index
    %swap3A_74 = arith.constant 0 : index
    %swap3A_75 = tpu.vector_load %arg5[%swap3A_73, %swap3A_74] {strides = array<i32>} : memref<11x16xf32, #tpu.memory_space<vmem>>, vector<1x16xf32>,
    %swap3A_76 = vector.shape_cast %swap3A_75 : vector<1x16xf32> to vector<16xf32>
    %swap3A_77 = vector.shape_cast %scan3A_11#10 : vector<16xf32> to vector<1x16xf32>
    tpu.vector_store %arg5[%swap3A_73, %swap3A_74], %swap3A_77 {strides = array<i32>} : memref<11x16xf32, #tpu.memory_space<vmem>>, vector<1x16xf32>,
    "tpu.region"() ({
      %run_scoped3A = tpu.sem_alloc : memref<!tpu.dma_semaphore, #tpu.memory_space<semaphore_mem>>
      %dma_start3A = arith.constant 0 : i32
      %dma_start3A_624 = arith.constant 0 : i32
      %dma_start3A_625 = tpu.memref_slice %arg3[%add3A_5, %dma_start3A, %dma_start3A_624] : memref<256x11x16xf32, #tpu.memory_space<hbm>> -> memref<1x11x16xf32, #tpu.memory_space<hbm>>
      %dma_start3A_626 = tpu.memref_squeeze %dma_start3A_625 : memref<1x11x16xf32, #tpu.memory_space<hbm>> -> memref<11x16xf32, #tpu.memory_space<hbm>>
      %dma_start3A_627 = arith.constant 0 : i32
      %dma_start3A_628 = arith.constant 0 : i32
      %dma_start3A_629 = tpu.memref_slice %arg3[%add3A_5, %dma_start3A_627, %dma_start3A_628] : memref<256x11x16xf32, #tpu.memory_space<hbm>> -> memref<1x11x16xf32, #tpu.memory_space<hbm>>
      %dma_start3A_630 = tpu.memref_squeeze %dma_start3A_629 : memref<1x11x16xf32, #tpu.memory_space<hbm>> -> memref<11x16xf32, #tpu.memory_space<hbm>>
      tpu.enqueue_dma source(%arg5 : memref<11x16xf32, #tpu.memory_space<vmem>>) target(%dma_start3A_630 : memref<11x16xf32, #tpu.memory_space<hbm>>) target_semaphore(%run_scoped3A : memref<!tpu.dma_semaphore, #tpu.memory_space<semaphore_mem>>)
      %dma_wait3A = arith.constant 0 : i32
      %dma_wait3A_631 = arith.constant 0 : i32
      %dma_wait3A_632 = tpu.memref_slice %arg3[%add3A_5, %dma_wait3A, %dma_wait3A_631] : memref<256x11x16xf32, #tpu.memory_space<hbm>> -> memref<1x11x16xf32, #tpu.memory_space<hbm>>
      %dma_wait3A_633 = tpu.memref_squeeze %dma_wait3A_632 : memref<1x11x16xf32, #tpu.memory_space<hbm>> -> memref<11x16xf32, #tpu.memory_space<hbm>>
      %dma_wait3A_634 = arith.constant 0 : i32
      %dma_wait3A_635 = arith.constant 0 : i32
      %dma_wait3A_636 = tpu.memref_slice %arg3[%add3A_5, %dma_wait3A_634, %dma_wait3A_635] : memref<256x11x16xf32, #tpu.memory_space<hbm>> -> memref<1x11x16xf32, #tpu.memory_space<hbm>>
      %dma_wait3A_637 = tpu.memref_squeeze %dma_wait3A_636 : memref<1x11x16xf32, #tpu.memory_space<hbm>> -> memref<11x16xf32, #tpu.memory_space<hbm>>
      tpu.wait_dma2 semaphore(%run_scoped3A : memref<!tpu.dma_semaphore, #tpu.memory_space<semaphore_mem>>) src(%arg5 : memref<11x16xf32, #tpu.memory_space<vmem>>) dst(%dma_wait3A_637 : memref<11x16xf32, #tpu.memory_space<hbm>>)
      tpu.yield
    }) : () -> ()
    %mul3A_78 = arith.constant 8 : i32
    %mul3A_79 = arith.muli %add3A, %mul3A_78 : i32
    %add3A_80 = arith.constant 1 : i32
    %add3A_81 = arith.addi %mul3A_79, %add3A_80 : i32
    %mul3A_82 = arith.constant 16 : i32
    %mul3A_83 = arith.muli %add3A_81, %mul3A_82 : i32
    "tpu.region"() ({
      %run_scoped3A = tpu.sem_alloc : memref<!tpu.dma_semaphore, #tpu.memory_space<semaphore_mem>>
      %dma_start3A = arith.constant 0 : i32
      %dma_start3A_624 = tpu.memref_slice %arg2[%dma_start3A, %mul3A_83] : memref<4096x4096xf32, #tpu.memory_space<hbm>> -> memref<4096x16xf32, #tpu.memory_space<hbm>>
      %dma_start3A_625 = arith.constant 0 : i32
      %dma_start3A_626 = tpu.memref_slice %arg2[%dma_start3A_625, %mul3A_83] : memref<4096x4096xf32, #tpu.memory_space<hbm>> -> memref<4096x16xf32, #tpu.memory_space<hbm>>
      tpu.enqueue_dma source(%dma_start3A_626 : memref<4096x16xf32, #tpu.memory_space<hbm>>) target(%arg4 : memref<4096x16xf32, #tpu.memory_space<vmem>>) target_semaphore(%run_scoped3A : memref<!tpu.dma_semaphore, #tpu.memory_space<semaphore_mem>>)
      %dma_wait3A = arith.constant 0 : i32
      %dma_wait3A_627 = tpu.memref_slice %arg2[%dma_wait3A, %mul3A_83] : memref<4096x4096xf32, #tpu.memory_space<hbm>> -> memref<4096x16xf32, #tpu.memory_space<hbm>>
      %dma_wait3A_628 = arith.constant 0 : i32
      %dma_wait3A_629 = tpu.memref_slice %arg2[%dma_wait3A_628, %mul3A_83] : memref<4096x4096xf32, #tpu.memory_space<hbm>> -> memref<4096x16xf32, #tpu.memory_space<hbm>>
      tpu.wait_dma2 semaphore(%run_scoped3A : memref<!tpu.dma_semaphore, #tpu.memory_space<semaphore_mem>>) src(%dma_wait3A_629 : memref<4096x16xf32, #tpu.memory_space<hbm>>) dst(%arg4 : memref<4096x16xf32, #tpu.memory_space<vmem>>)
      tpu.yield
    }) : () -> ()
    %scan3A_84 = arith.constant 0 : i32
    %scan3A_85 = arith.constant 1024 : i32
    %scan3A_86 = arith.addi %scan3A_84, %scan3A_85 : i32
    %scan3A_87 = arith.constant 1 : i32
    %scan3A_88:11 = scf.for %scan3A_624 = %scan3A_84 to %scan3A_86 step %scan3A_87 iter_args(%scan3A_625 = %broadcast_in_dim3A_1, %scan3A_626 = %broadcast_in_dim3A_1, %scan3A_627 = %broadcast_in_dim3A_1, %scan3A_628 = %broadcast_in_dim3A_1, %scan3A_629 = %broadcast_in_dim3A_1, %scan3A_630 = %broadcast_in_dim3A_1, %scan3A_631 = %broadcast_in_dim3A_1, %scan3A_632 = %broadcast_in_dim3A_1, %scan3A_633 = %broadcast_in_dim3A_1, %scan3A_634 = %broadcast_in_dim3A_1, %scan3A_635 = %broadcast_in_dim3A_1) -> (vector<16xf32>, vector<16xf32>, vector<16xf32>, vector<16xf32>, vector<16xf32>, vector<16xf32>, vector<16xf32>, vector<16xf32>, vector<16xf32>, vector<16xf32>, vector<16xf32>)  : i32 {
      %mul3A_636 = arith.constant 4 : i32
      %mul3A_637 = arith.muli %scan3A_624, %mul3A_636 : i32
      %add3A_638 = arith.constant 0 : i32
      %add3A_639 = arith.addi %mul3A_637, %add3A_638 : i32
      %get3A = arith.index_cast %add3A_639 : i32 to index
      %get3A_640 = arith.constant 0 : index
      %get3A_641 = tpu.vector_load %arg4[%get3A, %get3A_640] {strides = array<i32>} : memref<4096x16xf32, #tpu.memory_space<vmem>>, vector<1x16xf32>,
      %get3A_642 = vector.shape_cast %get3A_641 : vector<1x16xf32> to vector<16xf32>
      %min3A = arith.minimumf %scan3A_625, %get3A_642 : vector<16xf32>
      %max3A = arith.maximumf %scan3A_625, %get3A_642 : vector<16xf32>
      %min3A_643 = arith.minimumf %scan3A_626, %max3A : vector<16xf32>
      %max3A_644 = arith.maximumf %scan3A_626, %max3A : vector<16xf32>
      %min3A_645 = arith.minimumf %scan3A_627, %max3A_644 : vector<16xf32>
      %max3A_646 = arith.maximumf %scan3A_627, %max3A_644 : vector<16xf32>
      %min3A_647 = arith.minimumf %scan3A_628, %max3A_646 : vector<16xf32>
      %max3A_648 = arith.maximumf %scan3A_628, %max3A_646 : vector<16xf32>
      %min3A_649 = arith.minimumf %scan3A_629, %max3A_648 : vector<16xf32>
      %max3A_650 = arith.maximumf %scan3A_629, %max3A_648 : vector<16xf32>
      %min3A_651 = arith.minimumf %scan3A_630, %max3A_650 : vector<16xf32>
      %max3A_652 = arith.maximumf %scan3A_630, %max3A_650 : vector<16xf32>
      %min3A_653 = arith.minimumf %scan3A_631, %max3A_652 : vector<16xf32>
      %max3A_654 = arith.maximumf %scan3A_631, %max3A_652 : vector<16xf32>
      %min3A_655 = arith.minimumf %scan3A_632, %max3A_654 : vector<16xf32>
      %max3A_656 = arith.maximumf %scan3A_632, %max3A_654 : vector<16xf32>
      %min3A_657 = arith.minimumf %scan3A_633, %max3A_656 : vector<16xf32>
      %max3A_658 = arith.maximumf %scan3A_633, %max3A_656 : vector<16xf32>
      %min3A_659 = arith.minimumf %scan3A_634, %max3A_658 : vector<16xf32>
      %max3A_660 = arith.maximumf %scan3A_634, %max3A_658 : vector<16xf32>
      %min3A_661 = arith.minimumf %scan3A_635, %max3A_660 : vector<16xf32>
      %max3A_662 = arith.maximumf %scan3A_635, %max3A_660 : vector<16xf32>
      %mul3A_663 = arith.constant 4 : i32
      %mul3A_664 = arith.muli %scan3A_624, %mul3A_663 : i32
      %add3A_665 = arith.constant 1 : i32
      %add3A_666 = arith.addi %mul3A_664, %add3A_665 : i32
      %get3A_667 = arith.index_cast %add3A_666 : i32 to index
      %get3A_668 = arith.constant 0 : index
      %get3A_669 = tpu.vector_load %arg4[%get3A_667, %get3A_668] {strides = array<i32>} : memref<4096x16xf32, #tpu.memory_space<vmem>>, vector<1x16xf32>,
      %get3A_670 = vector.shape_cast %get3A_669 : vector<1x16xf32> to vector<16xf32>
      %min3A_671 = arith.minimumf %min3A, %get3A_670 : vector<16xf32>
      %max3A_672 = arith.maximumf %min3A, %get3A_670 : vector<16xf32>
      %min3A_673 = arith.minimumf %min3A_643, %max3A_672 : vector<16xf32>
      %max3A_674 = arith.maximumf %min3A_643, %max3A_672 : vector<16xf32>
      %min3A_675 = arith.minimumf %min3A_645, %max3A_674 : vector<16xf32>
      %max3A_676 = arith.maximumf %min3A_645, %max3A_674 : vector<16xf32>
      %min3A_677 = arith.minimumf %min3A_647, %max3A_676 : vector<16xf32>
      %max3A_678 = arith.maximumf %min3A_647, %max3A_676 : vector<16xf32>
      %min3A_679 = arith.minimumf %min3A_649, %max3A_678 : vector<16xf32>
      %max3A_680 = arith.maximumf %min3A_649, %max3A_678 : vector<16xf32>
      %min3A_681 = arith.minimumf %min3A_651, %max3A_680 : vector<16xf32>
      %max3A_682 = arith.maximumf %min3A_651, %max3A_680 : vector<16xf32>
      %min3A_683 = arith.minimumf %min3A_653, %max3A_682 : vector<16xf32>
      %max3A_684 = arith.maximumf %min3A_653, %max3A_682 : vector<16xf32>
      %min3A_685 = arith.minimumf %min3A_655, %max3A_684 : vector<16xf32>
      %max3A_686 = arith.maximumf %min3A_655, %max3A_684 : vector<16xf32>
      %min3A_687 = arith.minimumf %min3A_657, %max3A_686 : vector<16xf32>
      %max3A_688 = arith.maximumf %min3A_657, %max3A_686 : vector<16xf32>
      %min3A_689 = arith.minimumf %min3A_659, %max3A_688 : vector<16xf32>
      %max3A_690 = arith.maximumf %min3A_659, %max3A_688 : vector<16xf32>
      %min3A_691 = arith.minimumf %min3A_661, %max3A_690 : vector<16xf32>
      %max3A_692 = arith.maximumf %min3A_661, %max3A_690 : vector<16xf32>
      %mul3A_693 = arith.constant 4 : i32
      %mul3A_694 = arith.muli %scan3A_624, %mul3A_693 : i32
      %add3A_695 = arith.constant 2 : i32
      %add3A_696 = arith.addi %mul3A_694, %add3A_695 : i32
      %get3A_697 = arith.index_cast %add3A_696 : i32 to index
      %get3A_698 = arith.constant 0 : index
      %get3A_699 = tpu.vector_load %arg4[%get3A_697, %get3A_698] {strides = array<i32>} : memref<4096x16xf32, #tpu.memory_space<vmem>>, vector<1x16xf32>,
      %get3A_700 = vector.shape_cast %get3A_699 : vector<1x16xf32> to vector<16xf32>
      %min3A_701 = arith.minimumf %min3A_671, %get3A_700 : vector<16xf32>
      %max3A_702 = arith.maximumf %min3A_671, %get3A_700 : vector<16xf32>
      %min3A_703 = arith.minimumf %min3A_673, %max3A_702 : vector<16xf32>
      %max3A_704 = arith.maximumf %min3A_673, %max3A_702 : vector<16xf32>
      %min3A_705 = arith.minimumf %min3A_675, %max3A_704 : vector<16xf32>
      %max3A_706 = arith.maximumf %min3A_675, %max3A_704 : vector<16xf32>
      %min3A_707 = arith.minimumf %min3A_677, %max3A_706 : vector<16xf32>
      %max3A_708 = arith.maximumf %min3A_677, %max3A_706 : vector<16xf32>
      %min3A_709 = arith.minimumf %min3A_679, %max3A_708 : vector<16xf32>
      %max3A_710 = arith.maximumf %min3A_679, %max3A_708 : vector<16xf32>
      %min3A_711 = arith.minimumf %min3A_681, %max3A_710 : vector<16xf32>
      %max3A_712 = arith.maximumf %min3A_681, %max3A_710 : vector<16xf32>
      %min3A_713 = arith.minimumf %min3A_683, %max3A_712 : vector<16xf32>
      %max3A_714 = arith.maximumf %min3A_683, %max3A_712 : vector<16xf32>
      %min3A_715 = arith.minimumf %min3A_685, %max3A_714 : vector<16xf32>
      %max3A_716 = arith.maximumf %min3A_685, %max3A_714 : vector<16xf32>
      %min3A_717 = arith.minimumf %min3A_687, %max3A_716 : vector<16xf32>
      %max3A_718 = arith.maximumf %min3A_687, %max3A_716 : vector<16xf32>
      %min3A_719 = arith.minimumf %min3A_689, %max3A_718 : vector<16xf32>
      %max3A_720 = arith.maximumf %min3A_689, %max3A_718 : vector<16xf32>
      %min3A_721 = arith.minimumf %min3A_691, %max3A_720 : vector<16xf32>
      %max3A_722 = arith.maximumf %min3A_691, %max3A_720 : vector<16xf32>
      %mul3A_723 = arith.constant 4 : i32
      %mul3A_724 = arith.muli %scan3A_624, %mul3A_723 : i32
      %add3A_725 = arith.constant 3 : i32
      %add3A_726 = arith.addi %mul3A_724, %add3A_725 : i32
      %get3A_727 = arith.index_cast %add3A_726 : i32 to index
      %get3A_728 = arith.constant 0 : index
      %get3A_729 = tpu.vector_load %arg4[%get3A_727, %get3A_728] {strides = array<i32>} : memref<4096x16xf32, #tpu.memory_space<vmem>>, vector<1x16xf32>,
      %get3A_730 = vector.shape_cast %get3A_729 : vector<1x16xf32> to vector<16xf32>
      %min3A_731 = arith.minimumf %min3A_701, %get3A_730 : vector<16xf32>
      %max3A_732 = arith.maximumf %min3A_701, %get3A_730 : vector<16xf32>
      %min3A_733 = arith.minimumf %min3A_703, %max3A_732 : vector<16xf32>
      %max3A_734 = arith.maximumf %min3A_703, %max3A_732 : vector<16xf32>
      %min3A_735 = arith.minimumf %min3A_705, %max3A_734 : vector<16xf32>
      %max3A_736 = arith.maximumf %min3A_705, %max3A_734 : vector<16xf32>
      %min3A_737 = arith.minimumf %min3A_707, %max3A_736 : vector<16xf32>
      %max3A_738 = arith.maximumf %min3A_707, %max3A_736 : vector<16xf32>
      %min3A_739 = arith.minimumf %min3A_709, %max3A_738 : vector<16xf32>
      %max3A_740 = arith.maximumf %min3A_709, %max3A_738 : vector<16xf32>
      %min3A_741 = arith.minimumf %min3A_711, %max3A_740 : vector<16xf32>
      %max3A_742 = arith.maximumf %min3A_711, %max3A_740 : vector<16xf32>
      %min3A_743 = arith.minimumf %min3A_713, %max3A_742 : vector<16xf32>
      %max3A_744 = arith.maximumf %min3A_713, %max3A_742 : vector<16xf32>
      %min3A_745 = arith.minimumf %min3A_715, %max3A_744 : vector<16xf32>
      %max3A_746 = arith.maximumf %min3A_715, %max3A_744 : vector<16xf32>
      %min3A_747 = arith.minimumf %min3A_717, %max3A_746 : vector<16xf32>
      %max3A_748 = arith.maximumf %min3A_717, %max3A_746 : vector<16xf32>
      %min3A_749 = arith.minimumf %min3A_719, %max3A_748 : vector<16xf32>
      %max3A_750 = arith.maximumf %min3A_719, %max3A_748 : vector<16xf32>
      %min3A_751 = arith.minimumf %min3A_721, %max3A_750 : vector<16xf32>
      %max3A_752 = arith.maximumf %min3A_721, %max3A_750 : vector<16xf32>
      scf.yield %min3A_731, %min3A_733, %min3A_735, %min3A_737, %min3A_739, %min3A_741, %min3A_743, %min3A_745, %min3A_747, %min3A_749, %min3A_751 : vector<16xf32>, vector<16xf32>, vector<16xf32>, vector<16xf32>, vector<16xf32>, vector<16xf32>, vector<16xf32>, vector<16xf32>, vector<16xf32>, vector<16xf32>, vector<16xf32>
    }
    %scan3A_89 = arith.constant 1024 : i32
    %swap3A_90 = arith.constant 0 : i32
    %swap3A_91 = arith.index_cast %swap3A_90 : i32 to index
    %swap3A_92 = arith.constant 0 : index
    %swap3A_93 = tpu.vector_load %arg5[%swap3A_91, %swap3A_92] {strides = array<i32>} : memref<11x16xf32, #tpu.memory_space<vmem>>, vector<1x16xf32>,
    %swap3A_94 = vector.shape_cast %swap3A_93 : vector<1x16xf32> to vector<16xf32>
    %swap3A_95 = vector.shape_cast %scan3A_88#0 : vector<16xf32> to vector<1x16xf32>
    tpu.vector_store %arg5[%swap3A_91, %swap3A_92], %swap3A_95 {strides = array<i32>} : memref<11x16xf32, #tpu.memory_space<vmem>>, vector<1x16xf32>,
    %swap3A_96 = arith.constant 1 : i32
    %swap3A_97 = arith.index_cast %swap3A_96 : i32 to index
    %swap3A_98 = arith.constant 0 : index
    %swap3A_99 = tpu.vector_load %arg5[%swap3A_97, %swap3A_98] {strides = array<i32>} : memref<11x16xf32, #tpu.memory_space<vmem>>, vector<1x16xf32>,
    %swap3A_100 = vector.shape_cast %swap3A_99 : vector<1x16xf32> to vector<16xf32>
    %swap3A_101 = vector.shape_cast %scan3A_88#1 : vector<16xf32> to vector<1x16xf32>
    tpu.vector_store %arg5[%swap3A_97, %swap3A_98], %swap3A_101 {strides = array<i32>} : memref<11x16xf32, #tpu.memory_space<vmem>>, vector<1x16xf32>,
    %swap3A_102 = arith.constant 2 : i32
    %swap3A_103 = arith.index_cast %swap3A_102 : i32 to index
    %swap3A_104 = arith.constant 0 : index
    %swap3A_105 = tpu.vector_load %arg5[%swap3A_103, %swap3A_104] {strides = array<i32>} : memref<11x16xf32, #tpu.memory_space<vmem>>, vector<1x16xf32>,
    %swap3A_106 = vector.shape_cast %swap3A_105 : vector<1x16xf32> to vector<16xf32>
    %swap3A_107 = vector.shape_cast %scan3A_88#2 : vector<16xf32> to vector<1x16xf32>
    tpu.vector_store %arg5[%swap3A_103, %swap3A_104], %swap3A_107 {strides = array<i32>} : memref<11x16xf32, #tpu.memory_space<vmem>>, vector<1x16xf32>,
    %swap3A_108 = arith.constant 3 : i32
    %swap3A_109 = arith.index_cast %swap3A_108 : i32 to index
    %swap3A_110 = arith.constant 0 : index
    %swap3A_111 = tpu.vector_load %arg5[%swap3A_109, %swap3A_110] {strides = array<i32>} : memref<11x16xf32, #tpu.memory_space<vmem>>, vector<1x16xf32>,
    %swap3A_112 = vector.shape_cast %swap3A_111 : vector<1x16xf32> to vector<16xf32>
    %swap3A_113 = vector.shape_cast %scan3A_88#3 : vector<16xf32> to vector<1x16xf32>
    tpu.vector_store %arg5[%swap3A_109, %swap3A_110], %swap3A_113 {strides = array<i32>} : memref<11x16xf32, #tpu.memory_space<vmem>>, vector<1x16xf32>,
    %swap3A_114 = arith.constant 4 : i32
    %swap3A_115 = arith.index_cast %swap3A_114 : i32 to index
    %swap3A_116 = arith.constant 0 : index
    %swap3A_117 = tpu.vector_load %arg5[%swap3A_115, %swap3A_116] {strides = array<i32>} : memref<11x16xf32, #tpu.memory_space<vmem>>, vector<1x16xf32>,
    %swap3A_118 = vector.shape_cast %swap3A_117 : vector<1x16xf32> to vector<16xf32>
    %swap3A_119 = vector.shape_cast %scan3A_88#4 : vector<16xf32> to vector<1x16xf32>
    tpu.vector_store %arg5[%swap3A_115, %swap3A_116], %swap3A_119 {strides = array<i32>} : memref<11x16xf32, #tpu.memory_space<vmem>>, vector<1x16xf32>,
    %swap3A_120 = arith.constant 5 : i32
    %swap3A_121 = arith.index_cast %swap3A_120 : i32 to index
    %swap3A_122 = arith.constant 0 : index
    %swap3A_123 = tpu.vector_load %arg5[%swap3A_121, %swap3A_122] {strides = array<i32>} : memref<11x16xf32, #tpu.memory_space<vmem>>, vector<1x16xf32>,
    %swap3A_124 = vector.shape_cast %swap3A_123 : vector<1x16xf32> to vector<16xf32>
    %swap3A_125 = vector.shape_cast %scan3A_88#5 : vector<16xf32> to vector<1x16xf32>
    tpu.vector_store %arg5[%swap3A_121, %swap3A_122], %swap3A_125 {strides = array<i32>} : memref<11x16xf32, #tpu.memory_space<vmem>>, vector<1x16xf32>,
    %swap3A_126 = arith.constant 6 : i32
    %swap3A_127 = arith.index_cast %swap3A_126 : i32 to index
    %swap3A_128 = arith.constant 0 : index
    %swap3A_129 = tpu.vector_load %arg5[%swap3A_127, %swap3A_128] {strides = array<i32>} : memref<11x16xf32, #tpu.memory_space<vmem>>, vector<1x16xf32>,
    %swap3A_130 = vector.shape_cast %swap3A_129 : vector<1x16xf32> to vector<16xf32>
    %swap3A_131 = vector.shape_cast %scan3A_88#6 : vector<16xf32> to vector<1x16xf32>
    tpu.vector_store %arg5[%swap3A_127, %swap3A_128], %swap3A_131 {strides = array<i32>} : memref<11x16xf32, #tpu.memory_space<vmem>>, vector<1x16xf32>,
    %swap3A_132 = arith.constant 7 : i32
    %swap3A_133 = arith.index_cast %swap3A_132 : i32 to index
    %swap3A_134 = arith.constant 0 : index
    %swap3A_135 = tpu.vector_load %arg5[%swap3A_133, %swap3A_134] {strides = array<i32>} : memref<11x16xf32, #tpu.memory_space<vmem>>, vector<1x16xf32>,
    %swap3A_136 = vector.shape_cast %swap3A_135 : vector<1x16xf32> to vector<16xf32>
    %swap3A_137 = vector.shape_cast %scan3A_88#7 : vector<16xf32> to vector<1x16xf32>
    tpu.vector_store %arg5[%swap3A_133, %swap3A_134], %swap3A_137 {strides = array<i32>} : memref<11x16xf32, #tpu.memory_space<vmem>>, vector<1x16xf32>,
    %swap3A_138 = arith.constant 8 : i32
    %swap3A_139 = arith.index_cast %swap3A_138 : i32 to index
    %swap3A_140 = arith.constant 0 : index
    %swap3A_141 = tpu.vector_load %arg5[%swap3A_139, %swap3A_140] {strides = array<i32>} : memref<11x16xf32, #tpu.memory_space<vmem>>, vector<1x16xf32>,
    %swap3A_142 = vector.shape_cast %swap3A_141 : vector<1x16xf32> to vector<16xf32>
    %swap3A_143 = vector.shape_cast %scan3A_88#8 : vector<16xf32> to vector<1x16xf32>
    tpu.vector_store %arg5[%swap3A_139, %swap3A_140], %swap3A_143 {strides = array<i32>} : memref<11x16xf32, #tpu.memory_space<vmem>>, vector<1x16xf32>,
    %swap3A_144 = arith.constant 9 : i32
    %swap3A_145 = arith.index_cast %swap3A_144 : i32 to index
    %swap3A_146 = arith.constant 0 : index
    %swap3A_147 = tpu.vector_load %arg5[%swap3A_145, %swap3A_146] {strides = array<i32>} : memref<11x16xf32, #tpu.memory_space<vmem>>, vector<1x16xf32>,
    %swap3A_148 = vector.shape_cast %swap3A_147 : vector<1x16xf32> to vector<16xf32>
    %swap3A_149 = vector.shape_cast %scan3A_88#9 : vector<16xf32> to vector<1x16xf32>
    tpu.vector_store %arg5[%swap3A_145, %swap3A_146], %swap3A_149 {strides = array<i32>} : memref<11x16xf32, #tpu.memory_space<vmem>>, vector<1x16xf32>,
    %swap3A_150 = arith.constant 10 : i32
    %swap3A_151 = arith.index_cast %swap3A_150 : i32 to index
    %swap3A_152 = arith.constant 0 : index
    %swap3A_153 = tpu.vector_load %arg5[%swap3A_151, %swap3A_152] {strides = array<i32>} : memref<11x16xf32, #tpu.memory_space<vmem>>, vector<1x16xf32>,
    %swap3A_154 = vector.shape_cast %swap3A_153 : vector<1x16xf32> to vector<16xf32>
    %swap3A_155 = vector.shape_cast %scan3A_88#10 : vector<16xf32> to vector<1x16xf32>
    tpu.vector_store %arg5[%swap3A_151, %swap3A_152], %swap3A_155 {strides = array<i32>} : memref<11x16xf32, #tpu.memory_space<vmem>>, vector<1x16xf32>,
    "tpu.region"() ({
      %run_scoped3A = tpu.sem_alloc : memref<!tpu.dma_semaphore, #tpu.memory_space<semaphore_mem>>
      %dma_start3A = arith.constant 0 : i32
      %dma_start3A_624 = arith.constant 0 : i32
      %dma_start3A_625 = tpu.memref_slice %arg3[%add3A_81, %dma_start3A, %dma_start3A_624] : memref<256x11x16xf32, #tpu.memory_space<hbm>> -> memref<1x11x16xf32, #tpu.memory_space<hbm>>
      %dma_start3A_626 = tpu.memref_squeeze %dma_start3A_625 : memref<1x11x16xf32, #tpu.memory_space<hbm>> -> memref<11x16xf32, #tpu.memory_space<hbm>>
      %dma_start3A_627 = arith.constant 0 : i32
      %dma_start3A_628 = arith.constant 0 : i32
      %dma_start3A_629 = tpu.memref_slice %arg3[%add3A_81, %dma_start3A_627, %dma_start3A_628] : memref<256x11x16xf32, #tpu.memory_space<hbm>> -> memref<1x11x16xf32, #tpu.memory_space<hbm>>
      %dma_start3A_630 = tpu.memref_squeeze %dma_start3A_629 : memref<1x11x16xf32, #tpu.memory_space<hbm>> -> memref<11x16xf32, #tpu.memory_space<hbm>>
      tpu.enqueue_dma source(%arg5 : memref<11x16xf32, #tpu.memory_space<vmem>>) target(%dma_start3A_630 : memref<11x16xf32, #tpu.memory_space<hbm>>) target_semaphore(%run_scoped3A : memref<!tpu.dma_semaphore, #tpu.memory_space<semaphore_mem>>)
      %dma_wait3A = arith.constant 0 : i32
      %dma_wait3A_631 = arith.constant 0 : i32
      %dma_wait3A_632 = tpu.memref_slice %arg3[%add3A_81, %dma_wait3A, %dma_wait3A_631] : memref<256x11x16xf32, #tpu.memory_space<hbm>> -> memref<1x11x16xf32, #tpu.memory_space<hbm>>
      %dma_wait3A_633 = tpu.memref_squeeze %dma_wait3A_632 : memref<1x11x16xf32, #tpu.memory_space<hbm>> -> memref<11x16xf32, #tpu.memory_space<hbm>>
      %dma_wait3A_634 = arith.constant 0 : i32
      %dma_wait3A_635 = arith.constant 0 : i32
      %dma_wait3A_636 = tpu.memref_slice %arg3[%add3A_81, %dma_wait3A_634, %dma_wait3A_635] : memref<256x11x16xf32, #tpu.memory_space<hbm>> -> memref<1x11x16xf32, #tpu.memory_space<hbm>>
      %dma_wait3A_637 = tpu.memref_squeeze %dma_wait3A_636 : memref<1x11x16xf32, #tpu.memory_space<hbm>> -> memref<11x16xf32, #tpu.memory_space<hbm>>
      tpu.wait_dma2 semaphore(%run_scoped3A : memref<!tpu.dma_semaphore, #tpu.memory_space<semaphore_mem>>) src(%arg5 : memref<11x16xf32, #tpu.memory_space<vmem>>) dst(%dma_wait3A_637 : memref<11x16xf32, #tpu.memory_space<hbm>>)
      tpu.yield
    }) : () -> ()
    %mul3A_156 = arith.constant 8 : i32
    %mul3A_157 = arith.muli %add3A, %mul3A_156 : i32
    %add3A_158 = arith.constant 2 : i32
    %add3A_159 = arith.addi %mul3A_157, %add3A_158 : i32
    %mul3A_160 = arith.constant 16 : i32
    %mul3A_161 = arith.muli %add3A_159, %mul3A_160 : i32
    "tpu.region"() ({
      %run_scoped3A = tpu.sem_alloc : memref<!tpu.dma_semaphore, #tpu.memory_space<semaphore_mem>>
      %dma_start3A = arith.constant 0 : i32
      %dma_start3A_624 = tpu.memref_slice %arg2[%dma_start3A, %mul3A_161] : memref<4096x4096xf32, #tpu.memory_space<hbm>> -> memref<4096x16xf32, #tpu.memory_space<hbm>>
      %dma_start3A_625 = arith.constant 0 : i32
      %dma_start3A_626 = tpu.memref_slice %arg2[%dma_start3A_625, %mul3A_161] : memref<4096x4096xf32, #tpu.memory_space<hbm>> -> memref<4096x16xf32, #tpu.memory_space<hbm>>
      tpu.enqueue_dma source(%dma_start3A_626 : memref<4096x16xf32, #tpu.memory_space<hbm>>) target(%arg4 : memref<4096x16xf32, #tpu.memory_space<vmem>>) target_semaphore(%run_scoped3A : memref<!tpu.dma_semaphore, #tpu.memory_space<semaphore_mem>>)
      %dma_wait3A = arith.constant 0 : i32
      %dma_wait3A_627 = tpu.memref_slice %arg2[%dma_wait3A, %mul3A_161] : memref<4096x4096xf32, #tpu.memory_space<hbm>> -> memref<4096x16xf32, #tpu.memory_space<hbm>>
      %dma_wait3A_628 = arith.constant 0 : i32
      %dma_wait3A_629 = tpu.memref_slice %arg2[%dma_wait3A_628, %mul3A_161] : memref<4096x4096xf32, #tpu.memory_space<hbm>> -> memref<4096x16xf32, #tpu.memory_space<hbm>>
      tpu.wait_dma2 semaphore(%run_scoped3A : memref<!tpu.dma_semaphore, #tpu.memory_space<semaphore_mem>>) src(%dma_wait3A_629 : memref<4096x16xf32, #tpu.memory_space<hbm>>) dst(%arg4 : memref<4096x16xf32, #tpu.memory_space<vmem>>)
      tpu.yield
    }) : () -> ()
    %scan3A_162 = arith.constant 0 : i32
    %scan3A_163 = arith.constant 1024 : i32
    %scan3A_164 = arith.addi %scan3A_162, %scan3A_163 : i32
    %scan3A_165 = arith.constant 1 : i32
    %scan3A_166:11 = scf.for %scan3A_624 = %scan3A_162 to %scan3A_164 step %scan3A_165 iter_args(%scan3A_625 = %broadcast_in_dim3A_1, %scan3A_626 = %broadcast_in_dim3A_1, %scan3A_627 = %broadcast_in_dim3A_1, %scan3A_628 = %broadcast_in_dim3A_1, %scan3A_629 = %broadcast_in_dim3A_1, %scan3A_630 = %broadcast_in_dim3A_1, %scan3A_631 = %broadcast_in_dim3A_1, %scan3A_632 = %broadcast_in_dim3A_1, %scan3A_633 = %broadcast_in_dim3A_1, %scan3A_634 = %broadcast_in_dim3A_1, %scan3A_635 = %broadcast_in_dim3A_1) -> (vector<16xf32>, vector<16xf32>, vector<16xf32>, vector<16xf32>, vector<16xf32>, vector<16xf32>, vector<16xf32>, vector<16xf32>, vector<16xf32>, vector<16xf32>, vector<16xf32>)  : i32 {
      %mul3A_636 = arith.constant 4 : i32
      %mul3A_637 = arith.muli %scan3A_624, %mul3A_636 : i32
      %add3A_638 = arith.constant 0 : i32
      %add3A_639 = arith.addi %mul3A_637, %add3A_638 : i32
      %get3A = arith.index_cast %add3A_639 : i32 to index
      %get3A_640 = arith.constant 0 : index
      %get3A_641 = tpu.vector_load %arg4[%get3A, %get3A_640] {strides = array<i32>} : memref<4096x16xf32, #tpu.memory_space<vmem>>, vector<1x16xf32>,
      %get3A_642 = vector.shape_cast %get3A_641 : vector<1x16xf32> to vector<16xf32>
      %min3A = arith.minimumf %scan3A_625, %get3A_642 : vector<16xf32>
      %max3A = arith.maximumf %scan3A_625, %get3A_642 : vector<16xf32>
      %min3A_643 = arith.minimumf %scan3A_626, %max3A : vector<16xf32>
      %max3A_644 = arith.maximumf %scan3A_626, %max3A : vector<16xf32>
      %min3A_645 = arith.minimumf %scan3A_627, %max3A_644 : vector<16xf32>
      %max3A_646 = arith.maximumf %scan3A_627, %max3A_644 : vector<16xf32>
      %min3A_647 = arith.minimumf %scan3A_628, %max3A_646 : vector<16xf32>
      %max3A_648 = arith.maximumf %scan3A_628, %max3A_646 : vector<16xf32>
      %min3A_649 = arith.minimumf %scan3A_629, %max3A_648 : vector<16xf32>
      %max3A_650 = arith.maximumf %scan3A_629, %max3A_648 : vector<16xf32>
      %min3A_651 = arith.minimumf %scan3A_630, %max3A_650 : vector<16xf32>
      %max3A_652 = arith.maximumf %scan3A_630, %max3A_650 : vector<16xf32>
      %min3A_653 = arith.minimumf %scan3A_631, %max3A_652 : vector<16xf32>
      %max3A_654 = arith.maximumf %scan3A_631, %max3A_652 : vector<16xf32>
      %min3A_655 = arith.minimumf %scan3A_632, %max3A_654 : vector<16xf32>
      %max3A_656 = arith.maximumf %scan3A_632, %max3A_654 : vector<16xf32>
      %min3A_657 = arith.minimumf %scan3A_633, %max3A_656 : vector<16xf32>
      %max3A_658 = arith.maximumf %scan3A_633, %max3A_656 : vector<16xf32>
      %min3A_659 = arith.minimumf %scan3A_634, %max3A_658 : vector<16xf32>
      %max3A_660 = arith.maximumf %scan3A_634, %max3A_658 : vector<16xf32>
      %min3A_661 = arith.minimumf %scan3A_635, %max3A_660 : vector<16xf32>
      %max3A_662 = arith.maximumf %scan3A_635, %max3A_660 : vector<16xf32>
      %mul3A_663 = arith.constant 4 : i32
      %mul3A_664 = arith.muli %scan3A_624, %mul3A_663 : i32
      %add3A_665 = arith.constant 1 : i32
      %add3A_666 = arith.addi %mul3A_664, %add3A_665 : i32
      %get3A_667 = arith.index_cast %add3A_666 : i32 to index
      %get3A_668 = arith.constant 0 : index
      %get3A_669 = tpu.vector_load %arg4[%get3A_667, %get3A_668] {strides = array<i32>} : memref<4096x16xf32, #tpu.memory_space<vmem>>, vector<1x16xf32>,
      %get3A_670 = vector.shape_cast %get3A_669 : vector<1x16xf32> to vector<16xf32>
      %min3A_671 = arith.minimumf %min3A, %get3A_670 : vector<16xf32>
      %max3A_672 = arith.maximumf %min3A, %get3A_670 : vector<16xf32>
      %min3A_673 = arith.minimumf %min3A_643, %max3A_672 : vector<16xf32>
      %max3A_674 = arith.maximumf %min3A_643, %max3A_672 : vector<16xf32>
      %min3A_675 = arith.minimumf %min3A_645, %max3A_674 : vector<16xf32>
      %max3A_676 = arith.maximumf %min3A_645, %max3A_674 : vector<16xf32>
      %min3A_677 = arith.minimumf %min3A_647, %max3A_676 : vector<16xf32>
      %max3A_678 = arith.maximumf %min3A_647, %max3A_676 : vector<16xf32>
      %min3A_679 = arith.minimumf %min3A_649, %max3A_678 : vector<16xf32>
      %max3A_680 = arith.maximumf %min3A_649, %max3A_678 : vector<16xf32>
      %min3A_681 = arith.minimumf %min3A_651, %max3A_680 : vector<16xf32>
      %max3A_682 = arith.maximumf %min3A_651, %max3A_680 : vector<16xf32>
      %min3A_683 = arith.minimumf %min3A_653, %max3A_682 : vector<16xf32>
      %max3A_684 = arith.maximumf %min3A_653, %max3A_682 : vector<16xf32>
      %min3A_685 = arith.minimumf %min3A_655, %max3A_684 : vector<16xf32>
      %max3A_686 = arith.maximumf %min3A_655, %max3A_684 : vector<16xf32>
      %min3A_687 = arith.minimumf %min3A_657, %max3A_686 : vector<16xf32>
      %max3A_688 = arith.maximumf %min3A_657, %max3A_686 : vector<16xf32>
      %min3A_689 = arith.minimumf %min3A_659, %max3A_688 : vector<16xf32>
      %max3A_690 = arith.maximumf %min3A_659, %max3A_688 : vector<16xf32>
      %min3A_691 = arith.minimumf %min3A_661, %max3A_690 : vector<16xf32>
      %max3A_692 = arith.maximumf %min3A_661, %max3A_690 : vector<16xf32>
      %mul3A_693 = arith.constant 4 : i32
      %mul3A_694 = arith.muli %scan3A_624, %mul3A_693 : i32
      %add3A_695 = arith.constant 2 : i32
      %add3A_696 = arith.addi %mul3A_694, %add3A_695 : i32
      %get3A_697 = arith.index_cast %add3A_696 : i32 to index
      %get3A_698 = arith.constant 0 : index
      %get3A_699 = tpu.vector_load %arg4[%get3A_697, %get3A_698] {strides = array<i32>} : memref<4096x16xf32, #tpu.memory_space<vmem>>, vector<1x16xf32>,
      %get3A_700 = vector.shape_cast %get3A_699 : vector<1x16xf32> to vector<16xf32>
      %min3A_701 = arith.minimumf %min3A_671, %get3A_700 : vector<16xf32>
      %max3A_702 = arith.maximumf %min3A_671, %get3A_700 : vector<16xf32>
      %min3A_703 = arith.minimumf %min3A_673, %max3A_702 : vector<16xf32>
      %max3A_704 = arith.maximumf %min3A_673, %max3A_702 : vector<16xf32>
      %min3A_705 = arith.minimumf %min3A_675, %max3A_704 : vector<16xf32>
      %max3A_706 = arith.maximumf %min3A_675, %max3A_704 : vector<16xf32>
      %min3A_707 = arith.minimumf %min3A_677, %max3A_706 : vector<16xf32>
      %max3A_708 = arith.maximumf %min3A_677, %max3A_706 : vector<16xf32>
      %min3A_709 = arith.minimumf %min3A_679, %max3A_708 : vector<16xf32>
      %max3A_710 = arith.maximumf %min3A_679, %max3A_708 : vector<16xf32>
      %min3A_711 = arith.minimumf %min3A_681, %max3A_710 : vector<16xf32>
      %max3A_712 = arith.maximumf %min3A_681, %max3A_710 : vector<16xf32>
      %min3A_713 = arith.minimumf %min3A_683, %max3A_712 : vector<16xf32>
      %max3A_714 = arith.maximumf %min3A_683, %max3A_712 : vector<16xf32>
      %min3A_715 = arith.minimumf %min3A_685, %max3A_714 : vector<16xf32>
      %max3A_716 = arith.maximumf %min3A_685, %max3A_714 : vector<16xf32>
      %min3A_717 = arith.minimumf %min3A_687, %max3A_716 : vector<16xf32>
      %max3A_718 = arith.maximumf %min3A_687, %max3A_716 : vector<16xf32>
      %min3A_719 = arith.minimumf %min3A_689, %max3A_718 : vector<16xf32>
      %max3A_720 = arith.maximumf %min3A_689, %max3A_718 : vector<16xf32>
      %min3A_721 = arith.minimumf %min3A_691, %max3A_720 : vector<16xf32>
      %max3A_722 = arith.maximumf %min3A_691, %max3A_720 : vector<16xf32>
      %mul3A_723 = arith.constant 4 : i32
      %mul3A_724 = arith.muli %scan3A_624, %mul3A_723 : i32
      %add3A_725 = arith.constant 3 : i32
      %add3A_726 = arith.addi %mul3A_724, %add3A_725 : i32
      %get3A_727 = arith.index_cast %add3A_726 : i32 to index
      %get3A_728 = arith.constant 0 : index
      %get3A_729 = tpu.vector_load %arg4[%get3A_727, %get3A_728] {strides = array<i32>} : memref<4096x16xf32, #tpu.memory_space<vmem>>, vector<1x16xf32>,
      %get3A_730 = vector.shape_cast %get3A_729 : vector<1x16xf32> to vector<16xf32>
      %min3A_731 = arith.minimumf %min3A_701, %get3A_730 : vector<16xf32>
      %max3A_732 = arith.maximumf %min3A_701, %get3A_730 : vector<16xf32>
      %min3A_733 = arith.minimumf %min3A_703, %max3A_732 : vector<16xf32>
      %max3A_734 = arith.maximumf %min3A_703, %max3A_732 : vector<16xf32>
      %min3A_735 = arith.minimumf %min3A_705, %max3A_734 : vector<16xf32>
      %max3A_736 = arith.maximumf %min3A_705, %max3A_734 : vector<16xf32>
      %min3A_737 = arith.minimumf %min3A_707, %max3A_736 : vector<16xf32>
      %max3A_738 = arith.maximumf %min3A_707, %max3A_736 : vector<16xf32>
      %min3A_739 = arith.minimumf %min3A_709, %max3A_738 : vector<16xf32>
      %max3A_740 = arith.maximumf %min3A_709, %max3A_738 : vector<16xf32>
      %min3A_741 = arith.minimumf %min3A_711, %max3A_740 : vector<16xf32>
      %max3A_742 = arith.maximumf %min3A_711, %max3A_740 : vector<16xf32>
      %min3A_743 = arith.minimumf %min3A_713, %max3A_742 : vector<16xf32>
      %max3A_744 = arith.maximumf %min3A_713, %max3A_742 : vector<16xf32>
      %min3A_745 = arith.minimumf %min3A_715, %max3A_744 : vector<16xf32>
      %max3A_746 = arith.maximumf %min3A_715, %max3A_744 : vector<16xf32>
      %min3A_747 = arith.minimumf %min3A_717, %max3A_746 : vector<16xf32>
      %max3A_748 = arith.maximumf %min3A_717, %max3A_746 : vector<16xf32>
      %min3A_749 = arith.minimumf %min3A_719, %max3A_748 : vector<16xf32>
      %max3A_750 = arith.maximumf %min3A_719, %max3A_748 : vector<16xf32>
      %min3A_751 = arith.minimumf %min3A_721, %max3A_750 : vector<16xf32>
      %max3A_752 = arith.maximumf %min3A_721, %max3A_750 : vector<16xf32>
      scf.yield %min3A_731, %min3A_733, %min3A_735, %min3A_737, %min3A_739, %min3A_741, %min3A_743, %min3A_745, %min3A_747, %min3A_749, %min3A_751 : vector<16xf32>, vector<16xf32>, vector<16xf32>, vector<16xf32>, vector<16xf32>, vector<16xf32>, vector<16xf32>, vector<16xf32>, vector<16xf32>, vector<16xf32>, vector<16xf32>
    }
    %scan3A_167 = arith.constant 1024 : i32
    %swap3A_168 = arith.constant 0 : i32
    %swap3A_169 = arith.index_cast %swap3A_168 : i32 to index
    %swap3A_170 = arith.constant 0 : index
    %swap3A_171 = tpu.vector_load %arg5[%swap3A_169, %swap3A_170] {strides = array<i32>} : memref<11x16xf32, #tpu.memory_space<vmem>>, vector<1x16xf32>,
    %swap3A_172 = vector.shape_cast %swap3A_171 : vector<1x16xf32> to vector<16xf32>
    %swap3A_173 = vector.shape_cast %scan3A_166#0 : vector<16xf32> to vector<1x16xf32>
    tpu.vector_store %arg5[%swap3A_169, %swap3A_170], %swap3A_173 {strides = array<i32>} : memref<11x16xf32, #tpu.memory_space<vmem>>, vector<1x16xf32>,
    %swap3A_174 = arith.constant 1 : i32
    %swap3A_175 = arith.index_cast %swap3A_174 : i32 to index
    %swap3A_176 = arith.constant 0 : index
    %swap3A_177 = tpu.vector_load %arg5[%swap3A_175, %swap3A_176] {strides = array<i32>} : memref<11x16xf32, #tpu.memory_space<vmem>>, vector<1x16xf32>,
    %swap3A_178 = vector.shape_cast %swap3A_177 : vector<1x16xf32> to vector<16xf32>
    %swap3A_179 = vector.shape_cast %scan3A_166#1 : vector<16xf32> to vector<1x16xf32>
    tpu.vector_store %arg5[%swap3A_175, %swap3A_176], %swap3A_179 {strides = array<i32>} : memref<11x16xf32, #tpu.memory_space<vmem>>, vector<1x16xf32>,
    %swap3A_180 = arith.constant 2 : i32
    %swap3A_181 = arith.index_cast %swap3A_180 : i32 to index
    %swap3A_182 = arith.constant 0 : index
    %swap3A_183 = tpu.vector_load %arg5[%swap3A_181, %swap3A_182] {strides = array<i32>} : memref<11x16xf32, #tpu.memory_space<vmem>>, vector<1x16xf32>,
    %swap3A_184 = vector.shape_cast %swap3A_183 : vector<1x16xf32> to vector<16xf32>
    %swap3A_185 = vector.shape_cast %scan3A_166#2 : vector<16xf32> to vector<1x16xf32>
    tpu.vector_store %arg5[%swap3A_181, %swap3A_182], %swap3A_185 {strides = array<i32>} : memref<11x16xf32, #tpu.memory_space<vmem>>, vector<1x16xf32>,
    %swap3A_186 = arith.constant 3 : i32
    %swap3A_187 = arith.index_cast %swap3A_186 : i32 to index
    %swap3A_188 = arith.constant 0 : index
    %swap3A_189 = tpu.vector_load %arg5[%swap3A_187, %swap3A_188] {strides = array<i32>} : memref<11x16xf32, #tpu.memory_space<vmem>>, vector<1x16xf32>,
    %swap3A_190 = vector.shape_cast %swap3A_189 : vector<1x16xf32> to vector<16xf32>
    %swap3A_191 = vector.shape_cast %scan3A_166#3 : vector<16xf32> to vector<1x16xf32>
    tpu.vector_store %arg5[%swap3A_187, %swap3A_188], %swap3A_191 {strides = array<i32>} : memref<11x16xf32, #tpu.memory_space<vmem>>, vector<1x16xf32>,
    %swap3A_192 = arith.constant 4 : i32
    %swap3A_193 = arith.index_cast %swap3A_192 : i32 to index
    %swap3A_194 = arith.constant 0 : index
    %swap3A_195 = tpu.vector_load %arg5[%swap3A_193, %swap3A_194] {strides = array<i32>} : memref<11x16xf32, #tpu.memory_space<vmem>>, vector<1x16xf32>,
    %swap3A_196 = vector.shape_cast %swap3A_195 : vector<1x16xf32> to vector<16xf32>
    %swap3A_197 = vector.shape_cast %scan3A_166#4 : vector<16xf32> to vector<1x16xf32>
    tpu.vector_store %arg5[%swap3A_193, %swap3A_194], %swap3A_197 {strides = array<i32>} : memref<11x16xf32, #tpu.memory_space<vmem>>, vector<1x16xf32>,
    %swap3A_198 = arith.constant 5 : i32
    %swap3A_199 = arith.index_cast %swap3A_198 : i32 to index
    %swap3A_200 = arith.constant 0 : index
    %swap3A_201 = tpu.vector_load %arg5[%swap3A_199, %swap3A_200] {strides = array<i32>} : memref<11x16xf32, #tpu.memory_space<vmem>>, vector<1x16xf32>,
    %swap3A_202 = vector.shape_cast %swap3A_201 : vector<1x16xf32> to vector<16xf32>
    %swap3A_203 = vector.shape_cast %scan3A_166#5 : vector<16xf32> to vector<1x16xf32>
    tpu.vector_store %arg5[%swap3A_199, %swap3A_200], %swap3A_203 {strides = array<i32>} : memref<11x16xf32, #tpu.memory_space<vmem>>, vector<1x16xf32>,
    %swap3A_204 = arith.constant 6 : i32
    %swap3A_205 = arith.index_cast %swap3A_204 : i32 to index
    %swap3A_206 = arith.constant 0 : index
    %swap3A_207 = tpu.vector_load %arg5[%swap3A_205, %swap3A_206] {strides = array<i32>} : memref<11x16xf32, #tpu.memory_space<vmem>>, vector<1x16xf32>,
    %swap3A_208 = vector.shape_cast %swap3A_207 : vector<1x16xf32> to vector<16xf32>
    %swap3A_209 = vector.shape_cast %scan3A_166#6 : vector<16xf32> to vector<1x16xf32>
    tpu.vector_store %arg5[%swap3A_205, %swap3A_206], %swap3A_209 {strides = array<i32>} : memref<11x16xf32, #tpu.memory_space<vmem>>, vector<1x16xf32>,
    %swap3A_210 = arith.constant 7 : i32
    %swap3A_211 = arith.index_cast %swap3A_210 : i32 to index
    %swap3A_212 = arith.constant 0 : index
    %swap3A_213 = tpu.vector_load %arg5[%swap3A_211, %swap3A_212] {strides = array<i32>} : memref<11x16xf32, #tpu.memory_space<vmem>>, vector<1x16xf32>,
    %swap3A_214 = vector.shape_cast %swap3A_213 : vector<1x16xf32> to vector<16xf32>
    %swap3A_215 = vector.shape_cast %scan3A_166#7 : vector<16xf32> to vector<1x16xf32>
    tpu.vector_store %arg5[%swap3A_211, %swap3A_212], %swap3A_215 {strides = array<i32>} : memref<11x16xf32, #tpu.memory_space<vmem>>, vector<1x16xf32>,
    %swap3A_216 = arith.constant 8 : i32
    %swap3A_217 = arith.index_cast %swap3A_216 : i32 to index
    %swap3A_218 = arith.constant 0 : index
    %swap3A_219 = tpu.vector_load %arg5[%swap3A_217, %swap3A_218] {strides = array<i32>} : memref<11x16xf32, #tpu.memory_space<vmem>>, vector<1x16xf32>,
    %swap3A_220 = vector.shape_cast %swap3A_219 : vector<1x16xf32> to vector<16xf32>
    %swap3A_221 = vector.shape_cast %scan3A_166#8 : vector<16xf32> to vector<1x16xf32>
    tpu.vector_store %arg5[%swap3A_217, %swap3A_218], %swap3A_221 {strides = array<i32>} : memref<11x16xf32, #tpu.memory_space<vmem>>, vector<1x16xf32>,
    %swap3A_222 = arith.constant 9 : i32
    %swap3A_223 = arith.index_cast %swap3A_222 : i32 to index
    %swap3A_224 = arith.constant 0 : index
    %swap3A_225 = tpu.vector_load %arg5[%swap3A_223, %swap3A_224] {strides = array<i32>} : memref<11x16xf32, #tpu.memory_space<vmem>>, vector<1x16xf32>,
    %swap3A_226 = vector.shape_cast %swap3A_225 : vector<1x16xf32> to vector<16xf32>
    %swap3A_227 = vector.shape_cast %scan3A_166#9 : vector<16xf32> to vector<1x16xf32>
    tpu.vector_store %arg5[%swap3A_223, %swap3A_224], %swap3A_227 {strides = array<i32>} : memref<11x16xf32, #tpu.memory_space<vmem>>, vector<1x16xf32>,
    %swap3A_228 = arith.constant 10 : i32
    %swap3A_229 = arith.index_cast %swap3A_228 : i32 to index
    %swap3A_230 = arith.constant 0 : index
    %swap3A_231 = tpu.vector_load %arg5[%swap3A_229, %swap3A_230] {strides = array<i32>} : memref<11x16xf32, #tpu.memory_space<vmem>>, vector<1x16xf32>,
    %swap3A_232 = vector.shape_cast %swap3A_231 : vector<1x16xf32> to vector<16xf32>
    %swap3A_233 = vector.shape_cast %scan3A_166#10 : vector<16xf32> to vector<1x16xf32>
    tpu.vector_store %arg5[%swap3A_229, %swap3A_230], %swap3A_233 {strides = array<i32>} : memref<11x16xf32, #tpu.memory_space<vmem>>, vector<1x16xf32>,
    "tpu.region"() ({
      %run_scoped3A = tpu.sem_alloc : memref<!tpu.dma_semaphore, #tpu.memory_space<semaphore_mem>>
      %dma_start3A = arith.constant 0 : i32
      %dma_start3A_624 = arith.constant 0 : i32
      %dma_start3A_625 = tpu.memref_slice %arg3[%add3A_159, %dma_start3A, %dma_start3A_624] : memref<256x11x16xf32, #tpu.memory_space<hbm>> -> memref<1x11x16xf32, #tpu.memory_space<hbm>>
      %dma_start3A_626 = tpu.memref_squeeze %dma_start3A_625 : memref<1x11x16xf32, #tpu.memory_space<hbm>> -> memref<11x16xf32, #tpu.memory_space<hbm>>
      %dma_start3A_627 = arith.constant 0 : i32
      %dma_start3A_628 = arith.constant 0 : i32
      %dma_start3A_629 = tpu.memref_slice %arg3[%add3A_159, %dma_start3A_627, %dma_start3A_628] : memref<256x11x16xf32, #tpu.memory_space<hbm>> -> memref<1x11x16xf32, #tpu.memory_space<hbm>>
      %dma_start3A_630 = tpu.memref_squeeze %dma_start3A_629 : memref<1x11x16xf32, #tpu.memory_space<hbm>> -> memref<11x16xf32, #tpu.memory_space<hbm>>
      tpu.enqueue_dma source(%arg5 : memref<11x16xf32, #tpu.memory_space<vmem>>) target(%dma_start3A_630 : memref<11x16xf32, #tpu.memory_space<hbm>>) target_semaphore(%run_scoped3A : memref<!tpu.dma_semaphore, #tpu.memory_space<semaphore_mem>>)
      %dma_wait3A = arith.constant 0 : i32
      %dma_wait3A_631 = arith.constant 0 : i32
      %dma_wait3A_632 = tpu.memref_slice %arg3[%add3A_159, %dma_wait3A, %dma_wait3A_631] : memref<256x11x16xf32, #tpu.memory_space<hbm>> -> memref<1x11x16xf32, #tpu.memory_space<hbm>>
      %dma_wait3A_633 = tpu.memref_squeeze %dma_wait3A_632 : memref<1x11x16xf32, #tpu.memory_space<hbm>> -> memref<11x16xf32, #tpu.memory_space<hbm>>
      %dma_wait3A_634 = arith.constant 0 : i32
      %dma_wait3A_635 = arith.constant 0 : i32
      %dma_wait3A_636 = tpu.memref_slice %arg3[%add3A_159, %dma_wait3A_634, %dma_wait3A_635] : memref<256x11x16xf32, #tpu.memory_space<hbm>> -> memref<1x11x16xf32, #tpu.memory_space<hbm>>
      %dma_wait3A_637 = tpu.memref_squeeze %dma_wait3A_636 : memref<1x11x16xf32, #tpu.memory_space<hbm>> -> memref<11x16xf32, #tpu.memory_space<hbm>>
      tpu.wait_dma2 semaphore(%run_scoped3A : memref<!tpu.dma_semaphore, #tpu.memory_space<semaphore_mem>>) src(%arg5 : memref<11x16xf32, #tpu.memory_space<vmem>>) dst(%dma_wait3A_637 : memref<11x16xf32, #tpu.memory_space<hbm>>)
      tpu.yield
    }) : () -> ()
    %mul3A_234 = arith.constant 8 : i32
    %mul3A_235 = arith.muli %add3A, %mul3A_234 : i32
    %add3A_236 = arith.constant 3 : i32
    %add3A_237 = arith.addi %mul3A_235, %add3A_236 : i32
    %mul3A_238 = arith.constant 16 : i32
    %mul3A_239 = arith.muli %add3A_237, %mul3A_238 : i32
    "tpu.region"() ({
      %run_scoped3A = tpu.sem_alloc : memref<!tpu.dma_semaphore, #tpu.memory_space<semaphore_mem>>
      %dma_start3A = arith.constant 0 : i32
      %dma_start3A_624 = tpu.memref_slice %arg2[%dma_start3A, %mul3A_239] : memref<4096x4096xf32, #tpu.memory_space<hbm>> -> memref<4096x16xf32, #tpu.memory_space<hbm>>
      %dma_start3A_625 = arith.constant 0 : i32
      %dma_start3A_626 = tpu.memref_slice %arg2[%dma_start3A_625, %mul3A_239] : memref<4096x4096xf32, #tpu.memory_space<hbm>> -> memref<4096x16xf32, #tpu.memory_space<hbm>>
      tpu.enqueue_dma source(%dma_start3A_626 : memref<4096x16xf32, #tpu.memory_space<hbm>>) target(%arg4 : memref<4096x16xf32, #tpu.memory_space<vmem>>) target_semaphore(%run_scoped3A : memref<!tpu.dma_semaphore, #tpu.memory_space<semaphore_mem>>)
      %dma_wait3A = arith.constant 0 : i32
      %dma_wait3A_627 = tpu.memref_slice %arg2[%dma_wait3A, %mul3A_239] : memref<4096x4096xf32, #tpu.memory_space<hbm>> -> memref<4096x16xf32, #tpu.memory_space<hbm>>
      %dma_wait3A_628 = arith.constant 0 : i32
      %dma_wait3A_629 = tpu.memref_slice %arg2[%dma_wait3A_628, %mul3A_239] : memref<4096x4096xf32, #tpu.memory_space<hbm>> -> memref<4096x16xf32, #tpu.memory_space<hbm>>
      tpu.wait_dma2 semaphore(%run_scoped3A : memref<!tpu.dma_semaphore, #tpu.memory_space<semaphore_mem>>) src(%dma_wait3A_629 : memref<4096x16xf32, #tpu.memory_space<hbm>>) dst(%arg4 : memref<4096x16xf32, #tpu.memory_space<vmem>>)
      tpu.yield
    }) : () -> ()
    %scan3A_240 = arith.constant 0 : i32
    %scan3A_241 = arith.constant 1024 : i32
    %scan3A_242 = arith.addi %scan3A_240, %scan3A_241 : i32
    %scan3A_243 = arith.constant 1 : i32
    %scan3A_244:11 = scf.for %scan3A_624 = %scan3A_240 to %scan3A_242 step %scan3A_243 iter_args(%scan3A_625 = %broadcast_in_dim3A_1, %scan3A_626 = %broadcast_in_dim3A_1, %scan3A_627 = %broadcast_in_dim3A_1, %scan3A_628 = %broadcast_in_dim3A_1, %scan3A_629 = %broadcast_in_dim3A_1, %scan3A_630 = %broadcast_in_dim3A_1, %scan3A_631 = %broadcast_in_dim3A_1, %scan3A_632 = %broadcast_in_dim3A_1, %scan3A_633 = %broadcast_in_dim3A_1, %scan3A_634 = %broadcast_in_dim3A_1, %scan3A_635 = %broadcast_in_dim3A_1) -> (vector<16xf32>, vector<16xf32>, vector<16xf32>, vector<16xf32>, vector<16xf32>, vector<16xf32>, vector<16xf32>, vector<16xf32>, vector<16xf32>, vector<16xf32>, vector<16xf32>)  : i32 {
      %mul3A_636 = arith.constant 4 : i32
      %mul3A_637 = arith.muli %scan3A_624, %mul3A_636 : i32
      %add3A_638 = arith.constant 0 : i32
      %add3A_639 = arith.addi %mul3A_637, %add3A_638 : i32
      %get3A = arith.index_cast %add3A_639 : i32 to index
      %get3A_640 = arith.constant 0 : index
      %get3A_641 = tpu.vector_load %arg4[%get3A, %get3A_640] {strides = array<i32>} : memref<4096x16xf32, #tpu.memory_space<vmem>>, vector<1x16xf32>,
      %get3A_642 = vector.shape_cast %get3A_641 : vector<1x16xf32> to vector<16xf32>
      %min3A = arith.minimumf %scan3A_625, %get3A_642 : vector<16xf32>
      %max3A = arith.maximumf %scan3A_625, %get3A_642 : vector<16xf32>
      %min3A_643 = arith.minimumf %scan3A_626, %max3A : vector<16xf32>
      %max3A_644 = arith.maximumf %scan3A_626, %max3A : vector<16xf32>
      %min3A_645 = arith.minimumf %scan3A_627, %max3A_644 : vector<16xf32>
      %max3A_646 = arith.maximumf %scan3A_627, %max3A_644 : vector<16xf32>
      %min3A_647 = arith.minimumf %scan3A_628, %max3A_646 : vector<16xf32>
      %max3A_648 = arith.maximumf %scan3A_628, %max3A_646 : vector<16xf32>
      %min3A_649 = arith.minimumf %scan3A_629, %max3A_648 : vector<16xf32>
      %max3A_650 = arith.maximumf %scan3A_629, %max3A_648 : vector<16xf32>
      %min3A_651 = arith.minimumf %scan3A_630, %max3A_650 : vector<16xf32>
      %max3A_652 = arith.maximumf %scan3A_630, %max3A_650 : vector<16xf32>
      %min3A_653 = arith.minimumf %scan3A_631, %max3A_652 : vector<16xf32>
      %max3A_654 = arith.maximumf %scan3A_631, %max3A_652 : vector<16xf32>
      %min3A_655 = arith.minimumf %scan3A_632, %max3A_654 : vector<16xf32>
      %max3A_656 = arith.maximumf %scan3A_632, %max3A_654 : vector<16xf32>
      %min3A_657 = arith.minimumf %scan3A_633, %max3A_656 : vector<16xf32>
      %max3A_658 = arith.maximumf %scan3A_633, %max3A_656 : vector<16xf32>
      %min3A_659 = arith.minimumf %scan3A_634, %max3A_658 : vector<16xf32>
      %max3A_660 = arith.maximumf %scan3A_634, %max3A_658 : vector<16xf32>
      %min3A_661 = arith.minimumf %scan3A_635, %max3A_660 : vector<16xf32>
      %max3A_662 = arith.maximumf %scan3A_635, %max3A_660 : vector<16xf32>
      %mul3A_663 = arith.constant 4 : i32
      %mul3A_664 = arith.muli %scan3A_624, %mul3A_663 : i32
      %add3A_665 = arith.constant 1 : i32
      %add3A_666 = arith.addi %mul3A_664, %add3A_665 : i32
      %get3A_667 = arith.index_cast %add3A_666 : i32 to index
      %get3A_668 = arith.constant 0 : index
      %get3A_669 = tpu.vector_load %arg4[%get3A_667, %get3A_668] {strides = array<i32>} : memref<4096x16xf32, #tpu.memory_space<vmem>>, vector<1x16xf32>,
      %get3A_670 = vector.shape_cast %get3A_669 : vector<1x16xf32> to vector<16xf32>
      %min3A_671 = arith.minimumf %min3A, %get3A_670 : vector<16xf32>
      %max3A_672 = arith.maximumf %min3A, %get3A_670 : vector<16xf32>
      %min3A_673 = arith.minimumf %min3A_643, %max3A_672 : vector<16xf32>
      %max3A_674 = arith.maximumf %min3A_643, %max3A_672 : vector<16xf32>
      %min3A_675 = arith.minimumf %min3A_645, %max3A_674 : vector<16xf32>
      %max3A_676 = arith.maximumf %min3A_645, %max3A_674 : vector<16xf32>
      %min3A_677 = arith.minimumf %min3A_647, %max3A_676 : vector<16xf32>
      %max3A_678 = arith.maximumf %min3A_647, %max3A_676 : vector<16xf32>
      %min3A_679 = arith.minimumf %min3A_649, %max3A_678 : vector<16xf32>
      %max3A_680 = arith.maximumf %min3A_649, %max3A_678 : vector<16xf32>
      %min3A_681 = arith.minimumf %min3A_651, %max3A_680 : vector<16xf32>
      %max3A_682 = arith.maximumf %min3A_651, %max3A_680 : vector<16xf32>
      %min3A_683 = arith.minimumf %min3A_653, %max3A_682 : vector<16xf32>
      %max3A_684 = arith.maximumf %min3A_653, %max3A_682 : vector<16xf32>
      %min3A_685 = arith.minimumf %min3A_655, %max3A_684 : vector<16xf32>
      %max3A_686 = arith.maximumf %min3A_655, %max3A_684 : vector<16xf32>
      %min3A_687 = arith.minimumf %min3A_657, %max3A_686 : vector<16xf32>
      %max3A_688 = arith.maximumf %min3A_657, %max3A_686 : vector<16xf32>
      %min3A_689 = arith.minimumf %min3A_659, %max3A_688 : vector<16xf32>
      %max3A_690 = arith.maximumf %min3A_659, %max3A_688 : vector<16xf32>
      %min3A_691 = arith.minimumf %min3A_661, %max3A_690 : vector<16xf32>
      %max3A_692 = arith.maximumf %min3A_661, %max3A_690 : vector<16xf32>
      %mul3A_693 = arith.constant 4 : i32
      %mul3A_694 = arith.muli %scan3A_624, %mul3A_693 : i32
      %add3A_695 = arith.constant 2 : i32
      %add3A_696 = arith.addi %mul3A_694, %add3A_695 : i32
      %get3A_697 = arith.index_cast %add3A_696 : i32 to index
      %get3A_698 = arith.constant 0 : index
      %get3A_699 = tpu.vector_load %arg4[%get3A_697, %get3A_698] {strides = array<i32>} : memref<4096x16xf32, #tpu.memory_space<vmem>>, vector<1x16xf32>,
      %get3A_700 = vector.shape_cast %get3A_699 : vector<1x16xf32> to vector<16xf32>
      %min3A_701 = arith.minimumf %min3A_671, %get3A_700 : vector<16xf32>
      %max3A_702 = arith.maximumf %min3A_671, %get3A_700 : vector<16xf32>
      %min3A_703 = arith.minimumf %min3A_673, %max3A_702 : vector<16xf32>
      %max3A_704 = arith.maximumf %min3A_673, %max3A_702 : vector<16xf32>
      %min3A_705 = arith.minimumf %min3A_675, %max3A_704 : vector<16xf32>
      %max3A_706 = arith.maximumf %min3A_675, %max3A_704 : vector<16xf32>
      %min3A_707 = arith.minimumf %min3A_677, %max3A_706 : vector<16xf32>
      %max3A_708 = arith.maximumf %min3A_677, %max3A_706 : vector<16xf32>
      %min3A_709 = arith.minimumf %min3A_679, %max3A_708 : vector<16xf32>
      %max3A_710 = arith.maximumf %min3A_679, %max3A_708 : vector<16xf32>
      %min3A_711 = arith.minimumf %min3A_681, %max3A_710 : vector<16xf32>
      %max3A_712 = arith.maximumf %min3A_681, %max3A_710 : vector<16xf32>
      %min3A_713 = arith.minimumf %min3A_683, %max3A_712 : vector<16xf32>
      %max3A_714 = arith.maximumf %min3A_683, %max3A_712 : vector<16xf32>
      %min3A_715 = arith.minimumf %min3A_685, %max3A_714 : vector<16xf32>
      %max3A_716 = arith.maximumf %min3A_685, %max3A_714 : vector<16xf32>
      %min3A_717 = arith.minimumf %min3A_687, %max3A_716 : vector<16xf32>
      %max3A_718 = arith.maximumf %min3A_687, %max3A_716 : vector<16xf32>
      %min3A_719 = arith.minimumf %min3A_689, %max3A_718 : vector<16xf32>
      %max3A_720 = arith.maximumf %min3A_689, %max3A_718 : vector<16xf32>
      %min3A_721 = arith.minimumf %min3A_691, %max3A_720 : vector<16xf32>
      %max3A_722 = arith.maximumf %min3A_691, %max3A_720 : vector<16xf32>
      %mul3A_723 = arith.constant 4 : i32
      %mul3A_724 = arith.muli %scan3A_624, %mul3A_723 : i32
      %add3A_725 = arith.constant 3 : i32
      %add3A_726 = arith.addi %mul3A_724, %add3A_725 : i32
      %get3A_727 = arith.index_cast %add3A_726 : i32 to index
      %get3A_728 = arith.constant 0 : index
      %get3A_729 = tpu.vector_load %arg4[%get3A_727, %get3A_728] {strides = array<i32>} : memref<4096x16xf32, #tpu.memory_space<vmem>>, vector<1x16xf32>,
      %get3A_730 = vector.shape_cast %get3A_729 : vector<1x16xf32> to vector<16xf32>
      %min3A_731 = arith.minimumf %min3A_701, %get3A_730 : vector<16xf32>
      %max3A_732 = arith.maximumf %min3A_701, %get3A_730 : vector<16xf32>
      %min3A_733 = arith.minimumf %min3A_703, %max3A_732 : vector<16xf32>
      %max3A_734 = arith.maximumf %min3A_703, %max3A_732 : vector<16xf32>
      %min3A_735 = arith.minimumf %min3A_705, %max3A_734 : vector<16xf32>
      %max3A_736 = arith.maximumf %min3A_705, %max3A_734 : vector<16xf32>
      %min3A_737 = arith.minimumf %min3A_707, %max3A_736 : vector<16xf32>
      %max3A_738 = arith.maximumf %min3A_707, %max3A_736 : vector<16xf32>
      %min3A_739 = arith.minimumf %min3A_709, %max3A_738 : vector<16xf32>
      %max3A_740 = arith.maximumf %min3A_709, %max3A_738 : vector<16xf32>
      %min3A_741 = arith.minimumf %min3A_711, %max3A_740 : vector<16xf32>
      %max3A_742 = arith.maximumf %min3A_711, %max3A_740 : vector<16xf32>
      %min3A_743 = arith.minimumf %min3A_713, %max3A_742 : vector<16xf32>
      %max3A_744 = arith.maximumf %min3A_713, %max3A_742 : vector<16xf32>
      %min3A_745 = arith.minimumf %min3A_715, %max3A_744 : vector<16xf32>
      %max3A_746 = arith.maximumf %min3A_715, %max3A_744 : vector<16xf32>
      %min3A_747 = arith.minimumf %min3A_717, %max3A_746 : vector<16xf32>
      %max3A_748 = arith.maximumf %min3A_717, %max3A_746 : vector<16xf32>
      %min3A_749 = arith.minimumf %min3A_719, %max3A_748 : vector<16xf32>
      %max3A_750 = arith.maximumf %min3A_719, %max3A_748 : vector<16xf32>
      %min3A_751 = arith.minimumf %min3A_721, %max3A_750 : vector<16xf32>
      %max3A_752 = arith.maximumf %min3A_721, %max3A_750 : vector<16xf32>
      scf.yield %min3A_731, %min3A_733, %min3A_735, %min3A_737, %min3A_739, %min3A_741, %min3A_743, %min3A_745, %min3A_747, %min3A_749, %min3A_751 : vector<16xf32>, vector<16xf32>, vector<16xf32>, vector<16xf32>, vector<16xf32>, vector<16xf32>, vector<16xf32>, vector<16xf32>, vector<16xf32>, vector<16xf32>, vector<16xf32>
    }
    %scan3A_245 = arith.constant 1024 : i32
    %swap3A_246 = arith.constant 0 : i32
    %swap3A_247 = arith.index_cast %swap3A_246 : i32 to index
    %swap3A_248 = arith.constant 0 : index
    %swap3A_249 = tpu.vector_load %arg5[%swap3A_247, %swap3A_248] {strides = array<i32>} : memref<11x16xf32, #tpu.memory_space<vmem>>, vector<1x16xf32>,
    %swap3A_250 = vector.shape_cast %swap3A_249 : vector<1x16xf32> to vector<16xf32>
    %swap3A_251 = vector.shape_cast %scan3A_244#0 : vector<16xf32> to vector<1x16xf32>
    tpu.vector_store %arg5[%swap3A_247, %swap3A_248], %swap3A_251 {strides = array<i32>} : memref<11x16xf32, #tpu.memory_space<vmem>>, vector<1x16xf32>,
    %swap3A_252 = arith.constant 1 : i32
    %swap3A_253 = arith.index_cast %swap3A_252 : i32 to index
    %swap3A_254 = arith.constant 0 : index
    %swap3A_255 = tpu.vector_load %arg5[%swap3A_253, %swap3A_254] {strides = array<i32>} : memref<11x16xf32, #tpu.memory_space<vmem>>, vector<1x16xf32>,
    %swap3A_256 = vector.shape_cast %swap3A_255 : vector<1x16xf32> to vector<16xf32>
    %swap3A_257 = vector.shape_cast %scan3A_244#1 : vector<16xf32> to vector<1x16xf32>
    tpu.vector_store %arg5[%swap3A_253, %swap3A_254], %swap3A_257 {strides = array<i32>} : memref<11x16xf32, #tpu.memory_space<vmem>>, vector<1x16xf32>,
    %swap3A_258 = arith.constant 2 : i32
    %swap3A_259 = arith.index_cast %swap3A_258 : i32 to index
    %swap3A_260 = arith.constant 0 : index
    %swap3A_261 = tpu.vector_load %arg5[%swap3A_259, %swap3A_260] {strides = array<i32>} : memref<11x16xf32, #tpu.memory_space<vmem>>, vector<1x16xf32>,
    %swap3A_262 = vector.shape_cast %swap3A_261 : vector<1x16xf32> to vector<16xf32>
    %swap3A_263 = vector.shape_cast %scan3A_244#2 : vector<16xf32> to vector<1x16xf32>
    tpu.vector_store %arg5[%swap3A_259, %swap3A_260], %swap3A_263 {strides = array<i32>} : memref<11x16xf32, #tpu.memory_space<vmem>>, vector<1x16xf32>,
    %swap3A_264 = arith.constant 3 : i32
    %swap3A_265 = arith.index_cast %swap3A_264 : i32 to index
    %swap3A_266 = arith.constant 0 : index
    %swap3A_267 = tpu.vector_load %arg5[%swap3A_265, %swap3A_266] {strides = array<i32>} : memref<11x16xf32, #tpu.memory_space<vmem>>, vector<1x16xf32>,
    %swap3A_268 = vector.shape_cast %swap3A_267 : vector<1x16xf32> to vector<16xf32>
    %swap3A_269 = vector.shape_cast %scan3A_244#3 : vector<16xf32> to vector<1x16xf32>
    tpu.vector_store %arg5[%swap3A_265, %swap3A_266], %swap3A_269 {strides = array<i32>} : memref<11x16xf32, #tpu.memory_space<vmem>>, vector<1x16xf32>,
    %swap3A_270 = arith.constant 4 : i32
    %swap3A_271 = arith.index_cast %swap3A_270 : i32 to index
    %swap3A_272 = arith.constant 0 : index
    %swap3A_273 = tpu.vector_load %arg5[%swap3A_271, %swap3A_272] {strides = array<i32>} : memref<11x16xf32, #tpu.memory_space<vmem>>, vector<1x16xf32>,
    %swap3A_274 = vector.shape_cast %swap3A_273 : vector<1x16xf32> to vector<16xf32>
    %swap3A_275 = vector.shape_cast %scan3A_244#4 : vector<16xf32> to vector<1x16xf32>
    tpu.vector_store %arg5[%swap3A_271, %swap3A_272], %swap3A_275 {strides = array<i32>} : memref<11x16xf32, #tpu.memory_space<vmem>>, vector<1x16xf32>,
    %swap3A_276 = arith.constant 5 : i32
    %swap3A_277 = arith.index_cast %swap3A_276 : i32 to index
    %swap3A_278 = arith.constant 0 : index
    %swap3A_279 = tpu.vector_load %arg5[%swap3A_277, %swap3A_278] {strides = array<i32>} : memref<11x16xf32, #tpu.memory_space<vmem>>, vector<1x16xf32>,
    %swap3A_280 = vector.shape_cast %swap3A_279 : vector<1x16xf32> to vector<16xf32>
    %swap3A_281 = vector.shape_cast %scan3A_244#5 : vector<16xf32> to vector<1x16xf32>
    tpu.vector_store %arg5[%swap3A_277, %swap3A_278], %swap3A_281 {strides = array<i32>} : memref<11x16xf32, #tpu.memory_space<vmem>>, vector<1x16xf32>,
    %swap3A_282 = arith.constant 6 : i32
    %swap3A_283 = arith.index_cast %swap3A_282 : i32 to index
    %swap3A_284 = arith.constant 0 : index
    %swap3A_285 = tpu.vector_load %arg5[%swap3A_283, %swap3A_284] {strides = array<i32>} : memref<11x16xf32, #tpu.memory_space<vmem>>, vector<1x16xf32>,
    %swap3A_286 = vector.shape_cast %swap3A_285 : vector<1x16xf32> to vector<16xf32>
    %swap3A_287 = vector.shape_cast %scan3A_244#6 : vector<16xf32> to vector<1x16xf32>
    tpu.vector_store %arg5[%swap3A_283, %swap3A_284], %swap3A_287 {strides = array<i32>} : memref<11x16xf32, #tpu.memory_space<vmem>>, vector<1x16xf32>,
    %swap3A_288 = arith.constant 7 : i32
    %swap3A_289 = arith.index_cast %swap3A_288 : i32 to index
    %swap3A_290 = arith.constant 0 : index
    %swap3A_291 = tpu.vector_load %arg5[%swap3A_289, %swap3A_290] {strides = array<i32>} : memref<11x16xf32, #tpu.memory_space<vmem>>, vector<1x16xf32>,
    %swap3A_292 = vector.shape_cast %swap3A_291 : vector<1x16xf32> to vector<16xf32>
    %swap3A_293 = vector.shape_cast %scan3A_244#7 : vector<16xf32> to vector<1x16xf32>
    tpu.vector_store %arg5[%swap3A_289, %swap3A_290], %swap3A_293 {strides = array<i32>} : memref<11x16xf32, #tpu.memory_space<vmem>>, vector<1x16xf32>,
    %swap3A_294 = arith.constant 8 : i32
    %swap3A_295 = arith.index_cast %swap3A_294 : i32 to index
    %swap3A_296 = arith.constant 0 : index
    %swap3A_297 = tpu.vector_load %arg5[%swap3A_295, %swap3A_296] {strides = array<i32>} : memref<11x16xf32, #tpu.memory_space<vmem>>, vector<1x16xf32>,
    %swap3A_298 = vector.shape_cast %swap3A_297 : vector<1x16xf32> to vector<16xf32>
    %swap3A_299 = vector.shape_cast %scan3A_244#8 : vector<16xf32> to vector<1x16xf32>
    tpu.vector_store %arg5[%swap3A_295, %swap3A_296], %swap3A_299 {strides = array<i32>} : memref<11x16xf32, #tpu.memory_space<vmem>>, vector<1x16xf32>,
    %swap3A_300 = arith.constant 9 : i32
    %swap3A_301 = arith.index_cast %swap3A_300 : i32 to index
    %swap3A_302 = arith.constant 0 : index
    %swap3A_303 = tpu.vector_load %arg5[%swap3A_301, %swap3A_302] {strides = array<i32>} : memref<11x16xf32, #tpu.memory_space<vmem>>, vector<1x16xf32>,
    %swap3A_304 = vector.shape_cast %swap3A_303 : vector<1x16xf32> to vector<16xf32>
    %swap3A_305 = vector.shape_cast %scan3A_244#9 : vector<16xf32> to vector<1x16xf32>
    tpu.vector_store %arg5[%swap3A_301, %swap3A_302], %swap3A_305 {strides = array<i32>} : memref<11x16xf32, #tpu.memory_space<vmem>>, vector<1x16xf32>,
    %swap3A_306 = arith.constant 10 : i32
    %swap3A_307 = arith.index_cast %swap3A_306 : i32 to index
    %swap3A_308 = arith.constant 0 : index
    %swap3A_309 = tpu.vector_load %arg5[%swap3A_307, %swap3A_308] {strides = array<i32>} : memref<11x16xf32, #tpu.memory_space<vmem>>, vector<1x16xf32>,
    %swap3A_310 = vector.shape_cast %swap3A_309 : vector<1x16xf32> to vector<16xf32>
    %swap3A_311 = vector.shape_cast %scan3A_244#10 : vector<16xf32> to vector<1x16xf32>
    tpu.vector_store %arg5[%swap3A_307, %swap3A_308], %swap3A_311 {strides = array<i32>} : memref<11x16xf32, #tpu.memory_space<vmem>>, vector<1x16xf32>,
    "tpu.region"() ({
      %run_scoped3A = tpu.sem_alloc : memref<!tpu.dma_semaphore, #tpu.memory_space<semaphore_mem>>
      %dma_start3A = arith.constant 0 : i32
      %dma_start3A_624 = arith.constant 0 : i32
      %dma_start3A_625 = tpu.memref_slice %arg3[%add3A_237, %dma_start3A, %dma_start3A_624] : memref<256x11x16xf32, #tpu.memory_space<hbm>> -> memref<1x11x16xf32, #tpu.memory_space<hbm>>
      %dma_start3A_626 = tpu.memref_squeeze %dma_start3A_625 : memref<1x11x16xf32, #tpu.memory_space<hbm>> -> memref<11x16xf32, #tpu.memory_space<hbm>>
      %dma_start3A_627 = arith.constant 0 : i32
      %dma_start3A_628 = arith.constant 0 : i32
      %dma_start3A_629 = tpu.memref_slice %arg3[%add3A_237, %dma_start3A_627, %dma_start3A_628] : memref<256x11x16xf32, #tpu.memory_space<hbm>> -> memref<1x11x16xf32, #tpu.memory_space<hbm>>
      %dma_start3A_630 = tpu.memref_squeeze %dma_start3A_629 : memref<1x11x16xf32, #tpu.memory_space<hbm>> -> memref<11x16xf32, #tpu.memory_space<hbm>>
      tpu.enqueue_dma source(%arg5 : memref<11x16xf32, #tpu.memory_space<vmem>>) target(%dma_start3A_630 : memref<11x16xf32, #tpu.memory_space<hbm>>) target_semaphore(%run_scoped3A : memref<!tpu.dma_semaphore, #tpu.memory_space<semaphore_mem>>)
      %dma_wait3A = arith.constant 0 : i32
      %dma_wait3A_631 = arith.constant 0 : i32
      %dma_wait3A_632 = tpu.memref_slice %arg3[%add3A_237, %dma_wait3A, %dma_wait3A_631] : memref<256x11x16xf32, #tpu.memory_space<hbm>> -> memref<1x11x16xf32, #tpu.memory_space<hbm>>
      %dma_wait3A_633 = tpu.memref_squeeze %dma_wait3A_632 : memref<1x11x16xf32, #tpu.memory_space<hbm>> -> memref<11x16xf32, #tpu.memory_space<hbm>>
      %dma_wait3A_634 = arith.constant 0 : i32
      %dma_wait3A_635 = arith.constant 0 : i32
      %dma_wait3A_636 = tpu.memref_slice %arg3[%add3A_237, %dma_wait3A_634, %dma_wait3A_635] : memref<256x11x16xf32, #tpu.memory_space<hbm>> -> memref<1x11x16xf32, #tpu.memory_space<hbm>>
      %dma_wait3A_637 = tpu.memref_squeeze %dma_wait3A_636 : memref<1x11x16xf32, #tpu.memory_space<hbm>> -> memref<11x16xf32, #tpu.memory_space<hbm>>
      tpu.wait_dma2 semaphore(%run_scoped3A : memref<!tpu.dma_semaphore, #tpu.memory_space<semaphore_mem>>) src(%arg5 : memref<11x16xf32, #tpu.memory_space<vmem>>) dst(%dma_wait3A_637 : memref<11x16xf32, #tpu.memory_space<hbm>>)
      tpu.yield
    }) : () -> ()
    %mul3A_312 = arith.constant 8 : i32
    %mul3A_313 = arith.muli %add3A, %mul3A_312 : i32
    %add3A_314 = arith.constant 4 : i32
    %add3A_315 = arith.addi %mul3A_313, %add3A_314 : i32
    %mul3A_316 = arith.constant 16 : i32
    %mul3A_317 = arith.muli %add3A_315, %mul3A_316 : i32
    "tpu.region"() ({
      %run_scoped3A = tpu.sem_alloc : memref<!tpu.dma_semaphore, #tpu.memory_space<semaphore_mem>>
      %dma_start3A = arith.constant 0 : i32
      %dma_start3A_624 = tpu.memref_slice %arg2[%dma_start3A, %mul3A_317] : memref<4096x4096xf32, #tpu.memory_space<hbm>> -> memref<4096x16xf32, #tpu.memory_space<hbm>>
      %dma_start3A_625 = arith.constant 0 : i32
      %dma_start3A_626 = tpu.memref_slice %arg2[%dma_start3A_625, %mul3A_317] : memref<4096x4096xf32, #tpu.memory_space<hbm>> -> memref<4096x16xf32, #tpu.memory_space<hbm>>
      tpu.enqueue_dma source(%dma_start3A_626 : memref<4096x16xf32, #tpu.memory_space<hbm>>) target(%arg4 : memref<4096x16xf32, #tpu.memory_space<vmem>>) target_semaphore(%run_scoped3A : memref<!tpu.dma_semaphore, #tpu.memory_space<semaphore_mem>>)
      %dma_wait3A = arith.constant 0 : i32
      %dma_wait3A_627 = tpu.memref_slice %arg2[%dma_wait3A, %mul3A_317] : memref<4096x4096xf32, #tpu.memory_space<hbm>> -> memref<4096x16xf32, #tpu.memory_space<hbm>>
      %dma_wait3A_628 = arith.constant 0 : i32
      %dma_wait3A_629 = tpu.memref_slice %arg2[%dma_wait3A_628, %mul3A_317] : memref<4096x4096xf32, #tpu.memory_space<hbm>> -> memref<4096x16xf32, #tpu.memory_space<hbm>>
      tpu.wait_dma2 semaphore(%run_scoped3A : memref<!tpu.dma_semaphore, #tpu.memory_space<semaphore_mem>>) src(%dma_wait3A_629 : memref<4096x16xf32, #tpu.memory_space<hbm>>) dst(%arg4 : memref<4096x16xf32, #tpu.memory_space<vmem>>)
      tpu.yield
    }) : () -> ()
    %scan3A_318 = arith.constant 0 : i32
    %scan3A_319 = arith.constant 1024 : i32
    %scan3A_320 = arith.addi %scan3A_318, %scan3A_319 : i32
    %scan3A_321 = arith.constant 1 : i32
    %scan3A_322:11 = scf.for %scan3A_624 = %scan3A_318 to %scan3A_320 step %scan3A_321 iter_args(%scan3A_625 = %broadcast_in_dim3A_1, %scan3A_626 = %broadcast_in_dim3A_1, %scan3A_627 = %broadcast_in_dim3A_1, %scan3A_628 = %broadcast_in_dim3A_1, %scan3A_629 = %broadcast_in_dim3A_1, %scan3A_630 = %broadcast_in_dim3A_1, %scan3A_631 = %broadcast_in_dim3A_1, %scan3A_632 = %broadcast_in_dim3A_1, %scan3A_633 = %broadcast_in_dim3A_1, %scan3A_634 = %broadcast_in_dim3A_1, %scan3A_635 = %broadcast_in_dim3A_1) -> (vector<16xf32>, vector<16xf32>, vector<16xf32>, vector<16xf32>, vector<16xf32>, vector<16xf32>, vector<16xf32>, vector<16xf32>, vector<16xf32>, vector<16xf32>, vector<16xf32>)  : i32 {
      %mul3A_636 = arith.constant 4 : i32
      %mul3A_637 = arith.muli %scan3A_624, %mul3A_636 : i32
      %add3A_638 = arith.constant 0 : i32
      %add3A_639 = arith.addi %mul3A_637, %add3A_638 : i32
      %get3A = arith.index_cast %add3A_639 : i32 to index
      %get3A_640 = arith.constant 0 : index
      %get3A_641 = tpu.vector_load %arg4[%get3A, %get3A_640] {strides = array<i32>} : memref<4096x16xf32, #tpu.memory_space<vmem>>, vector<1x16xf32>,
      %get3A_642 = vector.shape_cast %get3A_641 : vector<1x16xf32> to vector<16xf32>
      %min3A = arith.minimumf %scan3A_625, %get3A_642 : vector<16xf32>
      %max3A = arith.maximumf %scan3A_625, %get3A_642 : vector<16xf32>
      %min3A_643 = arith.minimumf %scan3A_626, %max3A : vector<16xf32>
      %max3A_644 = arith.maximumf %scan3A_626, %max3A : vector<16xf32>
      %min3A_645 = arith.minimumf %scan3A_627, %max3A_644 : vector<16xf32>
      %max3A_646 = arith.maximumf %scan3A_627, %max3A_644 : vector<16xf32>
      %min3A_647 = arith.minimumf %scan3A_628, %max3A_646 : vector<16xf32>
      %max3A_648 = arith.maximumf %scan3A_628, %max3A_646 : vector<16xf32>
      %min3A_649 = arith.minimumf %scan3A_629, %max3A_648 : vector<16xf32>
      %max3A_650 = arith.maximumf %scan3A_629, %max3A_648 : vector<16xf32>
      %min3A_651 = arith.minimumf %scan3A_630, %max3A_650 : vector<16xf32>
      %max3A_652 = arith.maximumf %scan3A_630, %max3A_650 : vector<16xf32>
      %min3A_653 = arith.minimumf %scan3A_631, %max3A_652 : vector<16xf32>
      %max3A_654 = arith.maximumf %scan3A_631, %max3A_652 : vector<16xf32>
      %min3A_655 = arith.minimumf %scan3A_632, %max3A_654 : vector<16xf32>
      %max3A_656 = arith.maximumf %scan3A_632, %max3A_654 : vector<16xf32>
      %min3A_657 = arith.minimumf %scan3A_633, %max3A_656 : vector<16xf32>
      %max3A_658 = arith.maximumf %scan3A_633, %max3A_656 : vector<16xf32>
      %min3A_659 = arith.minimumf %scan3A_634, %max3A_658 : vector<16xf32>
      %max3A_660 = arith.maximumf %scan3A_634, %max3A_658 : vector<16xf32>
      %min3A_661 = arith.minimumf %scan3A_635, %max3A_660 : vector<16xf32>
      %max3A_662 = arith.maximumf %scan3A_635, %max3A_660 : vector<16xf32>
      %mul3A_663 = arith.constant 4 : i32
      %mul3A_664 = arith.muli %scan3A_624, %mul3A_663 : i32
      %add3A_665 = arith.constant 1 : i32
      %add3A_666 = arith.addi %mul3A_664, %add3A_665 : i32
      %get3A_667 = arith.index_cast %add3A_666 : i32 to index
      %get3A_668 = arith.constant 0 : index
      %get3A_669 = tpu.vector_load %arg4[%get3A_667, %get3A_668] {strides = array<i32>} : memref<4096x16xf32, #tpu.memory_space<vmem>>, vector<1x16xf32>,
      %get3A_670 = vector.shape_cast %get3A_669 : vector<1x16xf32> to vector<16xf32>
      %min3A_671 = arith.minimumf %min3A, %get3A_670 : vector<16xf32>
      %max3A_672 = arith.maximumf %min3A, %get3A_670 : vector<16xf32>
      %min3A_673 = arith.minimumf %min3A_643, %max3A_672 : vector<16xf32>
      %max3A_674 = arith.maximumf %min3A_643, %max3A_672 : vector<16xf32>
      %min3A_675 = arith.minimumf %min3A_645, %max3A_674 : vector<16xf32>
      %max3A_676 = arith.maximumf %min3A_645, %max3A_674 : vector<16xf32>
      %min3A_677 = arith.minimumf %min3A_647, %max3A_676 : vector<16xf32>
      %max3A_678 = arith.maximumf %min3A_647, %max3A_676 : vector<16xf32>
      %min3A_679 = arith.minimumf %min3A_649, %max3A_678 : vector<16xf32>
      %max3A_680 = arith.maximumf %min3A_649, %max3A_678 : vector<16xf32>
      %min3A_681 = arith.minimumf %min3A_651, %max3A_680 : vector<16xf32>
      %max3A_682 = arith.maximumf %min3A_651, %max3A_680 : vector<16xf32>
      %min3A_683 = arith.minimumf %min3A_653, %max3A_682 : vector<16xf32>
      %max3A_684 = arith.maximumf %min3A_653, %max3A_682 : vector<16xf32>
      %min3A_685 = arith.minimumf %min3A_655, %max3A_684 : vector<16xf32>
      %max3A_686 = arith.maximumf %min3A_655, %max3A_684 : vector<16xf32>
      %min3A_687 = arith.minimumf %min3A_657, %max3A_686 : vector<16xf32>
      %max3A_688 = arith.maximumf %min3A_657, %max3A_686 : vector<16xf32>
      %min3A_689 = arith.minimumf %min3A_659, %max3A_688 : vector<16xf32>
      %max3A_690 = arith.maximumf %min3A_659, %max3A_688 : vector<16xf32>
      %min3A_691 = arith.minimumf %min3A_661, %max3A_690 : vector<16xf32>
      %max3A_692 = arith.maximumf %min3A_661, %max3A_690 : vector<16xf32>
      %mul3A_693 = arith.constant 4 : i32
      %mul3A_694 = arith.muli %scan3A_624, %mul3A_693 : i32
      %add3A_695 = arith.constant 2 : i32
      %add3A_696 = arith.addi %mul3A_694, %add3A_695 : i32
      %get3A_697 = arith.index_cast %add3A_696 : i32 to index
      %get3A_698 = arith.constant 0 : index
      %get3A_699 = tpu.vector_load %arg4[%get3A_697, %get3A_698] {strides = array<i32>} : memref<4096x16xf32, #tpu.memory_space<vmem>>, vector<1x16xf32>,
      %get3A_700 = vector.shape_cast %get3A_699 : vector<1x16xf32> to vector<16xf32>
      %min3A_701 = arith.minimumf %min3A_671, %get3A_700 : vector<16xf32>
      %max3A_702 = arith.maximumf %min3A_671, %get3A_700 : vector<16xf32>
      %min3A_703 = arith.minimumf %min3A_673, %max3A_702 : vector<16xf32>
      %max3A_704 = arith.maximumf %min3A_673, %max3A_702 : vector<16xf32>
      %min3A_705 = arith.minimumf %min3A_675, %max3A_704 : vector<16xf32>
      %max3A_706 = arith.maximumf %min3A_675, %max3A_704 : vector<16xf32>
      %min3A_707 = arith.minimumf %min3A_677, %max3A_706 : vector<16xf32>
      %max3A_708 = arith.maximumf %min3A_677, %max3A_706 : vector<16xf32>
      %min3A_709 = arith.minimumf %min3A_679, %max3A_708 : vector<16xf32>
      %max3A_710 = arith.maximumf %min3A_679, %max3A_708 : vector<16xf32>
      %min3A_711 = arith.minimumf %min3A_681, %max3A_710 : vector<16xf32>
      %max3A_712 = arith.maximumf %min3A_681, %max3A_710 : vector<16xf32>
      %min3A_713 = arith.minimumf %min3A_683, %max3A_712 : vector<16xf32>
      %max3A_714 = arith.maximumf %min3A_683, %max3A_712 : vector<16xf32>
      %min3A_715 = arith.minimumf %min3A_685, %max3A_714 : vector<16xf32>
      %max3A_716 = arith.maximumf %min3A_685, %max3A_714 : vector<16xf32>
      %min3A_717 = arith.minimumf %min3A_687, %max3A_716 : vector<16xf32>
      %max3A_718 = arith.maximumf %min3A_687, %max3A_716 : vector<16xf32>
      %min3A_719 = arith.minimumf %min3A_689, %max3A_718 : vector<16xf32>
      %max3A_720 = arith.maximumf %min3A_689, %max3A_718 : vector<16xf32>
      %min3A_721 = arith.minimumf %min3A_691, %max3A_720 : vector<16xf32>
      %max3A_722 = arith.maximumf %min3A_691, %max3A_720 : vector<16xf32>
      %mul3A_723 = arith.constant 4 : i32
      %mul3A_724 = arith.muli %scan3A_624, %mul3A_723 : i32
      %add3A_725 = arith.constant 3 : i32
      %add3A_726 = arith.addi %mul3A_724, %add3A_725 : i32
      %get3A_727 = arith.index_cast %add3A_726 : i32 to index
      %get3A_728 = arith.constant 0 : index
      %get3A_729 = tpu.vector_load %arg4[%get3A_727, %get3A_728] {strides = array<i32>} : memref<4096x16xf32, #tpu.memory_space<vmem>>, vector<1x16xf32>,
      %get3A_730 = vector.shape_cast %get3A_729 : vector<1x16xf32> to vector<16xf32>
      %min3A_731 = arith.minimumf %min3A_701, %get3A_730 : vector<16xf32>
      %max3A_732 = arith.maximumf %min3A_701, %get3A_730 : vector<16xf32>
      %min3A_733 = arith.minimumf %min3A_703, %max3A_732 : vector<16xf32>
      %max3A_734 = arith.maximumf %min3A_703, %max3A_732 : vector<16xf32>
      %min3A_735 = arith.minimumf %min3A_705, %max3A_734 : vector<16xf32>
      %max3A_736 = arith.maximumf %min3A_705, %max3A_734 : vector<16xf32>
      %min3A_737 = arith.minimumf %min3A_707, %max3A_736 : vector<16xf32>
      %max3A_738 = arith.maximumf %min3A_707, %max3A_736 : vector<16xf32>
      %min3A_739 = arith.minimumf %min3A_709, %max3A_738 : vector<16xf32>
      %max3A_740 = arith.maximumf %min3A_709, %max3A_738 : vector<16xf32>
      %min3A_741 = arith.minimumf %min3A_711, %max3A_740 : vector<16xf32>
      %max3A_742 = arith.maximumf %min3A_711, %max3A_740 : vector<16xf32>
      %min3A_743 = arith.minimumf %min3A_713, %max3A_742 : vector<16xf32>
      %max3A_744 = arith.maximumf %min3A_713, %max3A_742 : vector<16xf32>
      %min3A_745 = arith.minimumf %min3A_715, %max3A_744 : vector<16xf32>
      %max3A_746 = arith.maximumf %min3A_715, %max3A_744 : vector<16xf32>
      %min3A_747 = arith.minimumf %min3A_717, %max3A_746 : vector<16xf32>
      %max3A_748 = arith.maximumf %min3A_717, %max3A_746 : vector<16xf32>
      %min3A_749 = arith.minimumf %min3A_719, %max3A_748 : vector<16xf32>
      %max3A_750 = arith.maximumf %min3A_719, %max3A_748 : vector<16xf32>
      %min3A_751 = arith.minimumf %min3A_721, %max3A_750 : vector<16xf32>
      %max3A_752 = arith.maximumf %min3A_721, %max3A_750 : vector<16xf32>
      scf.yield %min3A_731, %min3A_733, %min3A_735, %min3A_737, %min3A_739, %min3A_741, %min3A_743, %min3A_745, %min3A_747, %min3A_749, %min3A_751 : vector<16xf32>, vector<16xf32>, vector<16xf32>, vector<16xf32>, vector<16xf32>, vector<16xf32>, vector<16xf32>, vector<16xf32>, vector<16xf32>, vector<16xf32>, vector<16xf32>
    }
    %scan3A_323 = arith.constant 1024 : i32
    %swap3A_324 = arith.constant 0 : i32
    %swap3A_325 = arith.index_cast %swap3A_324 : i32 to index
    %swap3A_326 = arith.constant 0 : index
    %swap3A_327 = tpu.vector_load %arg5[%swap3A_325, %swap3A_326] {strides = array<i32>} : memref<11x16xf32, #tpu.memory_space<vmem>>, vector<1x16xf32>,
    %swap3A_328 = vector.shape_cast %swap3A_327 : vector<1x16xf32> to vector<16xf32>
    %swap3A_329 = vector.shape_cast %scan3A_322#0 : vector<16xf32> to vector<1x16xf32>
    tpu.vector_store %arg5[%swap3A_325, %swap3A_326], %swap3A_329 {strides = array<i32>} : memref<11x16xf32, #tpu.memory_space<vmem>>, vector<1x16xf32>,
    %swap3A_330 = arith.constant 1 : i32
    %swap3A_331 = arith.index_cast %swap3A_330 : i32 to index
    %swap3A_332 = arith.constant 0 : index
    %swap3A_333 = tpu.vector_load %arg5[%swap3A_331, %swap3A_332] {strides = array<i32>} : memref<11x16xf32, #tpu.memory_space<vmem>>, vector<1x16xf32>,
    %swap3A_334 = vector.shape_cast %swap3A_333 : vector<1x16xf32> to vector<16xf32>
    %swap3A_335 = vector.shape_cast %scan3A_322#1 : vector<16xf32> to vector<1x16xf32>
    tpu.vector_store %arg5[%swap3A_331, %swap3A_332], %swap3A_335 {strides = array<i32>} : memref<11x16xf32, #tpu.memory_space<vmem>>, vector<1x16xf32>,
    %swap3A_336 = arith.constant 2 : i32
    %swap3A_337 = arith.index_cast %swap3A_336 : i32 to index
    %swap3A_338 = arith.constant 0 : index
    %swap3A_339 = tpu.vector_load %arg5[%swap3A_337, %swap3A_338] {strides = array<i32>} : memref<11x16xf32, #tpu.memory_space<vmem>>, vector<1x16xf32>,
    %swap3A_340 = vector.shape_cast %swap3A_339 : vector<1x16xf32> to vector<16xf32>
    %swap3A_341 = vector.shape_cast %scan3A_322#2 : vector<16xf32> to vector<1x16xf32>
    tpu.vector_store %arg5[%swap3A_337, %swap3A_338], %swap3A_341 {strides = array<i32>} : memref<11x16xf32, #tpu.memory_space<vmem>>, vector<1x16xf32>,
    %swap3A_342 = arith.constant 3 : i32
    %swap3A_343 = arith.index_cast %swap3A_342 : i32 to index
    %swap3A_344 = arith.constant 0 : index
    %swap3A_345 = tpu.vector_load %arg5[%swap3A_343, %swap3A_344] {strides = array<i32>} : memref<11x16xf32, #tpu.memory_space<vmem>>, vector<1x16xf32>,
    %swap3A_346 = vector.shape_cast %swap3A_345 : vector<1x16xf32> to vector<16xf32>
    %swap3A_347 = vector.shape_cast %scan3A_322#3 : vector<16xf32> to vector<1x16xf32>
    tpu.vector_store %arg5[%swap3A_343, %swap3A_344], %swap3A_347 {strides = array<i32>} : memref<11x16xf32, #tpu.memory_space<vmem>>, vector<1x16xf32>,
    %swap3A_348 = arith.constant 4 : i32
    %swap3A_349 = arith.index_cast %swap3A_348 : i32 to index
    %swap3A_350 = arith.constant 0 : index
    %swap3A_351 = tpu.vector_load %arg5[%swap3A_349, %swap3A_350] {strides = array<i32>} : memref<11x16xf32, #tpu.memory_space<vmem>>, vector<1x16xf32>,
    %swap3A_352 = vector.shape_cast %swap3A_351 : vector<1x16xf32> to vector<16xf32>
    %swap3A_353 = vector.shape_cast %scan3A_322#4 : vector<16xf32> to vector<1x16xf32>
    tpu.vector_store %arg5[%swap3A_349, %swap3A_350], %swap3A_353 {strides = array<i32>} : memref<11x16xf32, #tpu.memory_space<vmem>>, vector<1x16xf32>,
    %swap3A_354 = arith.constant 5 : i32
    %swap3A_355 = arith.index_cast %swap3A_354 : i32 to index
    %swap3A_356 = arith.constant 0 : index
    %swap3A_357 = tpu.vector_load %arg5[%swap3A_355, %swap3A_356] {strides = array<i32>} : memref<11x16xf32, #tpu.memory_space<vmem>>, vector<1x16xf32>,
    %swap3A_358 = vector.shape_cast %swap3A_357 : vector<1x16xf32> to vector<16xf32>
    %swap3A_359 = vector.shape_cast %scan3A_322#5 : vector<16xf32> to vector<1x16xf32>
    tpu.vector_store %arg5[%swap3A_355, %swap3A_356], %swap3A_359 {strides = array<i32>} : memref<11x16xf32, #tpu.memory_space<vmem>>, vector<1x16xf32>,
    %swap3A_360 = arith.constant 6 : i32
    %swap3A_361 = arith.index_cast %swap3A_360 : i32 to index
    %swap3A_362 = arith.constant 0 : index
    %swap3A_363 = tpu.vector_load %arg5[%swap3A_361, %swap3A_362] {strides = array<i32>} : memref<11x16xf32, #tpu.memory_space<vmem>>, vector<1x16xf32>,
    %swap3A_364 = vector.shape_cast %swap3A_363 : vector<1x16xf32> to vector<16xf32>
    %swap3A_365 = vector.shape_cast %scan3A_322#6 : vector<16xf32> to vector<1x16xf32>
    tpu.vector_store %arg5[%swap3A_361, %swap3A_362], %swap3A_365 {strides = array<i32>} : memref<11x16xf32, #tpu.memory_space<vmem>>, vector<1x16xf32>,
    %swap3A_366 = arith.constant 7 : i32
    %swap3A_367 = arith.index_cast %swap3A_366 : i32 to index
    %swap3A_368 = arith.constant 0 : index
    %swap3A_369 = tpu.vector_load %arg5[%swap3A_367, %swap3A_368] {strides = array<i32>} : memref<11x16xf32, #tpu.memory_space<vmem>>, vector<1x16xf32>,
    %swap3A_370 = vector.shape_cast %swap3A_369 : vector<1x16xf32> to vector<16xf32>
    %swap3A_371 = vector.shape_cast %scan3A_322#7 : vector<16xf32> to vector<1x16xf32>
    tpu.vector_store %arg5[%swap3A_367, %swap3A_368], %swap3A_371 {strides = array<i32>} : memref<11x16xf32, #tpu.memory_space<vmem>>, vector<1x16xf32>,
    %swap3A_372 = arith.constant 8 : i32
    %swap3A_373 = arith.index_cast %swap3A_372 : i32 to index
    %swap3A_374 = arith.constant 0 : index
    %swap3A_375 = tpu.vector_load %arg5[%swap3A_373, %swap3A_374] {strides = array<i32>} : memref<11x16xf32, #tpu.memory_space<vmem>>, vector<1x16xf32>,
    %swap3A_376 = vector.shape_cast %swap3A_375 : vector<1x16xf32> to vector<16xf32>
    %swap3A_377 = vector.shape_cast %scan3A_322#8 : vector<16xf32> to vector<1x16xf32>
    tpu.vector_store %arg5[%swap3A_373, %swap3A_374], %swap3A_377 {strides = array<i32>} : memref<11x16xf32, #tpu.memory_space<vmem>>, vector<1x16xf32>,
    %swap3A_378 = arith.constant 9 : i32
    %swap3A_379 = arith.index_cast %swap3A_378 : i32 to index
    %swap3A_380 = arith.constant 0 : index
    %swap3A_381 = tpu.vector_load %arg5[%swap3A_379, %swap3A_380] {strides = array<i32>} : memref<11x16xf32, #tpu.memory_space<vmem>>, vector<1x16xf32>,
    %swap3A_382 = vector.shape_cast %swap3A_381 : vector<1x16xf32> to vector<16xf32>
    %swap3A_383 = vector.shape_cast %scan3A_322#9 : vector<16xf32> to vector<1x16xf32>
    tpu.vector_store %arg5[%swap3A_379, %swap3A_380], %swap3A_383 {strides = array<i32>} : memref<11x16xf32, #tpu.memory_space<vmem>>, vector<1x16xf32>,
    %swap3A_384 = arith.constant 10 : i32
    %swap3A_385 = arith.index_cast %swap3A_384 : i32 to index
    %swap3A_386 = arith.constant 0 : index
    %swap3A_387 = tpu.vector_load %arg5[%swap3A_385, %swap3A_386] {strides = array<i32>} : memref<11x16xf32, #tpu.memory_space<vmem>>, vector<1x16xf32>,
    %swap3A_388 = vector.shape_cast %swap3A_387 : vector<1x16xf32> to vector<16xf32>
    %swap3A_389 = vector.shape_cast %scan3A_322#10 : vector<16xf32> to vector<1x16xf32>
    tpu.vector_store %arg5[%swap3A_385, %swap3A_386], %swap3A_389 {strides = array<i32>} : memref<11x16xf32, #tpu.memory_space<vmem>>, vector<1x16xf32>,
    "tpu.region"() ({
      %run_scoped3A = tpu.sem_alloc : memref<!tpu.dma_semaphore, #tpu.memory_space<semaphore_mem>>
      %dma_start3A = arith.constant 0 : i32
      %dma_start3A_624 = arith.constant 0 : i32
      %dma_start3A_625 = tpu.memref_slice %arg3[%add3A_315, %dma_start3A, %dma_start3A_624] : memref<256x11x16xf32, #tpu.memory_space<hbm>> -> memref<1x11x16xf32, #tpu.memory_space<hbm>>
      %dma_start3A_626 = tpu.memref_squeeze %dma_start3A_625 : memref<1x11x16xf32, #tpu.memory_space<hbm>> -> memref<11x16xf32, #tpu.memory_space<hbm>>
      %dma_start3A_627 = arith.constant 0 : i32
      %dma_start3A_628 = arith.constant 0 : i32
      %dma_start3A_629 = tpu.memref_slice %arg3[%add3A_315, %dma_start3A_627, %dma_start3A_628] : memref<256x11x16xf32, #tpu.memory_space<hbm>> -> memref<1x11x16xf32, #tpu.memory_space<hbm>>
      %dma_start3A_630 = tpu.memref_squeeze %dma_start3A_629 : memref<1x11x16xf32, #tpu.memory_space<hbm>> -> memref<11x16xf32, #tpu.memory_space<hbm>>
      tpu.enqueue_dma source(%arg5 : memref<11x16xf32, #tpu.memory_space<vmem>>) target(%dma_start3A_630 : memref<11x16xf32, #tpu.memory_space<hbm>>) target_semaphore(%run_scoped3A : memref<!tpu.dma_semaphore, #tpu.memory_space<semaphore_mem>>)
      %dma_wait3A = arith.constant 0 : i32
      %dma_wait3A_631 = arith.constant 0 : i32
      %dma_wait3A_632 = tpu.memref_slice %arg3[%add3A_315, %dma_wait3A, %dma_wait3A_631] : memref<256x11x16xf32, #tpu.memory_space<hbm>> -> memref<1x11x16xf32, #tpu.memory_space<hbm>>
      %dma_wait3A_633 = tpu.memref_squeeze %dma_wait3A_632 : memref<1x11x16xf32, #tpu.memory_space<hbm>> -> memref<11x16xf32, #tpu.memory_space<hbm>>
      %dma_wait3A_634 = arith.constant 0 : i32
      %dma_wait3A_635 = arith.constant 0 : i32
      %dma_wait3A_636 = tpu.memref_slice %arg3[%add3A_315, %dma_wait3A_634, %dma_wait3A_635] : memref<256x11x16xf32, #tpu.memory_space<hbm>> -> memref<1x11x16xf32, #tpu.memory_space<hbm>>
      %dma_wait3A_637 = tpu.memref_squeeze %dma_wait3A_636 : memref<1x11x16xf32, #tpu.memory_space<hbm>> -> memref<11x16xf32, #tpu.memory_space<hbm>>
      tpu.wait_dma2 semaphore(%run_scoped3A : memref<!tpu.dma_semaphore, #tpu.memory_space<semaphore_mem>>) src(%arg5 : memref<11x16xf32, #tpu.memory_space<vmem>>) dst(%dma_wait3A_637 : memref<11x16xf32, #tpu.memory_space<hbm>>)
      tpu.yield
    }) : () -> ()
    %mul3A_390 = arith.constant 8 : i32
    %mul3A_391 = arith.muli %add3A, %mul3A_390 : i32
    %add3A_392 = arith.constant 5 : i32
    %add3A_393 = arith.addi %mul3A_391, %add3A_392 : i32
    %mul3A_394 = arith.constant 16 : i32
    %mul3A_395 = arith.muli %add3A_393, %mul3A_394 : i32
    "tpu.region"() ({
      %run_scoped3A = tpu.sem_alloc : memref<!tpu.dma_semaphore, #tpu.memory_space<semaphore_mem>>
      %dma_start3A = arith.constant 0 : i32
      %dma_start3A_624 = tpu.memref_slice %arg2[%dma_start3A, %mul3A_395] : memref<4096x4096xf32, #tpu.memory_space<hbm>> -> memref<4096x16xf32, #tpu.memory_space<hbm>>
      %dma_start3A_625 = arith.constant 0 : i32
      %dma_start3A_626 = tpu.memref_slice %arg2[%dma_start3A_625, %mul3A_395] : memref<4096x4096xf32, #tpu.memory_space<hbm>> -> memref<4096x16xf32, #tpu.memory_space<hbm>>
      tpu.enqueue_dma source(%dma_start3A_626 : memref<4096x16xf32, #tpu.memory_space<hbm>>) target(%arg4 : memref<4096x16xf32, #tpu.memory_space<vmem>>) target_semaphore(%run_scoped3A : memref<!tpu.dma_semaphore, #tpu.memory_space<semaphore_mem>>)
      %dma_wait3A = arith.constant 0 : i32
      %dma_wait3A_627 = tpu.memref_slice %arg2[%dma_wait3A, %mul3A_395] : memref<4096x4096xf32, #tpu.memory_space<hbm>> -> memref<4096x16xf32, #tpu.memory_space<hbm>>
      %dma_wait3A_628 = arith.constant 0 : i32
      %dma_wait3A_629 = tpu.memref_slice %arg2[%dma_wait3A_628, %mul3A_395] : memref<4096x4096xf32, #tpu.memory_space<hbm>> -> memref<4096x16xf32, #tpu.memory_space<hbm>>
      tpu.wait_dma2 semaphore(%run_scoped3A : memref<!tpu.dma_semaphore, #tpu.memory_space<semaphore_mem>>) src(%dma_wait3A_629 : memref<4096x16xf32, #tpu.memory_space<hbm>>) dst(%arg4 : memref<4096x16xf32, #tpu.memory_space<vmem>>)
      tpu.yield
    }) : () -> ()
    %scan3A_396 = arith.constant 0 : i32
    %scan3A_397 = arith.constant 1024 : i32
    %scan3A_398 = arith.addi %scan3A_396, %scan3A_397 : i32
    %scan3A_399 = arith.constant 1 : i32
    %scan3A_400:11 = scf.for %scan3A_624 = %scan3A_396 to %scan3A_398 step %scan3A_399 iter_args(%scan3A_625 = %broadcast_in_dim3A_1, %scan3A_626 = %broadcast_in_dim3A_1, %scan3A_627 = %broadcast_in_dim3A_1, %scan3A_628 = %broadcast_in_dim3A_1, %scan3A_629 = %broadcast_in_dim3A_1, %scan3A_630 = %broadcast_in_dim3A_1, %scan3A_631 = %broadcast_in_dim3A_1, %scan3A_632 = %broadcast_in_dim3A_1, %scan3A_633 = %broadcast_in_dim3A_1, %scan3A_634 = %broadcast_in_dim3A_1, %scan3A_635 = %broadcast_in_dim3A_1) -> (vector<16xf32>, vector<16xf32>, vector<16xf32>, vector<16xf32>, vector<16xf32>, vector<16xf32>, vector<16xf32>, vector<16xf32>, vector<16xf32>, vector<16xf32>, vector<16xf32>)  : i32 {
      %mul3A_636 = arith.constant 4 : i32
      %mul3A_637 = arith.muli %scan3A_624, %mul3A_636 : i32
      %add3A_638 = arith.constant 0 : i32
      %add3A_639 = arith.addi %mul3A_637, %add3A_638 : i32
      %get3A = arith.index_cast %add3A_639 : i32 to index
      %get3A_640 = arith.constant 0 : index
      %get3A_641 = tpu.vector_load %arg4[%get3A, %get3A_640] {strides = array<i32>} : memref<4096x16xf32, #tpu.memory_space<vmem>>, vector<1x16xf32>,
      %get3A_642 = vector.shape_cast %get3A_641 : vector<1x16xf32> to vector<16xf32>
      %min3A = arith.minimumf %scan3A_625, %get3A_642 : vector<16xf32>
      %max3A = arith.maximumf %scan3A_625, %get3A_642 : vector<16xf32>
      %min3A_643 = arith.minimumf %scan3A_626, %max3A : vector<16xf32>
      %max3A_644 = arith.maximumf %scan3A_626, %max3A : vector<16xf32>
      %min3A_645 = arith.minimumf %scan3A_627, %max3A_644 : vector<16xf32>
      %max3A_646 = arith.maximumf %scan3A_627, %max3A_644 : vector<16xf32>
      %min3A_647 = arith.minimumf %scan3A_628, %max3A_646 : vector<16xf32>
      %max3A_648 = arith.maximumf %scan3A_628, %max3A_646 : vector<16xf32>
      %min3A_649 = arith.minimumf %scan3A_629, %max3A_648 : vector<16xf32>
      %max3A_650 = arith.maximumf %scan3A_629, %max3A_648 : vector<16xf32>
      %min3A_651 = arith.minimumf %scan3A_630, %max3A_650 : vector<16xf32>
      %max3A_652 = arith.maximumf %scan3A_630, %max3A_650 : vector<16xf32>
      %min3A_653 = arith.minimumf %scan3A_631, %max3A_652 : vector<16xf32>
      %max3A_654 = arith.maximumf %scan3A_631, %max3A_652 : vector<16xf32>
      %min3A_655 = arith.minimumf %scan3A_632, %max3A_654 : vector<16xf32>
      %max3A_656 = arith.maximumf %scan3A_632, %max3A_654 : vector<16xf32>
      %min3A_657 = arith.minimumf %scan3A_633, %max3A_656 : vector<16xf32>
      %max3A_658 = arith.maximumf %scan3A_633, %max3A_656 : vector<16xf32>
      %min3A_659 = arith.minimumf %scan3A_634, %max3A_658 : vector<16xf32>
      %max3A_660 = arith.maximumf %scan3A_634, %max3A_658 : vector<16xf32>
      %min3A_661 = arith.minimumf %scan3A_635, %max3A_660 : vector<16xf32>
      %max3A_662 = arith.maximumf %scan3A_635, %max3A_660 : vector<16xf32>
      %mul3A_663 = arith.constant 4 : i32
      %mul3A_664 = arith.muli %scan3A_624, %mul3A_663 : i32
      %add3A_665 = arith.constant 1 : i32
      %add3A_666 = arith.addi %mul3A_664, %add3A_665 : i32
      %get3A_667 = arith.index_cast %add3A_666 : i32 to index
      %get3A_668 = arith.constant 0 : index
      %get3A_669 = tpu.vector_load %arg4[%get3A_667, %get3A_668] {strides = array<i32>} : memref<4096x16xf32, #tpu.memory_space<vmem>>, vector<1x16xf32>,
      %get3A_670 = vector.shape_cast %get3A_669 : vector<1x16xf32> to vector<16xf32>
      %min3A_671 = arith.minimumf %min3A, %get3A_670 : vector<16xf32>
      %max3A_672 = arith.maximumf %min3A, %get3A_670 : vector<16xf32>
      %min3A_673 = arith.minimumf %min3A_643, %max3A_672 : vector<16xf32>
      %max3A_674 = arith.maximumf %min3A_643, %max3A_672 : vector<16xf32>
      %min3A_675 = arith.minimumf %min3A_645, %max3A_674 : vector<16xf32>
      %max3A_676 = arith.maximumf %min3A_645, %max3A_674 : vector<16xf32>
      %min3A_677 = arith.minimumf %min3A_647, %max3A_676 : vector<16xf32>
      %max3A_678 = arith.maximumf %min3A_647, %max3A_676 : vector<16xf32>
      %min3A_679 = arith.minimumf %min3A_649, %max3A_678 : vector<16xf32>
      %max3A_680 = arith.maximumf %min3A_649, %max3A_678 : vector<16xf32>
      %min3A_681 = arith.minimumf %min3A_651, %max3A_680 : vector<16xf32>
      %max3A_682 = arith.maximumf %min3A_651, %max3A_680 : vector<16xf32>
      %min3A_683 = arith.minimumf %min3A_653, %max3A_682 : vector<16xf32>
      %max3A_684 = arith.maximumf %min3A_653, %max3A_682 : vector<16xf32>
      %min3A_685 = arith.minimumf %min3A_655, %max3A_684 : vector<16xf32>
      %max3A_686 = arith.maximumf %min3A_655, %max3A_684 : vector<16xf32>
      %min3A_687 = arith.minimumf %min3A_657, %max3A_686 : vector<16xf32>
      %max3A_688 = arith.maximumf %min3A_657, %max3A_686 : vector<16xf32>
      %min3A_689 = arith.minimumf %min3A_659, %max3A_688 : vector<16xf32>
      %max3A_690 = arith.maximumf %min3A_659, %max3A_688 : vector<16xf32>
      %min3A_691 = arith.minimumf %min3A_661, %max3A_690 : vector<16xf32>
      %max3A_692 = arith.maximumf %min3A_661, %max3A_690 : vector<16xf32>
      %mul3A_693 = arith.constant 4 : i32
      %mul3A_694 = arith.muli %scan3A_624, %mul3A_693 : i32
      %add3A_695 = arith.constant 2 : i32
      %add3A_696 = arith.addi %mul3A_694, %add3A_695 : i32
      %get3A_697 = arith.index_cast %add3A_696 : i32 to index
      %get3A_698 = arith.constant 0 : index
      %get3A_699 = tpu.vector_load %arg4[%get3A_697, %get3A_698] {strides = array<i32>} : memref<4096x16xf32, #tpu.memory_space<vmem>>, vector<1x16xf32>,
      %get3A_700 = vector.shape_cast %get3A_699 : vector<1x16xf32> to vector<16xf32>
      %min3A_701 = arith.minimumf %min3A_671, %get3A_700 : vector<16xf32>
      %max3A_702 = arith.maximumf %min3A_671, %get3A_700 : vector<16xf32>
      %min3A_703 = arith.minimumf %min3A_673, %max3A_702 : vector<16xf32>
      %max3A_704 = arith.maximumf %min3A_673, %max3A_702 : vector<16xf32>
      %min3A_705 = arith.minimumf %min3A_675, %max3A_704 : vector<16xf32>
      %max3A_706 = arith.maximumf %min3A_675, %max3A_704 : vector<16xf32>
      %min3A_707 = arith.minimumf %min3A_677, %max3A_706 : vector<16xf32>
      %max3A_708 = arith.maximumf %min3A_677, %max3A_706 : vector<16xf32>
      %min3A_709 = arith.minimumf %min3A_679, %max3A_708 : vector<16xf32>
      %max3A_710 = arith.maximumf %min3A_679, %max3A_708 : vector<16xf32>
      %min3A_711 = arith.minimumf %min3A_681, %max3A_710 : vector<16xf32>
      %max3A_712 = arith.maximumf %min3A_681, %max3A_710 : vector<16xf32>
      %min3A_713 = arith.minimumf %min3A_683, %max3A_712 : vector<16xf32>
      %max3A_714 = arith.maximumf %min3A_683, %max3A_712 : vector<16xf32>
      %min3A_715 = arith.minimumf %min3A_685, %max3A_714 : vector<16xf32>
      %max3A_716 = arith.maximumf %min3A_685, %max3A_714 : vector<16xf32>
      %min3A_717 = arith.minimumf %min3A_687, %max3A_716 : vector<16xf32>
      %max3A_718 = arith.maximumf %min3A_687, %max3A_716 : vector<16xf32>
      %min3A_719 = arith.minimumf %min3A_689, %max3A_718 : vector<16xf32>
      %max3A_720 = arith.maximumf %min3A_689, %max3A_718 : vector<16xf32>
      %min3A_721 = arith.minimumf %min3A_691, %max3A_720 : vector<16xf32>
      %max3A_722 = arith.maximumf %min3A_691, %max3A_720 : vector<16xf32>
      %mul3A_723 = arith.constant 4 : i32
      %mul3A_724 = arith.muli %scan3A_624, %mul3A_723 : i32
      %add3A_725 = arith.constant 3 : i32
      %add3A_726 = arith.addi %mul3A_724, %add3A_725 : i32
      %get3A_727 = arith.index_cast %add3A_726 : i32 to index
      %get3A_728 = arith.constant 0 : index
      %get3A_729 = tpu.vector_load %arg4[%get3A_727, %get3A_728] {strides = array<i32>} : memref<4096x16xf32, #tpu.memory_space<vmem>>, vector<1x16xf32>,
      %get3A_730 = vector.shape_cast %get3A_729 : vector<1x16xf32> to vector<16xf32>
      %min3A_731 = arith.minimumf %min3A_701, %get3A_730 : vector<16xf32>
      %max3A_732 = arith.maximumf %min3A_701, %get3A_730 : vector<16xf32>
      %min3A_733 = arith.minimumf %min3A_703, %max3A_732 : vector<16xf32>
      %max3A_734 = arith.maximumf %min3A_703, %max3A_732 : vector<16xf32>
      %min3A_735 = arith.minimumf %min3A_705, %max3A_734 : vector<16xf32>
      %max3A_736 = arith.maximumf %min3A_705, %max3A_734 : vector<16xf32>
      %min3A_737 = arith.minimumf %min3A_707, %max3A_736 : vector<16xf32>
      %max3A_738 = arith.maximumf %min3A_707, %max3A_736 : vector<16xf32>
      %min3A_739 = arith.minimumf %min3A_709, %max3A_738 : vector<16xf32>
      %max3A_740 = arith.maximumf %min3A_709, %max3A_738 : vector<16xf32>
      %min3A_741 = arith.minimumf %min3A_711, %max3A_740 : vector<16xf32>
      %max3A_742 = arith.maximumf %min3A_711, %max3A_740 : vector<16xf32>
      %min3A_743 = arith.minimumf %min3A_713, %max3A_742 : vector<16xf32>
      %max3A_744 = arith.maximumf %min3A_713, %max3A_742 : vector<16xf32>
      %min3A_745 = arith.minimumf %min3A_715, %max3A_744 : vector<16xf32>
      %max3A_746 = arith.maximumf %min3A_715, %max3A_744 : vector<16xf32>
      %min3A_747 = arith.minimumf %min3A_717, %max3A_746 : vector<16xf32>
      %max3A_748 = arith.maximumf %min3A_717, %max3A_746 : vector<16xf32>
      %min3A_749 = arith.minimumf %min3A_719, %max3A_748 : vector<16xf32>
      %max3A_750 = arith.maximumf %min3A_719, %max3A_748 : vector<16xf32>
      %min3A_751 = arith.minimumf %min3A_721, %max3A_750 : vector<16xf32>
      %max3A_752 = arith.maximumf %min3A_721, %max3A_750 : vector<16xf32>
      scf.yield %min3A_731, %min3A_733, %min3A_735, %min3A_737, %min3A_739, %min3A_741, %min3A_743, %min3A_745, %min3A_747, %min3A_749, %min3A_751 : vector<16xf32>, vector<16xf32>, vector<16xf32>, vector<16xf32>, vector<16xf32>, vector<16xf32>, vector<16xf32>, vector<16xf32>, vector<16xf32>, vector<16xf32>, vector<16xf32>
    }
    %scan3A_401 = arith.constant 1024 : i32
    %swap3A_402 = arith.constant 0 : i32
    %swap3A_403 = arith.index_cast %swap3A_402 : i32 to index
    %swap3A_404 = arith.constant 0 : index
    %swap3A_405 = tpu.vector_load %arg5[%swap3A_403, %swap3A_404] {strides = array<i32>} : memref<11x16xf32, #tpu.memory_space<vmem>>, vector<1x16xf32>,
    %swap3A_406 = vector.shape_cast %swap3A_405 : vector<1x16xf32> to vector<16xf32>
    %swap3A_407 = vector.shape_cast %scan3A_400#0 : vector<16xf32> to vector<1x16xf32>
    tpu.vector_store %arg5[%swap3A_403, %swap3A_404], %swap3A_407 {strides = array<i32>} : memref<11x16xf32, #tpu.memory_space<vmem>>, vector<1x16xf32>,
    %swap3A_408 = arith.constant 1 : i32
    %swap3A_409 = arith.index_cast %swap3A_408 : i32 to index
    %swap3A_410 = arith.constant 0 : index
    %swap3A_411 = tpu.vector_load %arg5[%swap3A_409, %swap3A_410] {strides = array<i32>} : memref<11x16xf32, #tpu.memory_space<vmem>>, vector<1x16xf32>,
    %swap3A_412 = vector.shape_cast %swap3A_411 : vector<1x16xf32> to vector<16xf32>
    %swap3A_413 = vector.shape_cast %scan3A_400#1 : vector<16xf32> to vector<1x16xf32>
    tpu.vector_store %arg5[%swap3A_409, %swap3A_410], %swap3A_413 {strides = array<i32>} : memref<11x16xf32, #tpu.memory_space<vmem>>, vector<1x16xf32>,
    %swap3A_414 = arith.constant 2 : i32
    %swap3A_415 = arith.index_cast %swap3A_414 : i32 to index
    %swap3A_416 = arith.constant 0 : index
    %swap3A_417 = tpu.vector_load %arg5[%swap3A_415, %swap3A_416] {strides = array<i32>} : memref<11x16xf32, #tpu.memory_space<vmem>>, vector<1x16xf32>,
    %swap3A_418 = vector.shape_cast %swap3A_417 : vector<1x16xf32> to vector<16xf32>
    %swap3A_419 = vector.shape_cast %scan3A_400#2 : vector<16xf32> to vector<1x16xf32>
    tpu.vector_store %arg5[%swap3A_415, %swap3A_416], %swap3A_419 {strides = array<i32>} : memref<11x16xf32, #tpu.memory_space<vmem>>, vector<1x16xf32>,
    %swap3A_420 = arith.constant 3 : i32
    %swap3A_421 = arith.index_cast %swap3A_420 : i32 to index
    %swap3A_422 = arith.constant 0 : index
    %swap3A_423 = tpu.vector_load %arg5[%swap3A_421, %swap3A_422] {strides = array<i32>} : memref<11x16xf32, #tpu.memory_space<vmem>>, vector<1x16xf32>,
    %swap3A_424 = vector.shape_cast %swap3A_423 : vector<1x16xf32> to vector<16xf32>
    %swap3A_425 = vector.shape_cast %scan3A_400#3 : vector<16xf32> to vector<1x16xf32>
    tpu.vector_store %arg5[%swap3A_421, %swap3A_422], %swap3A_425 {strides = array<i32>} : memref<11x16xf32, #tpu.memory_space<vmem>>, vector<1x16xf32>,
    %swap3A_426 = arith.constant 4 : i32
    %swap3A_427 = arith.index_cast %swap3A_426 : i32 to index
    %swap3A_428 = arith.constant 0 : index
    %swap3A_429 = tpu.vector_load %arg5[%swap3A_427, %swap3A_428] {strides = array<i32>} : memref<11x16xf32, #tpu.memory_space<vmem>>, vector<1x16xf32>,
    %swap3A_430 = vector.shape_cast %swap3A_429 : vector<1x16xf32> to vector<16xf32>
    %swap3A_431 = vector.shape_cast %scan3A_400#4 : vector<16xf32> to vector<1x16xf32>
    tpu.vector_store %arg5[%swap3A_427, %swap3A_428], %swap3A_431 {strides = array<i32>} : memref<11x16xf32, #tpu.memory_space<vmem>>, vector<1x16xf32>,
    %swap3A_432 = arith.constant 5 : i32
    %swap3A_433 = arith.index_cast %swap3A_432 : i32 to index
    %swap3A_434 = arith.constant 0 : index
    %swap3A_435 = tpu.vector_load %arg5[%swap3A_433, %swap3A_434] {strides = array<i32>} : memref<11x16xf32, #tpu.memory_space<vmem>>, vector<1x16xf32>,
    %swap3A_436 = vector.shape_cast %swap3A_435 : vector<1x16xf32> to vector<16xf32>
    %swap3A_437 = vector.shape_cast %scan3A_400#5 : vector<16xf32> to vector<1x16xf32>
    tpu.vector_store %arg5[%swap3A_433, %swap3A_434], %swap3A_437 {strides = array<i32>} : memref<11x16xf32, #tpu.memory_space<vmem>>, vector<1x16xf32>,
    %swap3A_438 = arith.constant 6 : i32
    %swap3A_439 = arith.index_cast %swap3A_438 : i32 to index
    %swap3A_440 = arith.constant 0 : index
    %swap3A_441 = tpu.vector_load %arg5[%swap3A_439, %swap3A_440] {strides = array<i32>} : memref<11x16xf32, #tpu.memory_space<vmem>>, vector<1x16xf32>,
    %swap3A_442 = vector.shape_cast %swap3A_441 : vector<1x16xf32> to vector<16xf32>
    %swap3A_443 = vector.shape_cast %scan3A_400#6 : vector<16xf32> to vector<1x16xf32>
    tpu.vector_store %arg5[%swap3A_439, %swap3A_440], %swap3A_443 {strides = array<i32>} : memref<11x16xf32, #tpu.memory_space<vmem>>, vector<1x16xf32>,
    %swap3A_444 = arith.constant 7 : i32
    %swap3A_445 = arith.index_cast %swap3A_444 : i32 to index
    %swap3A_446 = arith.constant 0 : index
    %swap3A_447 = tpu.vector_load %arg5[%swap3A_445, %swap3A_446] {strides = array<i32>} : memref<11x16xf32, #tpu.memory_space<vmem>>, vector<1x16xf32>,
    %swap3A_448 = vector.shape_cast %swap3A_447 : vector<1x16xf32> to vector<16xf32>
    %swap3A_449 = vector.shape_cast %scan3A_400#7 : vector<16xf32> to vector<1x16xf32>
    tpu.vector_store %arg5[%swap3A_445, %swap3A_446], %swap3A_449 {strides = array<i32>} : memref<11x16xf32, #tpu.memory_space<vmem>>, vector<1x16xf32>,
    %swap3A_450 = arith.constant 8 : i32
    %swap3A_451 = arith.index_cast %swap3A_450 : i32 to index
    %swap3A_452 = arith.constant 0 : index
    %swap3A_453 = tpu.vector_load %arg5[%swap3A_451, %swap3A_452] {strides = array<i32>} : memref<11x16xf32, #tpu.memory_space<vmem>>, vector<1x16xf32>,
    %swap3A_454 = vector.shape_cast %swap3A_453 : vector<1x16xf32> to vector<16xf32>
    %swap3A_455 = vector.shape_cast %scan3A_400#8 : vector<16xf32> to vector<1x16xf32>
    tpu.vector_store %arg5[%swap3A_451, %swap3A_452], %swap3A_455 {strides = array<i32>} : memref<11x16xf32, #tpu.memory_space<vmem>>, vector<1x16xf32>,
    %swap3A_456 = arith.constant 9 : i32
    %swap3A_457 = arith.index_cast %swap3A_456 : i32 to index
    %swap3A_458 = arith.constant 0 : index
    %swap3A_459 = tpu.vector_load %arg5[%swap3A_457, %swap3A_458] {strides = array<i32>} : memref<11x16xf32, #tpu.memory_space<vmem>>, vector<1x16xf32>,
    %swap3A_460 = vector.shape_cast %swap3A_459 : vector<1x16xf32> to vector<16xf32>
    %swap3A_461 = vector.shape_cast %scan3A_400#9 : vector<16xf32> to vector<1x16xf32>
    tpu.vector_store %arg5[%swap3A_457, %swap3A_458], %swap3A_461 {strides = array<i32>} : memref<11x16xf32, #tpu.memory_space<vmem>>, vector<1x16xf32>,
    %swap3A_462 = arith.constant 10 : i32
    %swap3A_463 = arith.index_cast %swap3A_462 : i32 to index
    %swap3A_464 = arith.constant 0 : index
    %swap3A_465 = tpu.vector_load %arg5[%swap3A_463, %swap3A_464] {strides = array<i32>} : memref<11x16xf32, #tpu.memory_space<vmem>>, vector<1x16xf32>,
    %swap3A_466 = vector.shape_cast %swap3A_465 : vector<1x16xf32> to vector<16xf32>
    %swap3A_467 = vector.shape_cast %scan3A_400#10 : vector<16xf32> to vector<1x16xf32>
    tpu.vector_store %arg5[%swap3A_463, %swap3A_464], %swap3A_467 {strides = array<i32>} : memref<11x16xf32, #tpu.memory_space<vmem>>, vector<1x16xf32>,
    "tpu.region"() ({
      %run_scoped3A = tpu.sem_alloc : memref<!tpu.dma_semaphore, #tpu.memory_space<semaphore_mem>>
      %dma_start3A = arith.constant 0 : i32
      %dma_start3A_624 = arith.constant 0 : i32
      %dma_start3A_625 = tpu.memref_slice %arg3[%add3A_393, %dma_start3A, %dma_start3A_624] : memref<256x11x16xf32, #tpu.memory_space<hbm>> -> memref<1x11x16xf32, #tpu.memory_space<hbm>>
      %dma_start3A_626 = tpu.memref_squeeze %dma_start3A_625 : memref<1x11x16xf32, #tpu.memory_space<hbm>> -> memref<11x16xf32, #tpu.memory_space<hbm>>
      %dma_start3A_627 = arith.constant 0 : i32
      %dma_start3A_628 = arith.constant 0 : i32
      %dma_start3A_629 = tpu.memref_slice %arg3[%add3A_393, %dma_start3A_627, %dma_start3A_628] : memref<256x11x16xf32, #tpu.memory_space<hbm>> -> memref<1x11x16xf32, #tpu.memory_space<hbm>>
      %dma_start3A_630 = tpu.memref_squeeze %dma_start3A_629 : memref<1x11x16xf32, #tpu.memory_space<hbm>> -> memref<11x16xf32, #tpu.memory_space<hbm>>
      tpu.enqueue_dma source(%arg5 : memref<11x16xf32, #tpu.memory_space<vmem>>) target(%dma_start3A_630 : memref<11x16xf32, #tpu.memory_space<hbm>>) target_semaphore(%run_scoped3A : memref<!tpu.dma_semaphore, #tpu.memory_space<semaphore_mem>>)
      %dma_wait3A = arith.constant 0 : i32
      %dma_wait3A_631 = arith.constant 0 : i32
      %dma_wait3A_632 = tpu.memref_slice %arg3[%add3A_393, %dma_wait3A, %dma_wait3A_631] : memref<256x11x16xf32, #tpu.memory_space<hbm>> -> memref<1x11x16xf32, #tpu.memory_space<hbm>>
      %dma_wait3A_633 = tpu.memref_squeeze %dma_wait3A_632 : memref<1x11x16xf32, #tpu.memory_space<hbm>> -> memref<11x16xf32, #tpu.memory_space<hbm>>
      %dma_wait3A_634 = arith.constant 0 : i32
      %dma_wait3A_635 = arith.constant 0 : i32
      %dma_wait3A_636 = tpu.memref_slice %arg3[%add3A_393, %dma_wait3A_634, %dma_wait3A_635] : memref<256x11x16xf32, #tpu.memory_space<hbm>> -> memref<1x11x16xf32, #tpu.memory_space<hbm>>
      %dma_wait3A_637 = tpu.memref_squeeze %dma_wait3A_636 : memref<1x11x16xf32, #tpu.memory_space<hbm>> -> memref<11x16xf32, #tpu.memory_space<hbm>>
      tpu.wait_dma2 semaphore(%run_scoped3A : memref<!tpu.dma_semaphore, #tpu.memory_space<semaphore_mem>>) src(%arg5 : memref<11x16xf32, #tpu.memory_space<vmem>>) dst(%dma_wait3A_637 : memref<11x16xf32, #tpu.memory_space<hbm>>)
      tpu.yield
    }) : () -> ()
    %mul3A_468 = arith.constant 8 : i32
    %mul3A_469 = arith.muli %add3A, %mul3A_468 : i32
    %add3A_470 = arith.constant 6 : i32
    %add3A_471 = arith.addi %mul3A_469, %add3A_470 : i32
    %mul3A_472 = arith.constant 16 : i32
    %mul3A_473 = arith.muli %add3A_471, %mul3A_472 : i32
    "tpu.region"() ({
      %run_scoped3A = tpu.sem_alloc : memref<!tpu.dma_semaphore, #tpu.memory_space<semaphore_mem>>
      %dma_start3A = arith.constant 0 : i32
      %dma_start3A_624 = tpu.memref_slice %arg2[%dma_start3A, %mul3A_473] : memref<4096x4096xf32, #tpu.memory_space<hbm>> -> memref<4096x16xf32, #tpu.memory_space<hbm>>
      %dma_start3A_625 = arith.constant 0 : i32
      %dma_start3A_626 = tpu.memref_slice %arg2[%dma_start3A_625, %mul3A_473] : memref<4096x4096xf32, #tpu.memory_space<hbm>> -> memref<4096x16xf32, #tpu.memory_space<hbm>>
      tpu.enqueue_dma source(%dma_start3A_626 : memref<4096x16xf32, #tpu.memory_space<hbm>>) target(%arg4 : memref<4096x16xf32, #tpu.memory_space<vmem>>) target_semaphore(%run_scoped3A : memref<!tpu.dma_semaphore, #tpu.memory_space<semaphore_mem>>)
      %dma_wait3A = arith.constant 0 : i32
      %dma_wait3A_627 = tpu.memref_slice %arg2[%dma_wait3A, %mul3A_473] : memref<4096x4096xf32, #tpu.memory_space<hbm>> -> memref<4096x16xf32, #tpu.memory_space<hbm>>
      %dma_wait3A_628 = arith.constant 0 : i32
      %dma_wait3A_629 = tpu.memref_slice %arg2[%dma_wait3A_628, %mul3A_473] : memref<4096x4096xf32, #tpu.memory_space<hbm>> -> memref<4096x16xf32, #tpu.memory_space<hbm>>
      tpu.wait_dma2 semaphore(%run_scoped3A : memref<!tpu.dma_semaphore, #tpu.memory_space<semaphore_mem>>) src(%dma_wait3A_629 : memref<4096x16xf32, #tpu.memory_space<hbm>>) dst(%arg4 : memref<4096x16xf32, #tpu.memory_space<vmem>>)
      tpu.yield
    }) : () -> ()
    %scan3A_474 = arith.constant 0 : i32
    %scan3A_475 = arith.constant 1024 : i32
    %scan3A_476 = arith.addi %scan3A_474, %scan3A_475 : i32
    %scan3A_477 = arith.constant 1 : i32
    %scan3A_478:11 = scf.for %scan3A_624 = %scan3A_474 to %scan3A_476 step %scan3A_477 iter_args(%scan3A_625 = %broadcast_in_dim3A_1, %scan3A_626 = %broadcast_in_dim3A_1, %scan3A_627 = %broadcast_in_dim3A_1, %scan3A_628 = %broadcast_in_dim3A_1, %scan3A_629 = %broadcast_in_dim3A_1, %scan3A_630 = %broadcast_in_dim3A_1, %scan3A_631 = %broadcast_in_dim3A_1, %scan3A_632 = %broadcast_in_dim3A_1, %scan3A_633 = %broadcast_in_dim3A_1, %scan3A_634 = %broadcast_in_dim3A_1, %scan3A_635 = %broadcast_in_dim3A_1) -> (vector<16xf32>, vector<16xf32>, vector<16xf32>, vector<16xf32>, vector<16xf32>, vector<16xf32>, vector<16xf32>, vector<16xf32>, vector<16xf32>, vector<16xf32>, vector<16xf32>)  : i32 {
      %mul3A_636 = arith.constant 4 : i32
      %mul3A_637 = arith.muli %scan3A_624, %mul3A_636 : i32
      %add3A_638 = arith.constant 0 : i32
      %add3A_639 = arith.addi %mul3A_637, %add3A_638 : i32
      %get3A = arith.index_cast %add3A_639 : i32 to index
      %get3A_640 = arith.constant 0 : index
      %get3A_641 = tpu.vector_load %arg4[%get3A, %get3A_640] {strides = array<i32>} : memref<4096x16xf32, #tpu.memory_space<vmem>>, vector<1x16xf32>,
      %get3A_642 = vector.shape_cast %get3A_641 : vector<1x16xf32> to vector<16xf32>
      %min3A = arith.minimumf %scan3A_625, %get3A_642 : vector<16xf32>
      %max3A = arith.maximumf %scan3A_625, %get3A_642 : vector<16xf32>
      %min3A_643 = arith.minimumf %scan3A_626, %max3A : vector<16xf32>
      %max3A_644 = arith.maximumf %scan3A_626, %max3A : vector<16xf32>
      %min3A_645 = arith.minimumf %scan3A_627, %max3A_644 : vector<16xf32>
      %max3A_646 = arith.maximumf %scan3A_627, %max3A_644 : vector<16xf32>
      %min3A_647 = arith.minimumf %scan3A_628, %max3A_646 : vector<16xf32>
      %max3A_648 = arith.maximumf %scan3A_628, %max3A_646 : vector<16xf32>
      %min3A_649 = arith.minimumf %scan3A_629, %max3A_648 : vector<16xf32>
      %max3A_650 = arith.maximumf %scan3A_629, %max3A_648 : vector<16xf32>
      %min3A_651 = arith.minimumf %scan3A_630, %max3A_650 : vector<16xf32>
      %max3A_652 = arith.maximumf %scan3A_630, %max3A_650 : vector<16xf32>
      %min3A_653 = arith.minimumf %scan3A_631, %max3A_652 : vector<16xf32>
      %max3A_654 = arith.maximumf %scan3A_631, %max3A_652 : vector<16xf32>
      %min3A_655 = arith.minimumf %scan3A_632, %max3A_654 : vector<16xf32>
      %max3A_656 = arith.maximumf %scan3A_632, %max3A_654 : vector<16xf32>
      %min3A_657 = arith.minimumf %scan3A_633, %max3A_656 : vector<16xf32>
      %max3A_658 = arith.maximumf %scan3A_633, %max3A_656 : vector<16xf32>
      %min3A_659 = arith.minimumf %scan3A_634, %max3A_658 : vector<16xf32>
      %max3A_660 = arith.maximumf %scan3A_634, %max3A_658 : vector<16xf32>
      %min3A_661 = arith.minimumf %scan3A_635, %max3A_660 : vector<16xf32>
      %max3A_662 = arith.maximumf %scan3A_635, %max3A_660 : vector<16xf32>
      %mul3A_663 = arith.constant 4 : i32
      %mul3A_664 = arith.muli %scan3A_624, %mul3A_663 : i32
      %add3A_665 = arith.constant 1 : i32
      %add3A_666 = arith.addi %mul3A_664, %add3A_665 : i32
      %get3A_667 = arith.index_cast %add3A_666 : i32 to index
      %get3A_668 = arith.constant 0 : index
      %get3A_669 = tpu.vector_load %arg4[%get3A_667, %get3A_668] {strides = array<i32>} : memref<4096x16xf32, #tpu.memory_space<vmem>>, vector<1x16xf32>,
      %get3A_670 = vector.shape_cast %get3A_669 : vector<1x16xf32> to vector<16xf32>
      %min3A_671 = arith.minimumf %min3A, %get3A_670 : vector<16xf32>
      %max3A_672 = arith.maximumf %min3A, %get3A_670 : vector<16xf32>
      %min3A_673 = arith.minimumf %min3A_643, %max3A_672 : vector<16xf32>
      %max3A_674 = arith.maximumf %min3A_643, %max3A_672 : vector<16xf32>
      %min3A_675 = arith.minimumf %min3A_645, %max3A_674 : vector<16xf32>
      %max3A_676 = arith.maximumf %min3A_645, %max3A_674 : vector<16xf32>
      %min3A_677 = arith.minimumf %min3A_647, %max3A_676 : vector<16xf32>
      %max3A_678 = arith.maximumf %min3A_647, %max3A_676 : vector<16xf32>
      %min3A_679 = arith.minimumf %min3A_649, %max3A_678 : vector<16xf32>
      %max3A_680 = arith.maximumf %min3A_649, %max3A_678 : vector<16xf32>
      %min3A_681 = arith.minimumf %min3A_651, %max3A_680 : vector<16xf32>
      %max3A_682 = arith.maximumf %min3A_651, %max3A_680 : vector<16xf32>
      %min3A_683 = arith.minimumf %min3A_653, %max3A_682 : vector<16xf32>
      %max3A_684 = arith.maximumf %min3A_653, %max3A_682 : vector<16xf32>
      %min3A_685 = arith.minimumf %min3A_655, %max3A_684 : vector<16xf32>
      %max3A_686 = arith.maximumf %min3A_655, %max3A_684 : vector<16xf32>
      %min3A_687 = arith.minimumf %min3A_657, %max3A_686 : vector<16xf32>
      %max3A_688 = arith.maximumf %min3A_657, %max3A_686 : vector<16xf32>
      %min3A_689 = arith.minimumf %min3A_659, %max3A_688 : vector<16xf32>
      %max3A_690 = arith.maximumf %min3A_659, %max3A_688 : vector<16xf32>
      %min3A_691 = arith.minimumf %min3A_661, %max3A_690 : vector<16xf32>
      %max3A_692 = arith.maximumf %min3A_661, %max3A_690 : vector<16xf32>
      %mul3A_693 = arith.constant 4 : i32
      %mul3A_694 = arith.muli %scan3A_624, %mul3A_693 : i32
      %add3A_695 = arith.constant 2 : i32
      %add3A_696 = arith.addi %mul3A_694, %add3A_695 : i32
      %get3A_697 = arith.index_cast %add3A_696 : i32 to index
      %get3A_698 = arith.constant 0 : index
      %get3A_699 = tpu.vector_load %arg4[%get3A_697, %get3A_698] {strides = array<i32>} : memref<4096x16xf32, #tpu.memory_space<vmem>>, vector<1x16xf32>,
      %get3A_700 = vector.shape_cast %get3A_699 : vector<1x16xf32> to vector<16xf32>
      %min3A_701 = arith.minimumf %min3A_671, %get3A_700 : vector<16xf32>
      %max3A_702 = arith.maximumf %min3A_671, %get3A_700 : vector<16xf32>
      %min3A_703 = arith.minimumf %min3A_673, %max3A_702 : vector<16xf32>
      %max3A_704 = arith.maximumf %min3A_673, %max3A_702 : vector<16xf32>
      %min3A_705 = arith.minimumf %min3A_675, %max3A_704 : vector<16xf32>
      %max3A_706 = arith.maximumf %min3A_675, %max3A_704 : vector<16xf32>
      %min3A_707 = arith.minimumf %min3A_677, %max3A_706 : vector<16xf32>
      %max3A_708 = arith.maximumf %min3A_677, %max3A_706 : vector<16xf32>
      %min3A_709 = arith.minimumf %min3A_679, %max3A_708 : vector<16xf32>
      %max3A_710 = arith.maximumf %min3A_679, %max3A_708 : vector<16xf32>
      %min3A_711 = arith.minimumf %min3A_681, %max3A_710 : vector<16xf32>
      %max3A_712 = arith.maximumf %min3A_681, %max3A_710 : vector<16xf32>
      %min3A_713 = arith.minimumf %min3A_683, %max3A_712 : vector<16xf32>
      %max3A_714 = arith.maximumf %min3A_683, %max3A_712 : vector<16xf32>
      %min3A_715 = arith.minimumf %min3A_685, %max3A_714 : vector<16xf32>
      %max3A_716 = arith.maximumf %min3A_685, %max3A_714 : vector<16xf32>
      %min3A_717 = arith.minimumf %min3A_687, %max3A_716 : vector<16xf32>
      %max3A_718 = arith.maximumf %min3A_687, %max3A_716 : vector<16xf32>
      %min3A_719 = arith.minimumf %min3A_689, %max3A_718 : vector<16xf32>
      %max3A_720 = arith.maximumf %min3A_689, %max3A_718 : vector<16xf32>
      %min3A_721 = arith.minimumf %min3A_691, %max3A_720 : vector<16xf32>
      %max3A_722 = arith.maximumf %min3A_691, %max3A_720 : vector<16xf32>
      %mul3A_723 = arith.constant 4 : i32
      %mul3A_724 = arith.muli %scan3A_624, %mul3A_723 : i32
      %add3A_725 = arith.constant 3 : i32
      %add3A_726 = arith.addi %mul3A_724, %add3A_725 : i32
      %get3A_727 = arith.index_cast %add3A_726 : i32 to index
      %get3A_728 = arith.constant 0 : index
      %get3A_729 = tpu.vector_load %arg4[%get3A_727, %get3A_728] {strides = array<i32>} : memref<4096x16xf32, #tpu.memory_space<vmem>>, vector<1x16xf32>,
      %get3A_730 = vector.shape_cast %get3A_729 : vector<1x16xf32> to vector<16xf32>
      %min3A_731 = arith.minimumf %min3A_701, %get3A_730 : vector<16xf32>
      %max3A_732 = arith.maximumf %min3A_701, %get3A_730 : vector<16xf32>
      %min3A_733 = arith.minimumf %min3A_703, %max3A_732 : vector<16xf32>
      %max3A_734 = arith.maximumf %min3A_703, %max3A_732 : vector<16xf32>
      %min3A_735 = arith.minimumf %min3A_705, %max3A_734 : vector<16xf32>
      %max3A_736 = arith.maximumf %min3A_705, %max3A_734 : vector<16xf32>
      %min3A_737 = arith.minimumf %min3A_707, %max3A_736 : vector<16xf32>
      %max3A_738 = arith.maximumf %min3A_707, %max3A_736 : vector<16xf32>
      %min3A_739 = arith.minimumf %min3A_709, %max3A_738 : vector<16xf32>
      %max3A_740 = arith.maximumf %min3A_709, %max3A_738 : vector<16xf32>
      %min3A_741 = arith.minimumf %min3A_711, %max3A_740 : vector<16xf32>
      %max3A_742 = arith.maximumf %min3A_711, %max3A_740 : vector<16xf32>
      %min3A_743 = arith.minimumf %min3A_713, %max3A_742 : vector<16xf32>
      %max3A_744 = arith.maximumf %min3A_713, %max3A_742 : vector<16xf32>
      %min3A_745 = arith.minimumf %min3A_715, %max3A_744 : vector<16xf32>
      %max3A_746 = arith.maximumf %min3A_715, %max3A_744 : vector<16xf32>
      %min3A_747 = arith.minimumf %min3A_717, %max3A_746 : vector<16xf32>
      %max3A_748 = arith.maximumf %min3A_717, %max3A_746 : vector<16xf32>
      %min3A_749 = arith.minimumf %min3A_719, %max3A_748 : vector<16xf32>
      %max3A_750 = arith.maximumf %min3A_719, %max3A_748 : vector<16xf32>
      %min3A_751 = arith.minimumf %min3A_721, %max3A_750 : vector<16xf32>
      %max3A_752 = arith.maximumf %min3A_721, %max3A_750 : vector<16xf32>
      scf.yield %min3A_731, %min3A_733, %min3A_735, %min3A_737, %min3A_739, %min3A_741, %min3A_743, %min3A_745, %min3A_747, %min3A_749, %min3A_751 : vector<16xf32>, vector<16xf32>, vector<16xf32>, vector<16xf32>, vector<16xf32>, vector<16xf32>, vector<16xf32>, vector<16xf32>, vector<16xf32>, vector<16xf32>, vector<16xf32>
    }
    %scan3A_479 = arith.constant 1024 : i32
    %swap3A_480 = arith.constant 0 : i32
    %swap3A_481 = arith.index_cast %swap3A_480 : i32 to index
    %swap3A_482 = arith.constant 0 : index
    %swap3A_483 = tpu.vector_load %arg5[%swap3A_481, %swap3A_482] {strides = array<i32>} : memref<11x16xf32, #tpu.memory_space<vmem>>, vector<1x16xf32>,
    %swap3A_484 = vector.shape_cast %swap3A_483 : vector<1x16xf32> to vector<16xf32>
    %swap3A_485 = vector.shape_cast %scan3A_478#0 : vector<16xf32> to vector<1x16xf32>
    tpu.vector_store %arg5[%swap3A_481, %swap3A_482], %swap3A_485 {strides = array<i32>} : memref<11x16xf32, #tpu.memory_space<vmem>>, vector<1x16xf32>,
    %swap3A_486 = arith.constant 1 : i32
    %swap3A_487 = arith.index_cast %swap3A_486 : i32 to index
    %swap3A_488 = arith.constant 0 : index
    %swap3A_489 = tpu.vector_load %arg5[%swap3A_487, %swap3A_488] {strides = array<i32>} : memref<11x16xf32, #tpu.memory_space<vmem>>, vector<1x16xf32>,
    %swap3A_490 = vector.shape_cast %swap3A_489 : vector<1x16xf32> to vector<16xf32>
    %swap3A_491 = vector.shape_cast %scan3A_478#1 : vector<16xf32> to vector<1x16xf32>
    tpu.vector_store %arg5[%swap3A_487, %swap3A_488], %swap3A_491 {strides = array<i32>} : memref<11x16xf32, #tpu.memory_space<vmem>>, vector<1x16xf32>,
    %swap3A_492 = arith.constant 2 : i32
    %swap3A_493 = arith.index_cast %swap3A_492 : i32 to index
    %swap3A_494 = arith.constant 0 : index
    %swap3A_495 = tpu.vector_load %arg5[%swap3A_493, %swap3A_494] {strides = array<i32>} : memref<11x16xf32, #tpu.memory_space<vmem>>, vector<1x16xf32>,
    %swap3A_496 = vector.shape_cast %swap3A_495 : vector<1x16xf32> to vector<16xf32>
    %swap3A_497 = vector.shape_cast %scan3A_478#2 : vector<16xf32> to vector<1x16xf32>
    tpu.vector_store %arg5[%swap3A_493, %swap3A_494], %swap3A_497 {strides = array<i32>} : memref<11x16xf32, #tpu.memory_space<vmem>>, vector<1x16xf32>,
    %swap3A_498 = arith.constant 3 : i32
    %swap3A_499 = arith.index_cast %swap3A_498 : i32 to index
    %swap3A_500 = arith.constant 0 : index
    %swap3A_501 = tpu.vector_load %arg5[%swap3A_499, %swap3A_500] {strides = array<i32>} : memref<11x16xf32, #tpu.memory_space<vmem>>, vector<1x16xf32>,
    %swap3A_502 = vector.shape_cast %swap3A_501 : vector<1x16xf32> to vector<16xf32>
    %swap3A_503 = vector.shape_cast %scan3A_478#3 : vector<16xf32> to vector<1x16xf32>
    tpu.vector_store %arg5[%swap3A_499, %swap3A_500], %swap3A_503 {strides = array<i32>} : memref<11x16xf32, #tpu.memory_space<vmem>>, vector<1x16xf32>,
    %swap3A_504 = arith.constant 4 : i32
    %swap3A_505 = arith.index_cast %swap3A_504 : i32 to index
    %swap3A_506 = arith.constant 0 : index
    %swap3A_507 = tpu.vector_load %arg5[%swap3A_505, %swap3A_506] {strides = array<i32>} : memref<11x16xf32, #tpu.memory_space<vmem>>, vector<1x16xf32>,
    %swap3A_508 = vector.shape_cast %swap3A_507 : vector<1x16xf32> to vector<16xf32>
    %swap3A_509 = vector.shape_cast %scan3A_478#4 : vector<16xf32> to vector<1x16xf32>
    tpu.vector_store %arg5[%swap3A_505, %swap3A_506], %swap3A_509 {strides = array<i32>} : memref<11x16xf32, #tpu.memory_space<vmem>>, vector<1x16xf32>,
    %swap3A_510 = arith.constant 5 : i32
    %swap3A_511 = arith.index_cast %swap3A_510 : i32 to index
    %swap3A_512 = arith.constant 0 : index
    %swap3A_513 = tpu.vector_load %arg5[%swap3A_511, %swap3A_512] {strides = array<i32>} : memref<11x16xf32, #tpu.memory_space<vmem>>, vector<1x16xf32>,
    %swap3A_514 = vector.shape_cast %swap3A_513 : vector<1x16xf32> to vector<16xf32>
    %swap3A_515 = vector.shape_cast %scan3A_478#5 : vector<16xf32> to vector<1x16xf32>
    tpu.vector_store %arg5[%swap3A_511, %swap3A_512], %swap3A_515 {strides = array<i32>} : memref<11x16xf32, #tpu.memory_space<vmem>>, vector<1x16xf32>,
    %swap3A_516 = arith.constant 6 : i32
    %swap3A_517 = arith.index_cast %swap3A_516 : i32 to index
    %swap3A_518 = arith.constant 0 : index
    %swap3A_519 = tpu.vector_load %arg5[%swap3A_517, %swap3A_518] {strides = array<i32>} : memref<11x16xf32, #tpu.memory_space<vmem>>, vector<1x16xf32>,
    %swap3A_520 = vector.shape_cast %swap3A_519 : vector<1x16xf32> to vector<16xf32>
    %swap3A_521 = vector.shape_cast %scan3A_478#6 : vector<16xf32> to vector<1x16xf32>
    tpu.vector_store %arg5[%swap3A_517, %swap3A_518], %swap3A_521 {strides = array<i32>} : memref<11x16xf32, #tpu.memory_space<vmem>>, vector<1x16xf32>,
    %swap3A_522 = arith.constant 7 : i32
    %swap3A_523 = arith.index_cast %swap3A_522 : i32 to index
    %swap3A_524 = arith.constant 0 : index
    %swap3A_525 = tpu.vector_load %arg5[%swap3A_523, %swap3A_524] {strides = array<i32>} : memref<11x16xf32, #tpu.memory_space<vmem>>, vector<1x16xf32>,
    %swap3A_526 = vector.shape_cast %swap3A_525 : vector<1x16xf32> to vector<16xf32>
    %swap3A_527 = vector.shape_cast %scan3A_478#7 : vector<16xf32> to vector<1x16xf32>
    tpu.vector_store %arg5[%swap3A_523, %swap3A_524], %swap3A_527 {strides = array<i32>} : memref<11x16xf32, #tpu.memory_space<vmem>>, vector<1x16xf32>,
    %swap3A_528 = arith.constant 8 : i32
    %swap3A_529 = arith.index_cast %swap3A_528 : i32 to index
    %swap3A_530 = arith.constant 0 : index
    %swap3A_531 = tpu.vector_load %arg5[%swap3A_529, %swap3A_530] {strides = array<i32>} : memref<11x16xf32, #tpu.memory_space<vmem>>, vector<1x16xf32>,
    %swap3A_532 = vector.shape_cast %swap3A_531 : vector<1x16xf32> to vector<16xf32>
    %swap3A_533 = vector.shape_cast %scan3A_478#8 : vector<16xf32> to vector<1x16xf32>
    tpu.vector_store %arg5[%swap3A_529, %swap3A_530], %swap3A_533 {strides = array<i32>} : memref<11x16xf32, #tpu.memory_space<vmem>>, vector<1x16xf32>,
    %swap3A_534 = arith.constant 9 : i32
    %swap3A_535 = arith.index_cast %swap3A_534 : i32 to index
    %swap3A_536 = arith.constant 0 : index
    %swap3A_537 = tpu.vector_load %arg5[%swap3A_535, %swap3A_536] {strides = array<i32>} : memref<11x16xf32, #tpu.memory_space<vmem>>, vector<1x16xf32>,
    %swap3A_538 = vector.shape_cast %swap3A_537 : vector<1x16xf32> to vector<16xf32>
    %swap3A_539 = vector.shape_cast %scan3A_478#9 : vector<16xf32> to vector<1x16xf32>
    tpu.vector_store %arg5[%swap3A_535, %swap3A_536], %swap3A_539 {strides = array<i32>} : memref<11x16xf32, #tpu.memory_space<vmem>>, vector<1x16xf32>,
    %swap3A_540 = arith.constant 10 : i32
    %swap3A_541 = arith.index_cast %swap3A_540 : i32 to index
    %swap3A_542 = arith.constant 0 : index
    %swap3A_543 = tpu.vector_load %arg5[%swap3A_541, %swap3A_542] {strides = array<i32>} : memref<11x16xf32, #tpu.memory_space<vmem>>, vector<1x16xf32>,
    %swap3A_544 = vector.shape_cast %swap3A_543 : vector<1x16xf32> to vector<16xf32>
    %swap3A_545 = vector.shape_cast %scan3A_478#10 : vector<16xf32> to vector<1x16xf32>
    tpu.vector_store %arg5[%swap3A_541, %swap3A_542], %swap3A_545 {strides = array<i32>} : memref<11x16xf32, #tpu.memory_space<vmem>>, vector<1x16xf32>,
    "tpu.region"() ({
      %run_scoped3A = tpu.sem_alloc : memref<!tpu.dma_semaphore, #tpu.memory_space<semaphore_mem>>
      %dma_start3A = arith.constant 0 : i32
      %dma_start3A_624 = arith.constant 0 : i32
      %dma_start3A_625 = tpu.memref_slice %arg3[%add3A_471, %dma_start3A, %dma_start3A_624] : memref<256x11x16xf32, #tpu.memory_space<hbm>> -> memref<1x11x16xf32, #tpu.memory_space<hbm>>
      %dma_start3A_626 = tpu.memref_squeeze %dma_start3A_625 : memref<1x11x16xf32, #tpu.memory_space<hbm>> -> memref<11x16xf32, #tpu.memory_space<hbm>>
      %dma_start3A_627 = arith.constant 0 : i32
      %dma_start3A_628 = arith.constant 0 : i32
      %dma_start3A_629 = tpu.memref_slice %arg3[%add3A_471, %dma_start3A_627, %dma_start3A_628] : memref<256x11x16xf32, #tpu.memory_space<hbm>> -> memref<1x11x16xf32, #tpu.memory_space<hbm>>
      %dma_start3A_630 = tpu.memref_squeeze %dma_start3A_629 : memref<1x11x16xf32, #tpu.memory_space<hbm>> -> memref<11x16xf32, #tpu.memory_space<hbm>>
      tpu.enqueue_dma source(%arg5 : memref<11x16xf32, #tpu.memory_space<vmem>>) target(%dma_start3A_630 : memref<11x16xf32, #tpu.memory_space<hbm>>) target_semaphore(%run_scoped3A : memref<!tpu.dma_semaphore, #tpu.memory_space<semaphore_mem>>)
      %dma_wait3A = arith.constant 0 : i32
      %dma_wait3A_631 = arith.constant 0 : i32
      %dma_wait3A_632 = tpu.memref_slice %arg3[%add3A_471, %dma_wait3A, %dma_wait3A_631] : memref<256x11x16xf32, #tpu.memory_space<hbm>> -> memref<1x11x16xf32, #tpu.memory_space<hbm>>
      %dma_wait3A_633 = tpu.memref_squeeze %dma_wait3A_632 : memref<1x11x16xf32, #tpu.memory_space<hbm>> -> memref<11x16xf32, #tpu.memory_space<hbm>>
      %dma_wait3A_634 = arith.constant 0 : i32
      %dma_wait3A_635 = arith.constant 0 : i32
      %dma_wait3A_636 = tpu.memref_slice %arg3[%add3A_471, %dma_wait3A_634, %dma_wait3A_635] : memref<256x11x16xf32, #tpu.memory_space<hbm>> -> memref<1x11x16xf32, #tpu.memory_space<hbm>>
      %dma_wait3A_637 = tpu.memref_squeeze %dma_wait3A_636 : memref<1x11x16xf32, #tpu.memory_space<hbm>> -> memref<11x16xf32, #tpu.memory_space<hbm>>
      tpu.wait_dma2 semaphore(%run_scoped3A : memref<!tpu.dma_semaphore, #tpu.memory_space<semaphore_mem>>) src(%arg5 : memref<11x16xf32, #tpu.memory_space<vmem>>) dst(%dma_wait3A_637 : memref<11x16xf32, #tpu.memory_space<hbm>>)
      tpu.yield
    }) : () -> ()
    %mul3A_546 = arith.constant 8 : i32
    %mul3A_547 = arith.muli %add3A, %mul3A_546 : i32
    %add3A_548 = arith.constant 7 : i32
    %add3A_549 = arith.addi %mul3A_547, %add3A_548 : i32
    %mul3A_550 = arith.constant 16 : i32
    %mul3A_551 = arith.muli %add3A_549, %mul3A_550 : i32
    "tpu.region"() ({
      %run_scoped3A = tpu.sem_alloc : memref<!tpu.dma_semaphore, #tpu.memory_space<semaphore_mem>>
      %dma_start3A = arith.constant 0 : i32
      %dma_start3A_624 = tpu.memref_slice %arg2[%dma_start3A, %mul3A_551] : memref<4096x4096xf32, #tpu.memory_space<hbm>> -> memref<4096x16xf32, #tpu.memory_space<hbm>>
      %dma_start3A_625 = arith.constant 0 : i32
      %dma_start3A_626 = tpu.memref_slice %arg2[%dma_start3A_625, %mul3A_551] : memref<4096x4096xf32, #tpu.memory_space<hbm>> -> memref<4096x16xf32, #tpu.memory_space<hbm>>
      tpu.enqueue_dma source(%dma_start3A_626 : memref<4096x16xf32, #tpu.memory_space<hbm>>) target(%arg4 : memref<4096x16xf32, #tpu.memory_space<vmem>>) target_semaphore(%run_scoped3A : memref<!tpu.dma_semaphore, #tpu.memory_space<semaphore_mem>>)
      %dma_wait3A = arith.constant 0 : i32
      %dma_wait3A_627 = tpu.memref_slice %arg2[%dma_wait3A, %mul3A_551] : memref<4096x4096xf32, #tpu.memory_space<hbm>> -> memref<4096x16xf32, #tpu.memory_space<hbm>>
      %dma_wait3A_628 = arith.constant 0 : i32
      %dma_wait3A_629 = tpu.memref_slice %arg2[%dma_wait3A_628, %mul3A_551] : memref<4096x4096xf32, #tpu.memory_space<hbm>> -> memref<4096x16xf32, #tpu.memory_space<hbm>>
      tpu.wait_dma2 semaphore(%run_scoped3A : memref<!tpu.dma_semaphore, #tpu.memory_space<semaphore_mem>>) src(%dma_wait3A_629 : memref<4096x16xf32, #tpu.memory_space<hbm>>) dst(%arg4 : memref<4096x16xf32, #tpu.memory_space<vmem>>)
      tpu.yield
    }) : () -> ()
    %scan3A_552 = arith.constant 0 : i32
    %scan3A_553 = arith.constant 1024 : i32
    %scan3A_554 = arith.addi %scan3A_552, %scan3A_553 : i32
    %scan3A_555 = arith.constant 1 : i32
    %scan3A_556:11 = scf.for %scan3A_624 = %scan3A_552 to %scan3A_554 step %scan3A_555 iter_args(%scan3A_625 = %broadcast_in_dim3A_1, %scan3A_626 = %broadcast_in_dim3A_1, %scan3A_627 = %broadcast_in_dim3A_1, %scan3A_628 = %broadcast_in_dim3A_1, %scan3A_629 = %broadcast_in_dim3A_1, %scan3A_630 = %broadcast_in_dim3A_1, %scan3A_631 = %broadcast_in_dim3A_1, %scan3A_632 = %broadcast_in_dim3A_1, %scan3A_633 = %broadcast_in_dim3A_1, %scan3A_634 = %broadcast_in_dim3A_1, %scan3A_635 = %broadcast_in_dim3A_1) -> (vector<16xf32>, vector<16xf32>, vector<16xf32>, vector<16xf32>, vector<16xf32>, vector<16xf32>, vector<16xf32>, vector<16xf32>, vector<16xf32>, vector<16xf32>, vector<16xf32>)  : i32 {
      %mul3A_636 = arith.constant 4 : i32
      %mul3A_637 = arith.muli %scan3A_624, %mul3A_636 : i32
      %add3A_638 = arith.constant 0 : i32
      %add3A_639 = arith.addi %mul3A_637, %add3A_638 : i32
      %get3A = arith.index_cast %add3A_639 : i32 to index
      %get3A_640 = arith.constant 0 : index
      %get3A_641 = tpu.vector_load %arg4[%get3A, %get3A_640] {strides = array<i32>} : memref<4096x16xf32, #tpu.memory_space<vmem>>, vector<1x16xf32>,
      %get3A_642 = vector.shape_cast %get3A_641 : vector<1x16xf32> to vector<16xf32>
      %min3A = arith.minimumf %scan3A_625, %get3A_642 : vector<16xf32>
      %max3A = arith.maximumf %scan3A_625, %get3A_642 : vector<16xf32>
      %min3A_643 = arith.minimumf %scan3A_626, %max3A : vector<16xf32>
      %max3A_644 = arith.maximumf %scan3A_626, %max3A : vector<16xf32>
      %min3A_645 = arith.minimumf %scan3A_627, %max3A_644 : vector<16xf32>
      %max3A_646 = arith.maximumf %scan3A_627, %max3A_644 : vector<16xf32>
      %min3A_647 = arith.minimumf %scan3A_628, %max3A_646 : vector<16xf32>
      %max3A_648 = arith.maximumf %scan3A_628, %max3A_646 : vector<16xf32>
      %min3A_649 = arith.minimumf %scan3A_629, %max3A_648 : vector<16xf32>
      %max3A_650 = arith.maximumf %scan3A_629, %max3A_648 : vector<16xf32>
      %min3A_651 = arith.minimumf %scan3A_630, %max3A_650 : vector<16xf32>
      %max3A_652 = arith.maximumf %scan3A_630, %max3A_650 : vector<16xf32>
      %min3A_653 = arith.minimumf %scan3A_631, %max3A_652 : vector<16xf32>
      %max3A_654 = arith.maximumf %scan3A_631, %max3A_652 : vector<16xf32>
      %min3A_655 = arith.minimumf %scan3A_632, %max3A_654 : vector<16xf32>
      %max3A_656 = arith.maximumf %scan3A_632, %max3A_654 : vector<16xf32>
      %min3A_657 = arith.minimumf %scan3A_633, %max3A_656 : vector<16xf32>
      %max3A_658 = arith.maximumf %scan3A_633, %max3A_656 : vector<16xf32>
      %min3A_659 = arith.minimumf %scan3A_634, %max3A_658 : vector<16xf32>
      %max3A_660 = arith.maximumf %scan3A_634, %max3A_658 : vector<16xf32>
      %min3A_661 = arith.minimumf %scan3A_635, %max3A_660 : vector<16xf32>
      %max3A_662 = arith.maximumf %scan3A_635, %max3A_660 : vector<16xf32>
      %mul3A_663 = arith.constant 4 : i32
      %mul3A_664 = arith.muli %scan3A_624, %mul3A_663 : i32
      %add3A_665 = arith.constant 1 : i32
      %add3A_666 = arith.addi %mul3A_664, %add3A_665 : i32
      %get3A_667 = arith.index_cast %add3A_666 : i32 to index
      %get3A_668 = arith.constant 0 : index
      %get3A_669 = tpu.vector_load %arg4[%get3A_667, %get3A_668] {strides = array<i32>} : memref<4096x16xf32, #tpu.memory_space<vmem>>, vector<1x16xf32>,
      %get3A_670 = vector.shape_cast %get3A_669 : vector<1x16xf32> to vector<16xf32>
      %min3A_671 = arith.minimumf %min3A, %get3A_670 : vector<16xf32>
      %max3A_672 = arith.maximumf %min3A, %get3A_670 : vector<16xf32>
      %min3A_673 = arith.minimumf %min3A_643, %max3A_672 : vector<16xf32>
      %max3A_674 = arith.maximumf %min3A_643, %max3A_672 : vector<16xf32>
      %min3A_675 = arith.minimumf %min3A_645, %max3A_674 : vector<16xf32>
      %max3A_676 = arith.maximumf %min3A_645, %max3A_674 : vector<16xf32>
      %min3A_677 = arith.minimumf %min3A_647, %max3A_676 : vector<16xf32>
      %max3A_678 = arith.maximumf %min3A_647, %max3A_676 : vector<16xf32>
      %min3A_679 = arith.minimumf %min3A_649, %max3A_678 : vector<16xf32>
      %max3A_680 = arith.maximumf %min3A_649, %max3A_678 : vector<16xf32>
      %min3A_681 = arith.minimumf %min3A_651, %max3A_680 : vector<16xf32>
      %max3A_682 = arith.maximumf %min3A_651, %max3A_680 : vector<16xf32>
      %min3A_683 = arith.minimumf %min3A_653, %max3A_682 : vector<16xf32>
      %max3A_684 = arith.maximumf %min3A_653, %max3A_682 : vector<16xf32>
      %min3A_685 = arith.minimumf %min3A_655, %max3A_684 : vector<16xf32>
      %max3A_686 = arith.maximumf %min3A_655, %max3A_684 : vector<16xf32>
      %min3A_687 = arith.minimumf %min3A_657, %max3A_686 : vector<16xf32>
      %max3A_688 = arith.maximumf %min3A_657, %max3A_686 : vector<16xf32>
      %min3A_689 = arith.minimumf %min3A_659, %max3A_688 : vector<16xf32>
      %max3A_690 = arith.maximumf %min3A_659, %max3A_688 : vector<16xf32>
      %min3A_691 = arith.minimumf %min3A_661, %max3A_690 : vector<16xf32>
      %max3A_692 = arith.maximumf %min3A_661, %max3A_690 : vector<16xf32>
      %mul3A_693 = arith.constant 4 : i32
      %mul3A_694 = arith.muli %scan3A_624, %mul3A_693 : i32
      %add3A_695 = arith.constant 2 : i32
      %add3A_696 = arith.addi %mul3A_694, %add3A_695 : i32
      %get3A_697 = arith.index_cast %add3A_696 : i32 to index
      %get3A_698 = arith.constant 0 : index
      %get3A_699 = tpu.vector_load %arg4[%get3A_697, %get3A_698] {strides = array<i32>} : memref<4096x16xf32, #tpu.memory_space<vmem>>, vector<1x16xf32>,
      %get3A_700 = vector.shape_cast %get3A_699 : vector<1x16xf32> to vector<16xf32>
      %min3A_701 = arith.minimumf %min3A_671, %get3A_700 : vector<16xf32>
      %max3A_702 = arith.maximumf %min3A_671, %get3A_700 : vector<16xf32>
      %min3A_703 = arith.minimumf %min3A_673, %max3A_702 : vector<16xf32>
      %max3A_704 = arith.maximumf %min3A_673, %max3A_702 : vector<16xf32>
      %min3A_705 = arith.minimumf %min3A_675, %max3A_704 : vector<16xf32>
      %max3A_706 = arith.maximumf %min3A_675, %max3A_704 : vector<16xf32>
      %min3A_707 = arith.minimumf %min3A_677, %max3A_706 : vector<16xf32>
      %max3A_708 = arith.maximumf %min3A_677, %max3A_706 : vector<16xf32>
      %min3A_709 = arith.minimumf %min3A_679, %max3A_708 : vector<16xf32>
      %max3A_710 = arith.maximumf %min3A_679, %max3A_708 : vector<16xf32>
      %min3A_711 = arith.minimumf %min3A_681, %max3A_710 : vector<16xf32>
      %max3A_712 = arith.maximumf %min3A_681, %max3A_710 : vector<16xf32>
      %min3A_713 = arith.minimumf %min3A_683, %max3A_712 : vector<16xf32>
      %max3A_714 = arith.maximumf %min3A_683, %max3A_712 : vector<16xf32>
      %min3A_715 = arith.minimumf %min3A_685, %max3A_714 : vector<16xf32>
      %max3A_716 = arith.maximumf %min3A_685, %max3A_714 : vector<16xf32>
      %min3A_717 = arith.minimumf %min3A_687, %max3A_716 : vector<16xf32>
      %max3A_718 = arith.maximumf %min3A_687, %max3A_716 : vector<16xf32>
      %min3A_719 = arith.minimumf %min3A_689, %max3A_718 : vector<16xf32>
      %max3A_720 = arith.maximumf %min3A_689, %max3A_718 : vector<16xf32>
      %min3A_721 = arith.minimumf %min3A_691, %max3A_720 : vector<16xf32>
      %max3A_722 = arith.maximumf %min3A_691, %max3A_720 : vector<16xf32>
      %mul3A_723 = arith.constant 4 : i32
      %mul3A_724 = arith.muli %scan3A_624, %mul3A_723 : i32
      %add3A_725 = arith.constant 3 : i32
      %add3A_726 = arith.addi %mul3A_724, %add3A_725 : i32
      %get3A_727 = arith.index_cast %add3A_726 : i32 to index
      %get3A_728 = arith.constant 0 : index
      %get3A_729 = tpu.vector_load %arg4[%get3A_727, %get3A_728] {strides = array<i32>} : memref<4096x16xf32, #tpu.memory_space<vmem>>, vector<1x16xf32>,
      %get3A_730 = vector.shape_cast %get3A_729 : vector<1x16xf32> to vector<16xf32>
      %min3A_731 = arith.minimumf %min3A_701, %get3A_730 : vector<16xf32>
      %max3A_732 = arith.maximumf %min3A_701, %get3A_730 : vector<16xf32>
      %min3A_733 = arith.minimumf %min3A_703, %max3A_732 : vector<16xf32>
      %max3A_734 = arith.maximumf %min3A_703, %max3A_732 : vector<16xf32>
      %min3A_735 = arith.minimumf %min3A_705, %max3A_734 : vector<16xf32>
      %max3A_736 = arith.maximumf %min3A_705, %max3A_734 : vector<16xf32>
      %min3A_737 = arith.minimumf %min3A_707, %max3A_736 : vector<16xf32>
      %max3A_738 = arith.maximumf %min3A_707, %max3A_736 : vector<16xf32>
      %min3A_739 = arith.minimumf %min3A_709, %max3A_738 : vector<16xf32>
      %max3A_740 = arith.maximumf %min3A_709, %max3A_738 : vector<16xf32>
      %min3A_741 = arith.minimumf %min3A_711, %max3A_740 : vector<16xf32>
      %max3A_742 = arith.maximumf %min3A_711, %max3A_740 : vector<16xf32>
      %min3A_743 = arith.minimumf %min3A_713, %max3A_742 : vector<16xf32>
      %max3A_744 = arith.maximumf %min3A_713, %max3A_742 : vector<16xf32>
      %min3A_745 = arith.minimumf %min3A_715, %max3A_744 : vector<16xf32>
      %max3A_746 = arith.maximumf %min3A_715, %max3A_744 : vector<16xf32>
      %min3A_747 = arith.minimumf %min3A_717, %max3A_746 : vector<16xf32>
      %max3A_748 = arith.maximumf %min3A_717, %max3A_746 : vector<16xf32>
      %min3A_749 = arith.minimumf %min3A_719, %max3A_748 : vector<16xf32>
      %max3A_750 = arith.maximumf %min3A_719, %max3A_748 : vector<16xf32>
      %min3A_751 = arith.minimumf %min3A_721, %max3A_750 : vector<16xf32>
      %max3A_752 = arith.maximumf %min3A_721, %max3A_750 : vector<16xf32>
      scf.yield %min3A_731, %min3A_733, %min3A_735, %min3A_737, %min3A_739, %min3A_741, %min3A_743, %min3A_745, %min3A_747, %min3A_749, %min3A_751 : vector<16xf32>, vector<16xf32>, vector<16xf32>, vector<16xf32>, vector<16xf32>, vector<16xf32>, vector<16xf32>, vector<16xf32>, vector<16xf32>, vector<16xf32>, vector<16xf32>
    }
    %scan3A_557 = arith.constant 1024 : i32
    %swap3A_558 = arith.constant 0 : i32
    %swap3A_559 = arith.index_cast %swap3A_558 : i32 to index
    %swap3A_560 = arith.constant 0 : index
    %swap3A_561 = tpu.vector_load %arg5[%swap3A_559, %swap3A_560] {strides = array<i32>} : memref<11x16xf32, #tpu.memory_space<vmem>>, vector<1x16xf32>,
    %swap3A_562 = vector.shape_cast %swap3A_561 : vector<1x16xf32> to vector<16xf32>
    %swap3A_563 = vector.shape_cast %scan3A_556#0 : vector<16xf32> to vector<1x16xf32>
    tpu.vector_store %arg5[%swap3A_559, %swap3A_560], %swap3A_563 {strides = array<i32>} : memref<11x16xf32, #tpu.memory_space<vmem>>, vector<1x16xf32>,
    %swap3A_564 = arith.constant 1 : i32
    %swap3A_565 = arith.index_cast %swap3A_564 : i32 to index
    %swap3A_566 = arith.constant 0 : index
    %swap3A_567 = tpu.vector_load %arg5[%swap3A_565, %swap3A_566] {strides = array<i32>} : memref<11x16xf32, #tpu.memory_space<vmem>>, vector<1x16xf32>,
    %swap3A_568 = vector.shape_cast %swap3A_567 : vector<1x16xf32> to vector<16xf32>
    %swap3A_569 = vector.shape_cast %scan3A_556#1 : vector<16xf32> to vector<1x16xf32>
    tpu.vector_store %arg5[%swap3A_565, %swap3A_566], %swap3A_569 {strides = array<i32>} : memref<11x16xf32, #tpu.memory_space<vmem>>, vector<1x16xf32>,
    %swap3A_570 = arith.constant 2 : i32
    %swap3A_571 = arith.index_cast %swap3A_570 : i32 to index
    %swap3A_572 = arith.constant 0 : index
    %swap3A_573 = tpu.vector_load %arg5[%swap3A_571, %swap3A_572] {strides = array<i32>} : memref<11x16xf32, #tpu.memory_space<vmem>>, vector<1x16xf32>,
    %swap3A_574 = vector.shape_cast %swap3A_573 : vector<1x16xf32> to vector<16xf32>
    %swap3A_575 = vector.shape_cast %scan3A_556#2 : vector<16xf32> to vector<1x16xf32>
    tpu.vector_store %arg5[%swap3A_571, %swap3A_572], %swap3A_575 {strides = array<i32>} : memref<11x16xf32, #tpu.memory_space<vmem>>, vector<1x16xf32>,
    %swap3A_576 = arith.constant 3 : i32
    %swap3A_577 = arith.index_cast %swap3A_576 : i32 to index
    %swap3A_578 = arith.constant 0 : index
    %swap3A_579 = tpu.vector_load %arg5[%swap3A_577, %swap3A_578] {strides = array<i32>} : memref<11x16xf32, #tpu.memory_space<vmem>>, vector<1x16xf32>,
    %swap3A_580 = vector.shape_cast %swap3A_579 : vector<1x16xf32> to vector<16xf32>
    %swap3A_581 = vector.shape_cast %scan3A_556#3 : vector<16xf32> to vector<1x16xf32>
    tpu.vector_store %arg5[%swap3A_577, %swap3A_578], %swap3A_581 {strides = array<i32>} : memref<11x16xf32, #tpu.memory_space<vmem>>, vector<1x16xf32>,
    %swap3A_582 = arith.constant 4 : i32
    %swap3A_583 = arith.index_cast %swap3A_582 : i32 to index
    %swap3A_584 = arith.constant 0 : index
    %swap3A_585 = tpu.vector_load %arg5[%swap3A_583, %swap3A_584] {strides = array<i32>} : memref<11x16xf32, #tpu.memory_space<vmem>>, vector<1x16xf32>,
    %swap3A_586 = vector.shape_cast %swap3A_585 : vector<1x16xf32> to vector<16xf32>
    %swap3A_587 = vector.shape_cast %scan3A_556#4 : vector<16xf32> to vector<1x16xf32>
    tpu.vector_store %arg5[%swap3A_583, %swap3A_584], %swap3A_587 {strides = array<i32>} : memref<11x16xf32, #tpu.memory_space<vmem>>, vector<1x16xf32>,
    %swap3A_588 = arith.constant 5 : i32
    %swap3A_589 = arith.index_cast %swap3A_588 : i32 to index
    %swap3A_590 = arith.constant 0 : index
    %swap3A_591 = tpu.vector_load %arg5[%swap3A_589, %swap3A_590] {strides = array<i32>} : memref<11x16xf32, #tpu.memory_space<vmem>>, vector<1x16xf32>,
    %swap3A_592 = vector.shape_cast %swap3A_591 : vector<1x16xf32> to vector<16xf32>
    %swap3A_593 = vector.shape_cast %scan3A_556#5 : vector<16xf32> to vector<1x16xf32>
    tpu.vector_store %arg5[%swap3A_589, %swap3A_590], %swap3A_593 {strides = array<i32>} : memref<11x16xf32, #tpu.memory_space<vmem>>, vector<1x16xf32>,
    %swap3A_594 = arith.constant 6 : i32
    %swap3A_595 = arith.index_cast %swap3A_594 : i32 to index
    %swap3A_596 = arith.constant 0 : index
    %swap3A_597 = tpu.vector_load %arg5[%swap3A_595, %swap3A_596] {strides = array<i32>} : memref<11x16xf32, #tpu.memory_space<vmem>>, vector<1x16xf32>,
    %swap3A_598 = vector.shape_cast %swap3A_597 : vector<1x16xf32> to vector<16xf32>
    %swap3A_599 = vector.shape_cast %scan3A_556#6 : vector<16xf32> to vector<1x16xf32>
    tpu.vector_store %arg5[%swap3A_595, %swap3A_596], %swap3A_599 {strides = array<i32>} : memref<11x16xf32, #tpu.memory_space<vmem>>, vector<1x16xf32>,
    %swap3A_600 = arith.constant 7 : i32
    %swap3A_601 = arith.index_cast %swap3A_600 : i32 to index
    %swap3A_602 = arith.constant 0 : index
    %swap3A_603 = tpu.vector_load %arg5[%swap3A_601, %swap3A_602] {strides = array<i32>} : memref<11x16xf32, #tpu.memory_space<vmem>>, vector<1x16xf32>,
    %swap3A_604 = vector.shape_cast %swap3A_603 : vector<1x16xf32> to vector<16xf32>
    %swap3A_605 = vector.shape_cast %scan3A_556#7 : vector<16xf32> to vector<1x16xf32>
    tpu.vector_store %arg5[%swap3A_601, %swap3A_602], %swap3A_605 {strides = array<i32>} : memref<11x16xf32, #tpu.memory_space<vmem>>, vector<1x16xf32>,
    %swap3A_606 = arith.constant 8 : i32
    %swap3A_607 = arith.index_cast %swap3A_606 : i32 to index
    %swap3A_608 = arith.constant 0 : index
    %swap3A_609 = tpu.vector_load %arg5[%swap3A_607, %swap3A_608] {strides = array<i32>} : memref<11x16xf32, #tpu.memory_space<vmem>>, vector<1x16xf32>,
    %swap3A_610 = vector.shape_cast %swap3A_609 : vector<1x16xf32> to vector<16xf32>
    %swap3A_611 = vector.shape_cast %scan3A_556#8 : vector<16xf32> to vector<1x16xf32>
    tpu.vector_store %arg5[%swap3A_607, %swap3A_608], %swap3A_611 {strides = array<i32>} : memref<11x16xf32, #tpu.memory_space<vmem>>, vector<1x16xf32>,
    %swap3A_612 = arith.constant 9 : i32
    %swap3A_613 = arith.index_cast %swap3A_612 : i32 to index
    %swap3A_614 = arith.constant 0 : index
    %swap3A_615 = tpu.vector_load %arg5[%swap3A_613, %swap3A_614] {strides = array<i32>} : memref<11x16xf32, #tpu.memory_space<vmem>>, vector<1x16xf32>,
    %swap3A_616 = vector.shape_cast %swap3A_615 : vector<1x16xf32> to vector<16xf32>
    %swap3A_617 = vector.shape_cast %scan3A_556#9 : vector<16xf32> to vector<1x16xf32>
    tpu.vector_store %arg5[%swap3A_613, %swap3A_614], %swap3A_617 {strides = array<i32>} : memref<11x16xf32, #tpu.memory_space<vmem>>, vector<1x16xf32>,
    %swap3A_618 = arith.constant 10 : i32
    %swap3A_619 = arith.index_cast %swap3A_618 : i32 to index
    %swap3A_620 = arith.constant 0 : index
    %swap3A_621 = tpu.vector_load %arg5[%swap3A_619, %swap3A_620] {strides = array<i32>} : memref<11x16xf32, #tpu.memory_space<vmem>>, vector<1x16xf32>,
    %swap3A_622 = vector.shape_cast %swap3A_621 : vector<1x16xf32> to vector<16xf32>
    %swap3A_623 = vector.shape_cast %scan3A_556#10 : vector<16xf32> to vector<1x16xf32>
    tpu.vector_store %arg5[%swap3A_619, %swap3A_620], %swap3A_623 {strides = array<i32>} : memref<11x16xf32, #tpu.memory_space<vmem>>, vector<1x16xf32>,
    "tpu.region"() ({
      %run_scoped3A = tpu.sem_alloc : memref<!tpu.dma_semaphore, #tpu.memory_space<semaphore_mem>>
      %dma_start3A = arith.constant 0 : i32
      %dma_start3A_624 = arith.constant 0 : i32
      %dma_start3A_625 = tpu.memref_slice %arg3[%add3A_549, %dma_start3A, %dma_start3A_624] : memref<256x11x16xf32, #tpu.memory_space<hbm>> -> memref<1x11x16xf32, #tpu.memory_space<hbm>>
      %dma_start3A_626 = tpu.memref_squeeze %dma_start3A_625 : memref<1x11x16xf32, #tpu.memory_space<hbm>> -> memref<11x16xf32, #tpu.memory_space<hbm>>
      %dma_start3A_627 = arith.constant 0 : i32
      %dma_start3A_628 = arith.constant 0 : i32
      %dma_start3A_629 = tpu.memref_slice %arg3[%add3A_549, %dma_start3A_627, %dma_start3A_628] : memref<256x11x16xf32, #tpu.memory_space<hbm>> -> memref<1x11x16xf32, #tpu.memory_space<hbm>>
      %dma_start3A_630 = tpu.memref_squeeze %dma_start3A_629 : memref<1x11x16xf32, #tpu.memory_space<hbm>> -> memref<11x16xf32, #tpu.memory_space<hbm>>
      tpu.enqueue_dma source(%arg5 : memref<11x16xf32, #tpu.memory_space<vmem>>) target(%dma_start3A_630 : memref<11x16xf32, #tpu.memory_space<hbm>>) target_semaphore(%run_scoped3A : memref<!tpu.dma_semaphore, #tpu.memory_space<semaphore_mem>>)
      %dma_wait3A = arith.constant 0 : i32
      %dma_wait3A_631 = arith.constant 0 : i32
      %dma_wait3A_632 = tpu.memref_slice %arg3[%add3A_549, %dma_wait3A, %dma_wait3A_631] : memref<256x11x16xf32, #tpu.memory_space<hbm>> -> memref<1x11x16xf32, #tpu.memory_space<hbm>>
      %dma_wait3A_633 = tpu.memref_squeeze %dma_wait3A_632 : memref<1x11x16xf32, #tpu.memory_space<hbm>> -> memref<11x16xf32, #tpu.memory_space<hbm>>
      %dma_wait3A_634 = arith.constant 0 : i32
      %dma_wait3A_635 = arith.constant 0 : i32
      %dma_wait3A_636 = tpu.memref_slice %arg3[%add3A_549, %dma_wait3A_634, %dma_wait3A_635] : memref<256x11x16xf32, #tpu.memory_space<hbm>> -> memref<1x11x16xf32, #tpu.memory_space<hbm>>
      %dma_wait3A_637 = tpu.memref_squeeze %dma_wait3A_636 : memref<1x11x16xf32, #tpu.memory_space<hbm>> -> memref<11x16xf32, #tpu.memory_space<hbm>>
      tpu.wait_dma2 semaphore(%run_scoped3A : memref<!tpu.dma_semaphore, #tpu.memory_space<semaphore_mem>>) src(%arg5 : memref<11x16xf32, #tpu.memory_space<vmem>>) dst(%dma_wait3A_637 : memref<11x16xf32, #tpu.memory_space<hbm>>)
      tpu.yield
    }) : () -> ()
    return
  }
}

module attributes {stable_mosaic.version = 14 : i64} {
  func.func @_final_body(%arg0: i32, %arg1: memref<512x11xf32, #tpu.memory_space<vmem>>, %arg2: memref<1x1x512xf32, #tpu.memory_space<vmem>>) attributes {dimension_semantics = [#tpu.dimension_semantics<arbitrary>], iteration_bounds = array<i64: 8>, scalar_prefetch = 0 : i64, scratch_operands = 0 : i64, tpu.core_type = #tpu.core_type<tc>, window_params = [{transform_indices = @transform_0, window_bounds = array<i64: 512, 11>}, {transform_indices = @transform_1, window_bounds = array<i64: 1, 1, 512>}]} {
    %get3A = arith.constant 0 : index
    %get3A_0 = arith.constant 0 : index
    %get3A_1 = vector.load %arg1[%get3A, %get3A_0] : memref<512x11xf32, #tpu.memory_space<vmem>>, vector<512x11xf32>
    %slice3A = vector.extract_strided_slice %get3A_1 {offsets = [0, 1], sizes = [512, 10], strides = [1, 1]} : vector<512x11xf32> to vector<512x10xf32>
    %sqrt3A = math.sqrt %slice3A : vector<512x10xf32>
    %reduce_sum3A = arith.constant dense<0.000000e+00> : vector<512xf32>
    %reduce_sum3A_2 = vector.multi_reduction <add>, %sqrt3A, %reduce_sum3A [1] : vector<512x10xf32> to vector<512xf32>
    %mul3A = arith.constant 1.000000e-01 : f32
    %mul3A_3 = vector.broadcast %mul3A : f32 to vector<512xf32>
    %mul3A_4 = arith.mulf %reduce_sum3A_2, %mul3A_3 : vector<512xf32>
    %log1p3A = math.log1p %mul3A_4 : vector<512xf32>
    %broadcast_in_dim3A = vector.shape_cast %log1p3A : vector<512xf32> to vector<1x1x512xf32>
    %swap3A = arith.constant 0 : index
    %swap3A_5 = arith.constant 0 : index
    %swap3A_6 = arith.constant 0 : index
    %swap3A_7 = vector.load %arg2[%swap3A, %swap3A_5, %swap3A_6] : memref<1x1x512xf32, #tpu.memory_space<vmem>>, vector<1x1x512xf32>
    tpu.vector_store %arg2[%swap3A, %swap3A_5, %swap3A_6], %broadcast_in_dim3A {strides = array<i32>} : memref<1x1x512xf32, #tpu.memory_space<vmem>>, vector<1x1x512xf32>,
    return
  }
  func.func @transform_0(%arg0: i32) -> (i32, i32) {
    %c0_i32 = arith.constant 0 : i32
    %c0_i32_0 = arith.constant 0 : i32
    return %arg0, %c0_i32 : i32, i32
  }
  func.func @transform_1(%arg0: i32) -> (i32, i32, i32) {
    %c0_i32 = arith.constant 0 : i32
    %c0_i32_0 = arith.constant 0 : i32
    %c0_i32_1 = arith.constant 0 : i32
    return %arg0, %c0_i32, %c0_i32_0 : i32, i32, i32
  }
}

module attributes {stable_mosaic.version = 14 : i64} {
  func.func @_dist_body(%arg0: i32, %arg1: memref<512x512xf32, #tpu.memory_space<vmem>>, %arg2: memref<4096x512xf32, #tpu.memory_space<vmem>>, %arg3: memref<512x4096xf32, #tpu.memory_space<vmem>>) attributes {dimension_semantics = [#tpu.dimension_semantics<arbitrary>], iteration_bounds = array<i64: 8>, scalar_prefetch = 0 : i64, scratch_operands = 0 : i64, tpu.core_type = #tpu.core_type<tc>, window_params = [{transform_indices = @transform_0, window_bounds = array<i64: 512, 512>}, {pipeline_mode = #tpu.pipeline_mode<synchronous>, transform_indices = @transform_1, window_bounds = array<i64: 4096, 512>}, {transform_indices = @transform_2, window_bounds = array<i64: 512, 4096>}]} {
    %get3A = arith.constant 0 : index
    %get3A_0 = arith.constant 0 : index
    %get3A_1 = vector.load %arg1[%get3A, %get3A_0] : memref<512x512xf32, #tpu.memory_space<vmem>>, vector<512x512xf32>
    %get3A_2 = arith.constant 0 : index
    %get3A_3 = arith.constant 0 : index
    %get3A_4 = vector.load %arg2[%get3A_2, %get3A_3] : memref<4096x512xf32, #tpu.memory_space<vmem>>, vector<4096x512xf32>
    %mul3A = arith.mulf %get3A_1, %get3A_1 : vector<512x512xf32>
    %reduce_sum3A = arith.constant dense<0.000000e+00> : vector<512xf32>
    %reduce_sum3A_5 = vector.multi_reduction <add>, %mul3A, %reduce_sum3A [1] : vector<512x512xf32> to vector<512xf32>
    %broadcast_in_dim3A = vector.shape_cast %reduce_sum3A_5 : vector<512xf32> to vector<512x1xf32>
    %mul3A_6 = arith.mulf %get3A_4, %get3A_4 : vector<4096x512xf32>
    %reduce_sum3A_7 = arith.constant dense<0.000000e+00> : vector<4096xf32>
    %reduce_sum3A_8 = vector.multi_reduction <add>, %mul3A_6, %reduce_sum3A_7 [1] : vector<4096x512xf32> to vector<4096xf32>
    %broadcast_in_dim3A_9 = vector.shape_cast %reduce_sum3A_8 : vector<4096xf32> to vector<1x4096xf32>
    %convert_element_type3A = arith.truncf %get3A_1 : vector<512x512xf32> to vector<512x512xbf16>
    %convert_element_type3A_10 = arith.truncf %get3A_4 : vector<4096x512xf32> to vector<4096x512xbf16>
    %dot_general3A = arith.constant dense<0.000000e+00> : vector<512x4096xf32>
    %dot_general3A_11 = tpu.matmul %convert_element_type3A, %convert_element_type3A_10, %dot_general3A {dimension_numbers = #tpu.dot_dimension_numbers<[1], [1], [0], [0], [0, 0, 1, 0], [], []>, transpose_lhs_hint = false} : vector<512x512xbf16>, vector<4096x512xbf16>, vector<512x4096xf32> -> vector<512x4096xf32>
    %add3A = vector.broadcast %broadcast_in_dim3A : vector<512x1xf32> to vector<512x4096xf32>
    %add3A_12 = vector.broadcast %broadcast_in_dim3A_9 : vector<1x4096xf32> to vector<512x4096xf32>
    %add3A_13 = arith.addf %add3A, %add3A_12 : vector<512x4096xf32>
    %mul3A_14 = arith.constant 2.000000e+00 : f32
    %mul3A_15 = vector.broadcast %mul3A_14 : f32 to vector<512x4096xf32>
    %mul3A_16 = arith.mulf %mul3A_15, %dot_general3A_11 : vector<512x4096xf32>
    %sub3A = arith.subf %add3A_13, %mul3A_16 : vector<512x4096xf32>
    %max3A = arith.constant 0.000000e+00 : f32
    %max3A_17 = vector.broadcast %max3A : f32 to vector<512x4096xf32>
    %max3A_18 = arith.maximumf %sub3A, %max3A_17 : vector<512x4096xf32>
    %swap3A = arith.constant 0 : index
    %swap3A_19 = arith.constant 0 : index
    %swap3A_20 = vector.load %arg3[%swap3A, %swap3A_19] : memref<512x4096xf32, #tpu.memory_space<vmem>>, vector<512x4096xf32>
    tpu.vector_store %arg3[%swap3A, %swap3A_19], %max3A_18 {strides = array<i32>} : memref<512x4096xf32, #tpu.memory_space<vmem>>, vector<512x4096xf32>,
    return
  }
  func.func @transform_0(%arg0: i32) -> (i32, i32) {
    %c0_i32 = arith.constant 0 : i32
    %c0_i32_0 = arith.constant 0 : i32
    return %arg0, %c0_i32 : i32, i32
  }
  func.func @transform_1(%arg0: i32) -> (i32, i32) {
    %c0_i32 = arith.constant 0 : i32
    %c0_i32_0 = arith.constant 0 : i32
    %c0_i32_1 = arith.constant 0 : i32
    return %c0_i32, %c0_i32_0 : i32, i32
  }
  func.func @transform_2(%arg0: i32) -> (i32, i32) {
    %c0_i32 = arith.constant 0 : i32
    %c0_i32_0 = arith.constant 0 : i32
    return %arg0, %c0_i32 : i32, i32
  }
}

</mosaic_0001>

<sc_bundles>
// kernel: kernel.5.cloned.1.call-start
scs
__scs_entry_jumppad:
0x0: {  	(pc) =	sbr.rel $0x88, $3  }
0x1: {  	(tag) =	ssettag $0x0;
	lr =	simm.s32 $0x1  }
0x2: {  	[smem:$0x3FA0] =	sst lr;
	_ =	strace $0xD0000000  }
0x3: {  	_ = 	snop  }
0x4: {  	_ = 	snop  }
0x5: {  	_ = 	snop  }
0x6: {  	_ = 	snop  }
0x7: {  	_ = 	snop  }
__scs_overlays_trampoline_lowered:
0x8: {  	[smem:$0x3FAF] =	sst s0  }
0x9: {  	[smem:$0x3FB0] =	sst s1  }
0xa: {  	[smem:$0x3FB1] =	sst s2  }
0xb: {  	[smem:$0x3FB2] =	sst s3  }
0xc: {  	[smem:$0x3FB3] =	sst s4  }
0xd: {  	[smem:$0x3FB4] =	sst s5  }
0xe: {  	[smem:$0x3FB5] =	sst s6  }
0xf: {  	[smem:$0x3FB6] =	sst s7  }
0x10: {  	[smem:$0x3FB7] =	sst s8  }
0x11: {  	[smem:$0x3FB8] =	sst s9;
	s0 =	simm.s32 @!p0 $0x0  }
0x12: {  	s1 =	sld [smem:$0x3F9E];
	s0 =	simm.s32 @p0 $0x1  }
0x13: {  	[smem:$0x3FB9] =	sst s0;
	s0 =	simm.s32 @!p1 $0x0  }
0x14: {  	s2 =	sld [smem:$0x3F9D];
	s0 =	simm.s32 @p1 $0x1  }
0x15: {  	[smem:$0x3FBA] =	sst s0;
	s0 =	simm.s32 @!p2 $0x0  }
0x16: {  	s3 =	sld [smem:$0x3FDB];
	s0 =	simm.s32 @p2 $0x1  }
0x17: {  	s4 =	simm.s32 $0x1BF5;
	[smem:$0x3FBC] =	sst s0  }
0x18: {  	s0 =	sld [smem:$0x3F9F];
	_ =	swait.ge [sflag:s4], $0x0  }
0x19: {  	s7 =	sld [smem:$0x3FA0]  }
0x1a: {  	s8 =	sadd.s32 $0xFFFFE003, lr  }
0x1b: {  	s9 =	sadd.s32 $0xFFFFFEF7, lr;
	s5 =	simm.s32 $0xFFFFFFFF;
	p2 =	slt.u32 s8, $0xFFFFF086  }
0x1c: {  	p1 =	slt.u32 s9, $0xF7A;
	s5 =	simm.s32 @!p2 $0x0  }
0x1d: {  	s5 =	simm.s32 @p1 $0x1;
	p0 =	seq.s32 s7, s2  }
0x1e: {  	s7 =	smul.u32 @!p0 $0xF7A, s2;
	p2 =	seq.s32 @!p0 s5, $0x0  }
0x1f: {  	s9 =	smul.u32 $0xF7A, s1;
	s8 =	simm.s32 @!p0 $0x1BF5;
	p2 =	por !p2, p0  }
0x20: {  	[sflag:s8] =	ssyncset.s32 @!p0 $0xFFFFF086;
	s6 =	sadd.s32 @!p0 s3, s7;
	s7 =	simm.s32 @!p0 $0x108  }
0x21: {  	s3 =	sadd.s32 s3, s9;
	s6 =	sadd.s32 @!p0 $0x88, s6;
	s7 =	simm.s32 @p2 $0x1082  }
0x22: {  	[simem:s7], [sflag:s8] =	dma.local @!p0 [hbm:s6], $0xF7A  }
0x23: {  	s9 =	sor.u32 $0xD0000000, s2;
	s6 =	simm.s32 $0x108;
	_ =	swait.ge @!p0 [sflag:s8], $0x0  }
0x24: {  	s3 =	sadd.s32 $0x88, s3;
	s6 =	simm.s32 @!p1 $0x1082;
	[sflag:s4] =	ssyncset.s32 $0xFFFFF086  }
0x25: {  	[simem:s6], [sflag:s4] =	dma.local [hbm:s3], $0xF7A  }
0x26: {  	[smem:$0x3FA0] =	sst s1;
	(tag) =	ssettag s2;
	_ =	strace s9  }
0x27: {  	s1 =	sld [smem:$0x3FB0]  }
0x28: {  	s2 =	sld [smem:$0x3FB1]  }
0x29: {  	s4 =	sld [smem:$0x3FB3]  }
0x2a: {  	p0 =	seq.s32 s5, $0x0;
	s5 =	sld [smem:$0x3FB4]  }
0x2b: {  	s6 =	sld [smem:$0x3FB5]  }
0x2c: {  	s7 =	sld [smem:$0x3FB6]  }
0x2d: {  	s3 =	simm.s32 $0x108;
	s8 =	sld [smem:$0x3FB7]  }
0x2e: {  	s3 =	simm.s32 @!p0 $0x1082;
	s9 =	sld [smem:$0x3FB8]  }
0x2f: {  	lr =	sadd.s32 s0, s3;
	s0 =	sld [smem:$0x3FAF]  }
0x30: {  	s3 =	sld [smem:$0x3FB2]  }
0x31: {  	[smem:$0x3FBB] =	sst s10  }
0x32: {  	s10 =	sld [smem:$0x3FB9];
	_ =	sdelay $0x3  }
0x33: {  	p0 =	seq.s32 s10, $0x1;
	s10 =	sld [smem:$0x3FBB];
	_ =	sdelay $0x3  }
0x34: {  	[smem:$0x3FBB] =	sst s10  }
0x35: {  	s10 =	sld [smem:$0x3FBA];
	_ =	sdelay $0x3  }
0x36: {  	p1 =	seq.s32 s10, $0x1;
	s10 =	sld [smem:$0x3FBB];
	_ =	sdelay $0x3  }
0x37: {  	[smem:$0x3FBB] =	sst s10  }
0x38: {  	s10 =	sld [smem:$0x3FBC]  }
0x39: {  	_ = 	snop;
	(pc) =	sbr.ind lr, $3  }
0x3a: {  	_ = 	snop  }
0x3b: {  	_ = 	snop  }
0x3c: {  	p2 =	seq.s32 s10, $0x1;
	s10 =	sld [smem:$0x3FBB]  }
0x3d: {  	_ =	shalt  }
0x3e: {  	_ =	shalt  }
0x3f: {  	_ =	shalt  }
0x40: {  	_ =	shalt  }
0x41: {  	_ =	shalt  }
0x42: {  	_ =	shalt  }
0x43: {  	_ =	shalt  }
0x44: {  	_ =	shalt  }
0x45: {  	_ =	shalt  }
0x46: {  	_ =	shalt  }
0x47: {  	_ =	shalt  }
0x48: {  	_ =	shalt  }
0x49: {  	_ =	shalt  }
0x4a: {  	_ =	shalt  }
0x4b: {  	_ =	shalt  }
0x4c: {  	_ =	shalt  }
0x4d: {  	_ =	shalt  }
0x4e: {  	_ =	shalt  }
0x4f: {  	_ =	shalt  }
0x50: {  	_ =	shalt  }
0x51: {  	_ =	shalt  }
0x52: {  	_ =	shalt  }
0x53: {  	_ =	shalt  }
0x54: {  	_ =	shalt  }
0x55: {  	_ =	shalt  }
0x56: {  	_ =	shalt  }
0x57: {  	_ =	shalt  }
0x58: {  	_ =	shalt  }
0x59: {  	_ =	shalt  }
0x5a: {  	_ =	shalt  }
0x5b: {  	_ =	shalt  }
0x5c: {  	_ =	shalt  }
0x5d: {  	_ =	shalt  }
0x5e: {  	_ =	shalt  }
0x5f: {  	_ =	shalt  }
0x60: {  	_ =	shalt  }
0x61: {  	_ =	shalt  }
0x62: {  	_ =	shalt  }
0x63: {  	_ =	shalt  }
0x64: {  	_ =	shalt  }
0x65: {  	_ =	shalt  }
0x66: {  	_ =	shalt  }
0x67: {  	_ =	shalt  }
0x68: {  	_ =	shalt  }
0x69: {  	_ =	shalt  }
0x6a: {  	_ =	shalt  }
0x6b: {  	_ =	shalt  }
0x6c: {  	_ =	shalt  }
0x6d: {  	_ =	shalt  }
0x6e: {  	_ =	shalt  }
0x6f: {  	_ =	shalt  }
0x70: {  	_ =	shalt  }
0x71: {  	_ =	shalt  }
0x72: {  	_ =	shalt  }
0x73: {  	_ =	shalt  }
0x74: {  	_ =	shalt  }
0x75: {  	_ =	shalt  }
0x76: {  	_ =	shalt  }
0x77: {  	_ =	shalt  }
0x78: {  	_ =	shalt  }
0x79: {  	_ =	shalt  }
0x7a: {  	_ =	shalt  }
0x7b: {  	_ =	shalt  }
0x7c: {  	_ =	shalt  }
0x7d: {  	_ =	shalt  }
0x7e: {  	_ =	shalt  }
0x7f: {  	_ =	shalt  }
0x80: {  	_ =	shalt  }
0x81: {  	_ =	shalt  }
0x82: {  	_ =	shalt  }
0x83: {  	_ =	shalt  }
0x84: {  	_ =	shalt  }
0x85: {  	_ =	shalt  }
0x86: {  	_ =	shalt  }
0x87: {  	_ =	shalt  }
.Lfunc_end0:
.L_simem_size_0:
called_computation.1_lowered:
.L_overlay_start_0:
0x88: {  	s2 =	sld [smem:$0x3FD9]  }
0x89: {  	s3 =	sld [smem:$0x3FFE];
	_ =	sdelay $0x1  }
0x8a: {  	s1 =	srdreg.scid  }
0x8b: {  	s0 =	sand.u32 $0x1, s1  }
0x8c: {  	s16 =	sshll.u32 s0, $0xA;
	s2 =	sadd.s32 s3, s2  }
0x8d: {  	s2 =	sadd.s32 s2, s16  }
0x8e: {  	[smem:$0x3FC7] =	sst s2  }
0x8f: {  	_ = 	snop  }
0x90: {  	(tm) =	ssettm $0x1  }
0x91: {  	s17 =	sld [smem:$0x3FFB];
	_ =	sdelay $0x3  }
0x92: {  	_ =	strace s17  }
0x93: {  	s2 =	sld [smem:$0x3FFC];
	_ =	sdelay $0x3  }
0x94: {  	_ =	strace s2  }
0x95: {  	s2 =	sld [smem:$0x3FFD];
	_ =	sdelay $0x3  }
0x96: {  	_ =	strace s2  }
0x97: {  	_ =	strace $0x8FFFFFFF  }
0x98: {  	s18 =	sld [smem:$0x3FDB];
	_ =	sdelay $0x1  }
0x99: {  	s19 =	simm.s32 $_scs_section_size  }
0x9a: {  	s4 =	simm.s32 $_size__tile_overlayer_lowered;
	s5 =	simm.s32 $_tile_overlayer_lowered  }
0x9b: {  	s22 =	simm.s32 $0x1BFF;
	s21 =	sshll.u32 s5, $0x1;
	s2 =	sadd.s32 s19, s18  }
0x9c: {  	s6 =	simm.s32 $0x0;
	s20 =	sshll.u32 s4, $0x1;
	s4 =	sadd.s32 s21, s2  }
0x9d: {  	[timem:s6], [sflag:s22] =	dma.local [hbm:s4], s20  }
0x9e: {  	_ =	swait.ge [sflag:s22], s20  }
0x9f: {  	s3 =	ssub.s32 $0x0, s20;
	[sflag:s22] =	ssyncset.done $0x0  }
0xa0: {  	[sflag:s22] =	ssyncadd.s32 s3;
	_ =	sdelay $0x1  }
0xa1: {  	s23 =	simm.s32 $0x1B8B  }
0xa2: {  	_ =	swait.ge [sflag:s23], $0x1  }
0xa3: {  	[sflag:s23] =	ssyncset.done $0x0  }
0xa4: {  	s25 =	simm.s32 $0x1B8E;
	s24 =	sld [smem:$0x3FFE];
	[sflag:s23] =	ssyncadd.s32 $0xFFFFFFFF  }
0xa5: {  	s26 =	simm.s32 $execute0_lowered;
	[smem:$0x3FD2] =	sst s25  }
0xa6: {  	s4 =	sshll.u32 s26, $0x1;
	_ =	strace $0x80000049;
	[dreg:$0x1] =	wrdreg $0xFFFFFFFF  }
0xa7: {  	s28 =	simm.s32 $_size_execute0_lowered;
	s2 =	sadd.s32 s2, s4;
	[dreg:$0x0] =	wrdreg $0x0  }
0xa8: {  	s4 =	sshll.u32 s28, $0x1;
	[dreg:$0x2] =	wrdreg s2  }
0xa9: {  	[dreg:$0x3] =	wrdreg s4  }
0xaa: {  	[dreg:$0x4] =	wrdreg $0xC0  }
0xab: {  	_ =	task [dreg:s6], $0x5FFFF  }
0xac: {  	[dreg:$0x1] =	wrdreg $0xFFFFFFFF  }
0xad: {  	[dreg:$0x0] =	wrdreg $0x60  }
0xae: {  	[dreg:$0x2] =	wrdreg s24  }
0xaf: {  	[dreg:$0x3] =	wrdreg $0x9  }
0xb0: {  	_ =	task.clear_ibuf [dreg:s6], $0x4FFFF;
	_ =	strace $0x90000049  }
0xb1: {  	s29 =	simm.s32 $0x9;
	_ =	strace $0x8000004B  }
0xb2: {  	_ =	swait.ge [sflag:s29], $0x1  }
0xb3: {  	[sflag:s29] =	ssyncadd.s32 $0xFFFFFFFF  }
0xb4: {  	_ =	strace $0x9000004B  }
0xb5: {  	_ =	sfence  }
0xb6: {  	s30 =	sld [smem:$0x0];
	_ =	sdelay $0x2  }
0xb7: {  	s31 =	sshll.u32 s1, $0xD;
	s1 =	sshrl.u32 s1, $0x2  }
0xb8: {  	s3 =	sand.u32 $0x4000, s31;
	s1 =	sadd.s32 s1, s30  }
0xb9: {  	s0 =	sor.u32 s3, s0;
	s1 =	sshll.u32 s1, $0x11  }
0xba: {  	s0 =	sor.u32 s1, s0  }
0xbb: {  	s0 =	sadd.s32 $0x8F2B, s0  }
0xbc: {  	[sflag:s0] =	ssyncadd.remote.s32 $0x1  }
0xbd: {  	_ =	sfence.sel $0xFFFF  }
0xbe: {  	[dreg:$0x0] =	wrdreg $0xFFFFFFFF;
	(pc) =	sbr.abs _section_cstart, $3  }
0xbf: {  	[dreg:$0x1] =	wrdreg $0xFFFFFFFF  }
0xc0: {  	_ =	task.clear_ibuf [dreg:s6], $0x2FFFF;
	_ =	strace $0x9FFFFFFF  }
0xc1: {  	(tm) =	ssettm $0x7FFFFFFF  }
tec
execute0_lowered:
.L_overlay_start_1:
0x0: {  	(tag) =	ssettag $0x1  }
0x1: {  	s3 =	rddreg [dreg:$0x0]  }
0x2: {  	s0 =	rddreg [dreg:$0x1];
	s2 =	simm.s32 $0x0;
	s4 =	srdreg.scid  }
0x3: {  	s1 =	stileid.u32;
	s23 =	simm.s32 $0x10000;
	s24 =	simm.s32 $0x0  }
0x4: {  	[smem:$0x7FF] =	sst s2;
	s4 =	sand.u32 $0x1, s4;
	s6 =	sshll.u32 s1, $0x1  }
0x5: {  	s17 =	sadd.s32 $0x200A00, s3;
	s18 =	sadd.s32 $0xA00, s3;
	s5 =	ssub.s32 $0x2, s4  }
0x6: {  	_ =	strace $0x8000004A;
	s13 =	sor.u32 s4, s6;
	s7 =	sshrl.u32 s5, $0x1  }
0x7: {  	s14 =	sshll.u32 s13, $0x3;
	s25 =	sshll.u32 s13, $0x4;
	s4 =	smul.u32 $0xB0, s13  }
0x8: {  	s21 =	sshllo.u32 s13, $0x3;
	s19 =	ssub.s32 s5, s7;
	s26 =	sor.u32 $0x1, s14  }
0x9: {  	s3 =	sadd.s32 s17, s25;
	s29 =	sor.u32 $0x2, s14;
	s22 =	smul.u32 $0x16, s21  }
0xa: {  	s9 =	sor.u32 $0x3, s14;
	s12 =	sor.u32 $0x4, s14;
	s28 =	smul.u32 $0x16, s26  }
0xb: {  	s30 =	sor.u32 $0x5, s14;
	s14 =	sor.u32 $0x6, s14;
	s8 =	smul.u32 $0x16, s29  }
0xc: {  	s21 =	sshll.u32 s21, $0x1;
	s4 =	sadd.s32 s18, s4;
	s11 =	smul.u32 $0x16, s9  }
0xd: {  	s5 =	sshll.u32 s26, $0x1;
	s15 =	sshll.u32 s12, $0x1;
	s12 =	smul.u32 $0x16, s12  }
0xe: {  	s7 =	sshll.u32 s29, $0x1;
	s10 =	sshll.u32 s9, $0x1;
	s16 =	smul.u32 $0x16, s30  }
0xf: {  	s20 =	smul.u32 $0x16, s14;
	s31 =	sshll.u32 s14, $0x1;
	s19 =	smax.u32 s19, $0x1  }
0x10: {  	s5 =	sadd.s32 s17, s5;
	s7 =	sadd.s32 s17, s7;
	s9 =	sadd.s32 s17, s10  }
0x11: {  	s6 =	sadd.s32 s18, s28;
	s8 =	sadd.s32 s18, s8;
	s10 =	sadd.s32 s18, s11  }
0x12: {  	s11 =	sadd.s32 s17, s15;
	s12 =	sadd.s32 s18, s12;
	s15 =	sshll.u32 s30, $0x1  }
0x13: {  	s14 =	sadd.s32 s18, s16;
	s16 =	sadd.s32 s18, s20;
	s18 =	sadd.s32 s18, s22  }
0x14: {  	s20 =	simm.s32 $0x10;
	s22 =	simm.s32 $0x1;
	s13 =	sadd.s32 s17, s15  }
0x15: {  	s15 =	sadd.s32 s17, s31;
	s17 =	sadd.s32 s17, s21;
	s21 =	simm.s32 $0x1000  }
.LBB2_1:
0x16: {  	[tilespmem:s2], [sflag:$0x1] =	stream.strided.gather [hbm4b:s3+s20], $0x10000, s21, s20, $0x38;
	[tilespmem:$0x100B0] =	vst v63  }
0x17: {  	_ =	swait.ge [sflag:s22], $0x10000  }
0x18: {  	[sflag:s22] =	ssyncset.done $0x0  }
0x19: {  	s25 =	simm.s32 $0x0;
	[sflag:s22] =	ssyncadd.s32 $0xFFFF0000  }
0x1a: {  	v0 =	vld [tilespmem:s25+$0x0]  }
0x1b: {  	v1 =	vld [tilespmem:s25+$0x10];
	_ =	sdelay $0x1  }
0x1c: {  	v2 =	vld [tilespmem:s25+$0x20]  }
0x1d: {  	v5 =	vimm.f32 $+Inf  }
0x1e: {  	v3 =	vmin.f32 v5, v0;
	v0 =	vmax.f32 v5, v0  }
0x1f: {  	v7 =	vld [tilespmem:s25+$0x30];
	v4 =	vmin.f32 v5, v0;
	v0 =	vmax.f32 v5, v0;
	v6 =	vmin.f32 v3, v1  }
0x20: {  	v1 =	vmax.f32 v3, v1;
	v8 =	vmin.f32 v5, v0;
	v0 =	vmax.f32 v5, v0  }
0x21: {  	v3 =	vmin.f32 v4, v1;
	v1 =	vmax.f32 v4, v1;
	v4 =	vmin.f32 v6, v2  }
0x22: {  	v9 =	vmin.f32 v5, v0;
	v10 =	vmax.f32 v5, v0;
	v0 =	vmax.f32 v6, v2  }
0x23: {  	v6 =	vmin.f32 v8, v1;
	v2 =	vmax.f32 v5, v10;
	v11 =	vmin.f32 v3, v0  }
0x24: {  	v3 =	vmax.f32 v3, v0;
	v0 =	vmin.f32 v4, v7;
	v4 =	vmax.f32 v4, v7  }
0x25: {  	v10 =	vmin.f32 v5, v10;
	v7 =	vmin.f32 v5, v2;
	v12 =	vmin.f32 v6, v3  }
0x26: {  	v6 =	vmax.f32 v6, v3;
	v3 =	vmax.f32 v8, v1;
	v1 =	vmin.f32 v11, v4  }
0x27: {  	v2 =	vmax.f32 v5, v2;
	v4 =	vmax.f32 v11, v4;
	v8 =	vmin.f32 v9, v3  }
0x28: {  	v11 =	vmax.f32 v5, v2;
	v9 =	vmax.f32 v9, v3;
	v13 =	vmin.f32 v5, v2  }
0x29: {  	v2 =	vmin.f32 v12, v4;
	v4 =	vmax.f32 v12, v4;
	v3 =	vmin.f32 v8, v6  }
0x2a: {  	v14 =	vmax.f32 v10, v9;
	v6 =	vmax.f32 v8, v6;
	v8 =	vmin.f32 v5, v11  }
0x2b: {  	v11 =	vmax.f32 v5, v11;
	v9 =	vmin.f32 v10, v9;
	v15 =	vmax.f32 v7, v14  }
0x2c: {  	v12 =	vmin.f32 v7, v14;
	v14 =	vmax.f32 v5, v11;
	v16 =	vmax.f32 v3, v4  }
0x2d: {  	v10 =	vmin.f32 v5, v11;
	v18 =	vmin.f32 v9, v6;
	v9 =	vmax.f32 v9, v6  }
0x2e: {  	v7 =	vmin.f32 v5, v14;
	v11 =	vmax.f32 v13, v15;
	v14 =	vmax.f32 v5, v14  }
0x2f: {  	v6 =	vmin.f32 v12, v9;
	v12 =	vmax.f32 v12, v9;
	v13 =	vmin.f32 v13, v15  }
0x30: {  	v17 =	vmin.f32 v8, v11;
	v19 =	vmax.f32 v8, v11;
	v11 =	vmin.f32 v5, v14  }
0x31: {  	v5 =	vmin.f32 v18, v16;
	v8 =	vmin.f32 v10, v19;
	v15 =	vmax.f32 v10, v19  }
0x32: {  	v10 =	vmin.f32 v13, v12;
	v12 =	vmax.f32 v13, v12;
	v9 =	vmin.f32 v7, v15  }
0x33: {  	s25 =	simm.s32 $0x100;
	v13 =	vmin.f32 v17, v12;
	v14 =	vmax.f32 v17, v12;
	v12 =	vmax.f32 v18, v16  }
.LBB2_2:
0x34: {  	s26 =	sshra.s32 s25, $0x2;
	p0 =	sne.s32 s25, $0x3FF00;
	s25 =	sadd.s32 $0x100, s25;
	v7 =	vmax.f32 v7, v15;
	v15 =	vmax.f32 v8, v14;
	v16 =	vmax.f32 v6, v12  }
0x35: {  	v17 =	vld [tilespmem:s26+$0x0];
	v7 =	vmin.f32 v11, v7;
	v11 =	vmax.f32 v9, v15;
	v18 =	vmax.f32 v10, v16  }
0x36: {  	v8 =	vmin.f32 v8, v14;
	v19 =	vld [tilespmem:s26+$0x10];
	v14 =	vmin.f32 v13, v18;
	v13 =	vmax.f32 v13, v18  }
0x37: {  	v9 =	vmin.f32 v9, v15;
	v15 =	vmin.f32 v8, v13;
	v8 =	vmax.f32 v8, v13  }
0x38: {  	v10 =	vmin.f32 v10, v16;
	v13 =	vld [tilespmem:s26+$0x20];
	v16 =	vmin.f32 v9, v8;
	v8 =	vmax.f32 v9, v8  }
0x39: {  	v3 =	vmin.f32 v3, v4;
	v4 =	vmin.f32 v6, v12;
	v7 =	vmin.f32 v7, v11  }
0x3a: {  	v8 =	vmin.f32 v7, v8;
	v6 =	vmin.f32 v0, v17;
	v0 =	vmax.f32 v0, v17  }
0x3b: {  	v7 =	vmin.f32 v1, v0;
	v0 =	vmax.f32 v1, v0;
	v1 =	vmin.f32 v6, v19;
	v9 =	vld [tilespmem:s26+$0x30]  }
0x3c: {  	v11 =	vmin.f32 v2, v0;
	v0 =	vmax.f32 v2, v0;
	v2 =	vmax.f32 v6, v19  }
0x3d: {  	v6 =	vmin.f32 v7, v2;
	v2 =	vmax.f32 v7, v2;
	v7 =	vmin.f32 v1, v13  }
0x3e: {  	v12 =	vmin.f32 v3, v0;
	v3 =	vmax.f32 v3, v0;
	v0 =	vmax.f32 v1, v13  }
0x3f: {  	v13 =	vmax.f32 v5, v3;
	v1 =	vmin.f32 v11, v2;
	v17 =	vmin.f32 v6, v0  }
0x40: {  	v6 =	vmax.f32 v6, v0;
	v0 =	vmin.f32 v7, v9;
	v7 =	vmax.f32 v7, v9  }
0x41: {  	v18 =	vmin.f32 v1, v6;
	v6 =	vmax.f32 v1, v6;
	v9 =	vmin.f32 v4, v13  }
0x42: {  	v5 =	vmin.f32 v5, v3;
	v2 =	vmax.f32 v11, v2;
	v1 =	vmin.f32 v17, v7  }
0x43: {  	v11 =	vmin.f32 v12, v2;
	v4 =	vmax.f32 v4, v13;
	v7 =	vmax.f32 v17, v7  }
0x44: {  	v12 =	vmax.f32 v12, v2;
	v3 =	vmin.f32 v11, v6;
	v13 =	vmax.f32 v10, v4  }
0x45: {  	v6 =	vmax.f32 v11, v6;
	v10 =	vmin.f32 v10, v4;
	v17 =	vmax.f32 v5, v12  }
0x46: {  	v19 =	vmax.f32 v9, v17;
	v2 =	vmin.f32 v18, v7;
	v4 =	vmax.f32 v18, v7  }
0x47: {  	v11 =	vmin.f32 v14, v13;
	v7 =	vmax.f32 v14, v13;
	v9 =	vmin.f32 v9, v17  }
0x48: {  	v5 =	vmin.f32 v5, v12;
	v13 =	vmax.f32 v15, v7;
	v12 =	vmax.f32 v3, v4  }
0x49: {  	v14 =	vmin.f32 v15, v7;
	v15 =	vmax.f32 v10, v19;
	v7 =	vmin.f32 v16, v13  }
0x4a: {  	v18 =	vmin.f32 v5, v6;
	v5 =	vmax.f32 v5, v6;
	v17 =	vmin.f32 v11, v15  }
.Ltmp0:
0x4b: {  	v6 =	vmin.f32 v9, v5;
	v13 =	vmax.f32 v16, v13;
	v15 =	vmax.f32 v11, v15;
	(pc) =	sbr.rel @p0 .LBB2_2-.Ltmp0, $4  }
0x4c: {  	v11 =	vmin.f32 v8, v13;
	v8 =	vmin.f32 v14, v15;
	v13 =	vmax.f32 v9, v5  }
0x4d: {  	v16 =	vmin.f32 v10, v19;
	v15 =	vmax.f32 v14, v15;
	v5 =	vmin.f32 v18, v12  }
0x4e: {  	v9 =	vmin.f32 v7, v15;
	v10 =	vmin.f32 v16, v13;
	v14 =	vmax.f32 v16, v13  }
0x4f: {  	v12 =	vmax.f32 v18, v12;
	v13 =	vmin.f32 v17, v14;
	v14 =	vmax.f32 v17, v14  }
0x50: {  	[tilespmem:$0x10000] =	vst v0  }
0x51: {  	[tilespmem:$0x10010] =	vst v1  }
0x52: {  	[tilespmem:$0x10020] =	vst v2  }
0x53: {  	v0 =	vmin.f32 v3, v4;
	v1 =	vmax.f32 v7, v15;
	v2 =	vmax.f32 v8, v14;
	[tilespmem:$0x10040] =	vst v5  }
0x54: {  	v3 =	vmin.f32 v6, v12;
	[tilespmem:$0x10030] =	vst v0;
	v0 =	vmax.f32 v6, v12;
	v1 =	vmin.f32 v11, v1  }
0x55: {  	v4 =	vmax.f32 v9, v2;
	[tilespmem:$0x10050] =	vst v3;
	v5 =	vmax.f32 v10, v0;
	v0 =	vmin.f32 v10, v0  }
0x56: {  	v3 =	vmin.f32 v8, v14;
	v6 =	vmin.f32 v13, v5;
	v5 =	vmax.f32 v13, v5;
	[tilespmem:$0x10060] =	vst v0  }
0x57: {  	v0 =	vmin.f32 v9, v2;
	v2 =	vmin.f32 v3, v5;
	v3 =	vmax.f32 v3, v5;
	[tilespmem:$0x10070] =	vst v6  }
0x58: {  	v1 =	vmin.f32 v1, v4;
	v5 =	vmin.f32 v0, v3;
	v0 =	vmax.f32 v0, v3;
	[tilespmem:$0x10080] =	vst v2  }
0x59: {  	v0 =	vmin.f32 v1, v0;
	[tilespmem:$0x10090] =	vst v5  }
0x5a: {  	s25 =	simm.s32 $0x0;
	[tilespmem:$0x100A0] =	vst v0  }
0x5b: {  	[hbm4b:s4+s25] =	stream.linear.scatter [tilespmem:s23], [sflag:$0x1], $0xB0, $0x38;
	[tilespmem:$0x100B0] =	vst v63  }
0x5c: {  	_ =	swait.ge [sflag:s22], $0xB0  }
0x5d: {  	[sflag:s22] =	ssyncset.done $0x0  }
0x5e: {  	[sflag:s22] =	ssyncadd.s32 $0xFFFFFF50  }
0x5f: {  	[tilespmem:s25], [sflag:$0x1] =	stream.strided.gather [hbm4b:s5+s20], $0x10000, s21, s20, $0x38;
	[tilespmem:$0x100B0] =	vst v63  }
0x60: {  	_ =	swait.ge [sflag:s22], $0x10000  }
0x61: {  	[sflag:s22] =	ssyncset.done $0x0  }
0x62: {  	s31 =	simm.s32 $0x0;
	[sflag:s22] =	ssyncadd.s32 $0xFFFF0000  }
0x63: {  	v0 =	vld [tilespmem:s31+$0x0]  }
0x64: {  	v1 =	vld [tilespmem:s31+$0x10];
	_ =	sdelay $0x1  }
0x65: {  	v2 =	vld [tilespmem:s31+$0x20]  }
0x66: {  	v5 =	vimm.f32 $+Inf  }
0x67: {  	v3 =	vmin.f32 v5, v0;
	v0 =	vmax.f32 v5, v0  }
0x68: {  	v7 =	vld [tilespmem:s31+$0x30];
	v4 =	vmin.f32 v5, v0;
	v0 =	vmax.f32 v5, v0;
	v6 =	vmin.f32 v3, v1  }
0x69: {  	v1 =	vmax.f32 v3, v1;
	v8 =	vmin.f32 v5, v0;
	v0 =	vmax.f32 v5, v0  }
0x6a: {  	v3 =	vmin.f32 v4, v1;
	v1 =	vmax.f32 v4, v1;
	v4 =	vmin.f32 v6, v2  }
0x6b: {  	v9 =	vmin.f32 v5, v0;
	v10 =	vmax.f32 v5, v0;
	v0 =	vmax.f32 v6, v2  }
0x6c: {  	v6 =	vmin.f32 v8, v1;
	v2 =	vmax.f32 v5, v10;
	v11 =	vmin.f32 v3, v0  }
0x6d: {  	v3 =	vmax.f32 v3, v0;
	v0 =	vmin.f32 v4, v7;
	v4 =	vmax.f32 v4, v7  }
0x6e: {  	v10 =	vmin.f32 v5, v10;
	v7 =	vmin.f32 v5, v2;
	v12 =	vmin.f32 v6, v3  }
0x6f: {  	v6 =	vmax.f32 v6, v3;
	v3 =	vmax.f32 v8, v1;
	v1 =	vmin.f32 v11, v4  }
0x70: {  	v2 =	vmax.f32 v5, v2;
	v4 =	vmax.f32 v11, v4;
	v8 =	vmin.f32 v9, v3  }
0x71: {  	v11 =	vmax.f32 v5, v2;
	v9 =	vmax.f32 v9, v3;
	v13 =	vmin.f32 v5, v2  }
0x72: {  	v2 =	vmin.f32 v12, v4;
	v4 =	vmax.f32 v12, v4;
	v3 =	vmin.f32 v8, v6  }
0x73: {  	v14 =	vmax.f32 v10, v9;
	v6 =	vmax.f32 v8, v6;
	v8 =	vmin.f32 v5, v11  }
0x74: {  	v11 =	vmax.f32 v5, v11;
	v9 =	vmin.f32 v10, v9;
	v15 =	vmax.f32 v7, v14  }
0x75: {  	v12 =	vmin.f32 v7, v14;
	v14 =	vmax.f32 v5, v11;
	v16 =	vmax.f32 v3, v4  }
0x76: {  	v10 =	vmin.f32 v5, v11;
	v18 =	vmin.f32 v9, v6;
	v9 =	vmax.f32 v9, v6  }
0x77: {  	v7 =	vmin.f32 v5, v14;
	v11 =	vmax.f32 v13, v15;
	v14 =	vmax.f32 v5, v14  }
0x78: {  	v6 =	vmin.f32 v12, v9;
	v12 =	vmax.f32 v12, v9;
	v13 =	vmin.f32 v13, v15  }
0x79: {  	v17 =	vmin.f32 v8, v11;
	v19 =	vmax.f32 v8, v11;
	v11 =	vmin.f32 v5, v14  }
0x7a: {  	v5 =	vmin.f32 v18, v16;
	v8 =	vmin.f32 v10, v19;
	v15 =	vmax.f32 v10, v19  }
0x7b: {  	v10 =	vmin.f32 v13, v12;
	v12 =	vmax.f32 v13, v12;
	v9 =	vmin.f32 v7, v15  }
0x7c: {  	s25 =	simm.s32 $0x100;
	v13 =	vmin.f32 v17, v12;
	v14 =	vmax.f32 v17, v12;
	v12 =	vmax.f32 v18, v16  }
.LBB2_4:
0x7d: {  	s26 =	sshra.s32 s25, $0x2;
	p0 =	sne.s32 s25, $0x3FF00;
	s25 =	sadd.s32 $0x100, s25;
	v7 =	vmax.f32 v7, v15;
	v15 =	vmax.f32 v8, v14;
	v16 =	vmax.f32 v6, v12  }
0x7e: {  	v17 =	vld [tilespmem:s26+$0x0];
	v7 =	vmin.f32 v11, v7;
	v11 =	vmax.f32 v9, v15;
	v18 =	vmax.f32 v10, v16  }
0x7f: {  	v8 =	vmin.f32 v8, v14;
	v19 =	vld [tilespmem:s26+$0x10];
	v14 =	vmin.f32 v13, v18;
	v13 =	vmax.f32 v13, v18  }
0x80: {  	v9 =	vmin.f32 v9, v15;
	v15 =	vmin.f32 v8, v13;
	v8 =	vmax.f32 v8, v13  }
0x81: {  	v10 =	vmin.f32 v10, v16;
	v13 =	vld [tilespmem:s26+$0x20];
	v16 =	vmin.f32 v9, v8;
	v8 =	vmax.f32 v9, v8  }
0x82: {  	v3 =	vmin.f32 v3, v4;
	v4 =	vmin.f32 v6, v12;
	v7 =	vmin.f32 v7, v11  }
0x83: {  	v8 =	vmin.f32 v7, v8;
	v6 =	vmin.f32 v0, v17;
	v0 =	vmax.f32 v0, v17  }
0x84: {  	v7 =	vmin.f32 v1, v0;
	v0 =	vmax.f32 v1, v0;
	v1 =	vmin.f32 v6, v19;
	v9 =	vld [tilespmem:s26+$0x30]  }
0x85: {  	v11 =	vmin.f32 v2, v0;
	v0 =	vmax.f32 v2, v0;
	v2 =	vmax.f32 v6, v19  }
0x86: {  	v6 =	vmin.f32 v7, v2;
	v2 =	vmax.f32 v7, v2;
	v7 =	vmin.f32 v1, v13  }
0x87: {  	v12 =	vmin.f32 v3, v0;
	v3 =	vmax.f32 v3, v0;
	v0 =	vmax.f32 v1, v13  }
0x88: {  	v13 =	vmax.f32 v5, v3;
	v1 =	vmin.f32 v11, v2;
	v17 =	vmin.f32 v6, v0  }
0x89: {  	v6 =	vmax.f32 v6, v0;
	v0 =	vmin.f32 v7, v9;
	v7 =	vmax.f32 v7, v9  }
0x8a: {  	v18 =	vmin.f32 v1, v6;
	v6 =	vmax.f32 v1, v6;
	v9 =	vmin.f32 v4, v13  }
0x8b: {  	v5 =	vmin.f32 v5, v3;
	v2 =	vmax.f32 v11, v2;
	v1 =	vmin.f32 v17, v7  }
0x8c: {  	v11 =	vmin.f32 v12, v2;
	v4 =	vmax.f32 v4, v13;
	v7 =	vmax.f32 v17, v7  }
0x8d: {  	v12 =	vmax.f32 v12, v2;
	v3 =	vmin.f32 v11, v6;
	v13 =	vmax.f32 v10, v4  }
0x8e: {  	v6 =	vmax.f32 v11, v6;
	v10 =	vmin.f32 v10, v4;
	v17 =	vmax.f32 v5, v12  }
0x8f: {  	v19 =	vmax.f32 v9, v17;
	v2 =	vmin.f32 v18, v7;
	v4 =	vmax.f32 v18, v7  }
0x90: {  	v11 =	vmin.f32 v14, v13;
	v7 =	vmax.f32 v14, v13;
	v9 =	vmin.f32 v9, v17  }
0x91: {  	v5 =	vmin.f32 v5, v12;
	v13 =	vmax.f32 v15, v7;
	v12 =	vmax.f32 v3, v4  }
0x92: {  	v14 =	vmin.f32 v15, v7;
	v15 =	vmax.f32 v10, v19;
	v7 =	vmin.f32 v16, v13  }
0x93: {  	v18 =	vmin.f32 v5, v6;
	v5 =	vmax.f32 v5, v6;
	v17 =	vmin.f32 v11, v15  }
.Ltmp1:
0x94: {  	v6 =	vmin.f32 v9, v5;
	v13 =	vmax.f32 v16, v13;
	v15 =	vmax.f32 v11, v15;
	(pc) =	sbr.rel @p0 .LBB2_4-.Ltmp1, $4  }
0x95: {  	v11 =	vmin.f32 v8, v13;
	v8 =	vmin.f32 v14, v15;
	v13 =	vmax.f32 v9, v5  }
0x96: {  	v16 =	vmin.f32 v10, v19;
	v15 =	vmax.f32 v14, v15;
	v5 =	vmin.f32 v18, v12  }
0x97: {  	v9 =	vmin.f32 v7, v15;
	v10 =	vmin.f32 v16, v13;
	v14 =	vmax.f32 v16, v13  }
0x98: {  	v12 =	vmax.f32 v18, v12;
	v13 =	vmin.f32 v17, v14;
	v14 =	vmax.f32 v17, v14  }
0x99: {  	[tilespmem:$0x10000] =	vst v0  }
0x9a: {  	[tilespmem:$0x10010] =	vst v1  }
0x9b: {  	[tilespmem:$0x10020] =	vst v2  }
0x9c: {  	v0 =	vmin.f32 v3, v4;
	v1 =	vmax.f32 v7, v15;
	v2 =	vmax.f32 v8, v14;
	[tilespmem:$0x10040] =	vst v5  }
0x9d: {  	v3 =	vmin.f32 v6, v12;
	[tilespmem:$0x10030] =	vst v0;
	v0 =	vmax.f32 v6, v12;
	v1 =	vmin.f32 v11, v1  }
0x9e: {  	v4 =	vmax.f32 v9, v2;
	[tilespmem:$0x10050] =	vst v3;
	v5 =	vmax.f32 v10, v0;
	v0 =	vmin.f32 v10, v0  }
0x9f: {  	v3 =	vmin.f32 v8, v14;
	v6 =	vmin.f32 v13, v5;
	v5 =	vmax.f32 v13, v5;
	[tilespmem:$0x10060] =	vst v0  }
0xa0: {  	v0 =	vmin.f32 v9, v2;
	v2 =	vmin.f32 v3, v5;
	v3 =	vmax.f32 v3, v5;
	[tilespmem:$0x10070] =	vst v6  }
0xa1: {  	v1 =	vmin.f32 v1, v4;
	v5 =	vmin.f32 v0, v3;
	v0 =	vmax.f32 v0, v3;
	[tilespmem:$0x10080] =	vst v2  }
0xa2: {  	v0 =	vmin.f32 v1, v0;
	[tilespmem:$0x10090] =	vst v5  }
0xa3: {  	s25 =	simm.s32 $0x0;
	[tilespmem:$0x100A0] =	vst v0  }
0xa4: {  	[hbm4b:s6+s25] =	stream.linear.scatter [tilespmem:s23], [sflag:$0x1], $0xB0, $0x38;
	[tilespmem:$0x100B0] =	vst v63  }
0xa5: {  	_ =	swait.ge [sflag:s22], $0xB0  }
0xa6: {  	[sflag:s22] =	ssyncset.done $0x0  }
0xa7: {  	[sflag:s22] =	ssyncadd.s32 $0xFFFFFF50  }
0xa8: {  	[tilespmem:s25], [sflag:$0x1] =	stream.strided.gather [hbm4b:s7+s20], $0x10000, s21, s20, $0x38;
	[tilespmem:$0x100B0] =	vst v63  }
0xa9: {  	_ =	swait.ge [sflag:s22], $0x10000  }
0xaa: {  	[sflag:s22] =	ssyncset.done $0x0  }
0xab: {  	s31 =	simm.s32 $0x0;
	[sflag:s22] =	ssyncadd.s32 $0xFFFF0000  }
0xac: {  	v0 =	vld [tilespmem:s31+$0x0]  }
0xad: {  	v1 =	vld [tilespmem:s31+$0x10];
	_ =	sdelay $0x1  }
0xae: {  	v2 =	vld [tilespmem:s31+$0x20]  }
0xaf: {  	v5 =	vimm.f32 $+Inf  }
0xb0: {  	v3 =	vmin.f32 v5, v0;
	v0 =	vmax.f32 v5, v0  }
0xb1: {  	v7 =	vld [tilespmem:s31+$0x30];
	v4 =	vmin.f32 v5, v0;
	v0 =	vmax.f32 v5, v0;
	v6 =	vmin.f32 v3, v1  }
0xb2: {  	v1 =	vmax.f32 v3, v1;
	v8 =	vmin.f32 v5, v0;
	v0 =	vmax.f32 v5, v0  }
0xb3: {  	v3 =	vmin.f32 v4, v1;
	v1 =	vmax.f32 v4, v1;
	v4 =	vmin.f32 v6, v2  }
0xb4: {  	v9 =	vmin.f32 v5, v0;
	v10 =	vmax.f32 v5, v0;
	v0 =	vmax.f32 v6, v2  }
0xb5: {  	v6 =	vmin.f32 v8, v1;
	v2 =	vmax.f32 v5, v10;
	v11 =	vmin.f32 v3, v0  }
0xb6: {  	v3 =	vmax.f32 v3, v0;
	v0 =	vmin.f32 v4, v7;
	v4 =	vmax.f32 v4, v7  }
0xb7: {  	v10 =	vmin.f32 v5, v10;
	v7 =	vmin.f32 v5, v2;
	v12 =	vmin.f32 v6, v3  }
0xb8: {  	v6 =	vmax.f32 v6, v3;
	v3 =	vmax.f32 v8, v1;
	v1 =	vmin.f32 v11, v4  }
0xb9: {  	v2 =	vmax.f32 v5, v2;
	v4 =	vmax.f32 v11, v4;
	v8 =	vmin.f32 v9, v3  }
0xba: {  	v11 =	vmax.f32 v5, v2;
	v9 =	vmax.f32 v9, v3;
	v13 =	vmin.f32 v5, v2  }
0xbb: {  	v2 =	vmin.f32 v12, v4;
	v4 =	vmax.f32 v12, v4;
	v3 =	vmin.f32 v8, v6  }
0xbc: {  	v14 =	vmax.f32 v10, v9;
	v6 =	vmax.f32 v8, v6;
	v8 =	vmin.f32 v5, v11  }
0xbd: {  	v11 =	vmax.f32 v5, v11;
	v9 =	vmin.f32 v10, v9;
	v15 =	vmax.f32 v7, v14  }
0xbe: {  	v12 =	vmin.f32 v7, v14;
	v14 =	vmax.f32 v5, v11;
	v16 =	vmax.f32 v3, v4  }
0xbf: {  	v10 =	vmin.f32 v5, v11;
	v18 =	vmin.f32 v9, v6;
	v9 =	vmax.f32 v9, v6  }
0xc0: {  	v7 =	vmin.f32 v5, v14;
	v11 =	vmax.f32 v13, v15;
	v14 =	vmax.f32 v5, v14  }
0xc1: {  	v6 =	vmin.f32 v12, v9;
	v12 =	vmax.f32 v12, v9;
	v13 =	vmin.f32 v13, v15  }
0xc2: {  	v17 =	vmin.f32 v8, v11;
	v19 =	vmax.f32 v8, v11;
	v11 =	vmin.f32 v5, v14  }
0xc3: {  	v5 =	vmin.f32 v18, v16;
	v8 =	vmin.f32 v10, v19;
	v15 =	vmax.f32 v10, v19  }
0xc4: {  	v10 =	vmin.f32 v13, v12;
	v12 =	vmax.f32 v13, v12;
	v9 =	vmin.f32 v7, v15  }
0xc5: {  	s25 =	simm.s32 $0x100;
	v13 =	vmin.f32 v17, v12;
	v14 =	vmax.f32 v17, v12;
	v12 =	vmax.f32 v18, v16  }
.LBB2_6:
0xc6: {  	s26 =	sshra.s32 s25, $0x2;
	p0 =	sne.s32 s25, $0x3FF00;
	s25 =	sadd.s32 $0x100, s25;
	v7 =	vmax.f32 v7, v15;
	v15 =	vmax.f32 v8, v14;
	v16 =	vmax.f32 v6, v12  }
0xc7: {  	v17 =	vld [tilespmem:s26+$0x0];
	v7 =	vmin.f32 v11, v7;
	v11 =	vmax.f32 v9, v15;
	v18 =	vmax.f32 v10, v16  }
0xc8: {  	v8 =	vmin.f32 v8, v14;
	v19 =	vld [tilespmem:s26+$0x10];
	v14 =	vmin.f32 v13, v18;
	v13 =	vmax.f32 v13, v18  }
0xc9: {  	v9 =	vmin.f32 v9, v15;
	v15 =	vmin.f32 v8, v13;
	v8 =	vmax.f32 v8, v13  }
0xca: {  	v10 =	vmin.f32 v10, v16;
	v13 =	vld [tilespmem:s26+$0x20];
	v16 =	vmin.f32 v9, v8;
	v8 =	vmax.f32 v9, v8  }
0xcb: {  	v3 =	vmin.f32 v3, v4;
	v4 =	vmin.f32 v6, v12;
	v7 =	vmin.f32 v7, v11  }
0xcc: {  	v8 =	vmin.f32 v7, v8;
	v6 =	vmin.f32 v0, v17;
	v0 =	vmax.f32 v0, v17  }
0xcd: {  	v7 =	vmin.f32 v1, v0;
	v0 =	vmax.f32 v1, v0;
	v1 =	vmin.f32 v6, v19;
	v9 =	vld [tilespmem:s26+$0x30]  }
0xce: {  	v11 =	vmin.f32 v2, v0;
	v0 =	vmax.f32 v2, v0;
	v2 =	vmax.f32 v6, v19  }
0xcf: {  	v6 =	vmin.f32 v7, v2;
	v2 =	vmax.f32 v7, v2;
	v7 =	vmin.f32 v1, v13  }
0xd0: {  	v12 =	vmin.f32 v3, v0;
	v3 =	vmax.f32 v3, v0;
	v0 =	vmax.f32 v1, v13  }
0xd1: {  	v13 =	vmax.f32 v5, v3;
	v1 =	vmin.f32 v11, v2;
	v17 =	vmin.f32 v6, v0  }
0xd2: {  	v6 =	vmax.f32 v6, v0;
	v0 =	vmin.f32 v7, v9;
	v7 =	vmax.f32 v7, v9  }
0xd3: {  	v18 =	vmin.f32 v1, v6;
	v6 =	vmax.f32 v1, v6;
	v9 =	vmin.f32 v4, v13  }
0xd4: {  	v5 =	vmin.f32 v5, v3;
	v2 =	vmax.f32 v11, v2;
	v1 =	vmin.f32 v17, v7  }
0xd5: {  	v11 =	vmin.f32 v12, v2;
	v4 =	vmax.f32 v4, v13;
	v7 =	vmax.f32 v17, v7  }
0xd6: {  	v12 =	vmax.f32 v12, v2;
	v3 =	vmin.f32 v11, v6;
	v13 =	vmax.f32 v10, v4  }
0xd7: {  	v6 =	vmax.f32 v11, v6;
	v10 =	vmin.f32 v10, v4;
	v17 =	vmax.f32 v5, v12  }
0xd8: {  	v19 =	vmax.f32 v9, v17;
	v2 =	vmin.f32 v18, v7;
	v4 =	vmax.f32 v18, v7  }
0xd9: {  	v11 =	vmin.f32 v14, v13;
	v7 =	vmax.f32 v14, v13;
	v9 =	vmin.f32 v9, v17  }
0xda: {  	v5 =	vmin.f32 v5, v12;
	v13 =	vmax.f32 v15, v7;
	v12 =	vmax.f32 v3, v4  }
0xdb: {  	v14 =	vmin.f32 v15, v7;
	v15 =	vmax.f32 v10, v19;
	v7 =	vmin.f32 v16, v13  }
0xdc: {  	v18 =	vmin.f32 v5, v6;
	v5 =	vmax.f32 v5, v6;
	v17 =	vmin.f32 v11, v15  }
.Ltmp2:
0xdd: {  	v6 =	vmin.f32 v9, v5;
	v13 =	vmax.f32 v16, v13;
	v15 =	vmax.f32 v11, v15;
	(pc) =	sbr.rel @p0 .LBB2_6-.Ltmp2, $4  }
0xde: {  	v11 =	vmin.f32 v8, v13;
	v8 =	vmin.f32 v14, v15;
	v13 =	vmax.f32 v9, v5  }
0xdf: {  	v16 =	vmin.f32 v10, v19;
	v15 =	vmax.f32 v14, v15;
	v5 =	vmin.f32 v18, v12  }
0xe0: {  	v9 =	vmin.f32 v7, v15;
	v10 =	vmin.f32 v16, v13;
	v14 =	vmax.f32 v16, v13  }
0xe1: {  	v12 =	vmax.f32 v18, v12;
	v13 =	vmin.f32 v17, v14;
	v14 =	vmax.f32 v17, v14  }
0xe2: {  	[tilespmem:$0x10000] =	vst v0  }
0xe3: {  	[tilespmem:$0x10010] =	vst v1  }
0xe4: {  	[tilespmem:$0x10020] =	vst v2  }
0xe5: {  	v0 =	vmin.f32 v3, v4;
	v1 =	vmax.f32 v7, v15;
	v2 =	vmax.f32 v8, v14;
	[tilespmem:$0x10040] =	vst v5  }
0xe6: {  	v3 =	vmin.f32 v6, v12;
	[tilespmem:$0x10030] =	vst v0;
	v0 =	vmax.f32 v6, v12;
	v1 =	vmin.f32 v11, v1  }
0xe7: {  	v4 =	vmax.f32 v9, v2;
	[tilespmem:$0x10050] =	vst v3;
	v5 =	vmax.f32 v10, v0;
	v0 =	vmin.f32 v10, v0  }
0xe8: {  	v3 =	vmin.f32 v8, v14;
	v6 =	vmin.f32 v13, v5;
	v5 =	vmax.f32 v13, v5;
	[tilespmem:$0x10060] =	vst v0  }
0xe9: {  	v0 =	vmin.f32 v9, v2;
	v2 =	vmin.f32 v3, v5;
	v3 =	vmax.f32 v3, v5;
	[tilespmem:$0x10070] =	vst v6  }
0xea: {  	v1 =	vmin.f32 v1, v4;
	v5 =	vmin.f32 v0, v3;
	v0 =	vmax.f32 v0, v3;
	[tilespmem:$0x10080] =	vst v2  }
0xeb: {  	v0 =	vmin.f32 v1, v0;
	[tilespmem:$0x10090] =	vst v5  }
0xec: {  	s25 =	simm.s32 $0x0;
	[tilespmem:$0x100A0] =	vst v0  }
0xed: {  	[hbm4b:s8+s25] =	stream.linear.scatter [tilespmem:s23], [sflag:$0x1], $0xB0, $0x38;
	[tilespmem:$0x100B0] =	vst v63  }
0xee: {  	_ =	swait.ge [sflag:s22], $0xB0  }
0xef: {  	[sflag:s22] =	ssyncset.done $0x0  }
0xf0: {  	[sflag:s22] =	ssyncadd.s32 $0xFFFFFF50  }
0xf1: {  	[tilespmem:s25], [sflag:$0x1] =	stream.strided.gather [hbm4b:s9+s20], $0x10000, s21, s20, $0x38;
	[tilespmem:$0x100B0] =	vst v63  }
0xf2: {  	_ =	swait.ge [sflag:s22], $0x10000  }
0xf3: {  	[sflag:s22] =	ssyncset.done $0x0  }
0xf4: {  	s31 =	simm.s32 $0x0;
	[sflag:s22] =	ssyncadd.s32 $0xFFFF0000  }
0xf5: {  	v0 =	vld [tilespmem:s31+$0x0]  }
0xf6: {  	v1 =	vld [tilespmem:s31+$0x10];
	_ =	sdelay $0x1  }
0xf7: {  	v2 =	vld [tilespmem:s31+$0x20]  }
0xf8: {  	v5 =	vimm.f32 $+Inf  }
0xf9: {  	v3 =	vmin.f32 v5, v0;
	v0 =	vmax.f32 v5, v0  }
0xfa: {  	v7 =	vld [tilespmem:s31+$0x30];
	v4 =	vmin.f32 v5, v0;
	v0 =	vmax.f32 v5, v0;
	v6 =	vmin.f32 v3, v1  }
0xfb: {  	v1 =	vmax.f32 v3, v1;
	v8 =	vmin.f32 v5, v0;
	v0 =	vmax.f32 v5, v0  }
0xfc: {  	v3 =	vmin.f32 v4, v1;
	v1 =	vmax.f32 v4, v1;
	v4 =	vmin.f32 v6, v2  }
0xfd: {  	v9 =	vmin.f32 v5, v0;
	v10 =	vmax.f32 v5, v0;
	v0 =	vmax.f32 v6, v2  }
0xfe: {  	v6 =	vmin.f32 v8, v1;
	v2 =	vmax.f32 v5, v10;
	v11 =	vmin.f32 v3, v0  }
0xff: {  	v3 =	vmax.f32 v3, v0;
	v0 =	vmin.f32 v4, v7;
	v4 =	vmax.f32 v4, v7  }
0x100: {  	v10 =	vmin.f32 v5, v10;
	v7 =	vmin.f32 v5, v2;
	v12 =	vmin.f32 v6, v3  }
0x101: {  	v6 =	vmax.f32 v6, v3;
	v3 =	vmax.f32 v8, v1;
	v1 =	vmin.f32 v11, v4  }
0x102: {  	v2 =	vmax.f32 v5, v2;
	v4 =	vmax.f32 v11, v4;
	v8 =	vmin.f32 v9, v3  }
0x103: {  	v11 =	vmax.f32 v5, v2;
	v9 =	vmax.f32 v9, v3;
	v13 =	vmin.f32 v5, v2  }
0x104: {  	v2 =	vmin.f32 v12, v4;
	v4 =	vmax.f32 v12, v4;
	v3 =	vmin.f32 v8, v6  }
0x105: {  	v14 =	vmax.f32 v10, v9;
	v6 =	vmax.f32 v8, v6;
	v8 =	vmin.f32 v5, v11  }
0x106: {  	v11 =	vmax.f32 v5, v11;
	v9 =	vmin.f32 v10, v9;
	v15 =	vmax.f32 v7, v14  }
0x107: {  	v12 =	vmin.f32 v7, v14;
	v14 =	vmax.f32 v5, v11;
	v16 =	vmax.f32 v3, v4  }
0x108: {  	v10 =	vmin.f32 v5, v11;
	v18 =	vmin.f32 v9, v6;
	v9 =	vmax.f32 v9, v6  }
0x109: {  	v7 =	vmin.f32 v5, v14;
	v11 =	vmax.f32 v13, v15;
	v14 =	vmax.f32 v5, v14  }
0x10a: {  	v6 =	vmin.f32 v12, v9;
	v12 =	vmax.f32 v12, v9;
	v13 =	vmin.f32 v13, v15  }
0x10b: {  	v17 =	vmin.f32 v8, v11;
	v19 =	vmax.f32 v8, v11;
	v11 =	vmin.f32 v5, v14  }
0x10c: {  	v5 =	vmin.f32 v18, v16;
	v8 =	vmin.f32 v10, v19;
	v15 =	vmax.f32 v10, v19  }
0x10d: {  	v10 =	vmin.f32 v13, v12;
	v12 =	vmax.f32 v13, v12;
	v9 =	vmin.f32 v7, v15  }
0x10e: {  	s25 =	simm.s32 $0x100;
	v13 =	vmin.f32 v17, v12;
	v14 =	vmax.f32 v17, v12;
	v12 =	vmax.f32 v18, v16  }
.LBB2_8:
0x10f: {  	s26 =	sshra.s32 s25, $0x2;
	p0 =	sne.s32 s25, $0x3FF00;
	s25 =	sadd.s32 $0x100, s25;
	v7 =	vmax.f32 v7, v15;
	v15 =	vmax.f32 v8, v14;
	v16 =	vmax.f32 v6, v12  }
0x110: {  	v17 =	vld [tilespmem:s26+$0x0];
	v7 =	vmin.f32 v11, v7;
	v11 =	vmax.f32 v9, v15;
	v18 =	vmax.f32 v10, v16  }
0x111: {  	v8 =	vmin.f32 v8, v14;
	v19 =	vld [tilespmem:s26+$0x10];
	v14 =	vmin.f32 v13, v18;
	v13 =	vmax.f32 v13, v18  }
0x112: {  	v9 =	vmin.f32 v9, v15;
	v15 =	vmin.f32 v8, v13;
	v8 =	vmax.f32 v8, v13  }
0x113: {  	v10 =	vmin.f32 v10, v16;
	v13 =	vld [tilespmem:s26+$0x20];
	v16 =	vmin.f32 v9, v8;
	v8 =	vmax.f32 v9, v8  }
0x114: {  	v3 =	vmin.f32 v3, v4;
	v4 =	vmin.f32 v6, v12;
	v7 =	vmin.f32 v7, v11  }
0x115: {  	v8 =	vmin.f32 v7, v8;
	v6 =	vmin.f32 v0, v17;
	v0 =	vmax.f32 v0, v17  }
0x116: {  	v7 =	vmin.f32 v1, v0;
	v0 =	vmax.f32 v1, v0;
	v1 =	vmin.f32 v6, v19;
	v9 =	vld [tilespmem:s26+$0x30]  }
0x117: {  	v11 =	vmin.f32 v2, v0;
	v0 =	vmax.f32 v2, v0;
	v2 =	vmax.f32 v6, v19  }
0x118: {  	v6 =	vmin.f32 v7, v2;
	v2 =	vmax.f32 v7, v2;
	v7 =	vmin.f32 v1, v13  }
0x119: {  	v12 =	vmin.f32 v3, v0;
	v3 =	vmax.f32 v3, v0;
	v0 =	vmax.f32 v1, v13  }
0x11a: {  	v13 =	vmax.f32 v5, v3;
	v1 =	vmin.f32 v11, v2;
	v17 =	vmin.f32 v6, v0  }
0x11b: {  	v6 =	vmax.f32 v6, v0;
	v0 =	vmin.f32 v7, v9;
	v7 =	vmax.f32 v7, v9  }
0x11c: {  	v18 =	vmin.f32 v1, v6;
	v6 =	vmax.f32 v1, v6;
	v9 =	vmin.f32 v4, v13  }
0x11d: {  	v5 =	vmin.f32 v5, v3;
	v2 =	vmax.f32 v11, v2;
	v1 =	vmin.f32 v17, v7  }
0x11e: {  	v11 =	vmin.f32 v12, v2;
	v4 =	vmax.f32 v4, v13;
	v7 =	vmax.f32 v17, v7  }
0x11f: {  	v12 =	vmax.f32 v12, v2;
	v3 =	vmin.f32 v11, v6;
	v13 =	vmax.f32 v10, v4  }
0x120: {  	v6 =	vmax.f32 v11, v6;
	v10 =	vmin.f32 v10, v4;
	v17 =	vmax.f32 v5, v12  }
0x121: {  	v19 =	vmax.f32 v9, v17;
	v2 =	vmin.f32 v18, v7;
	v4 =	vmax.f32 v18, v7  }
0x122: {  	v11 =	vmin.f32 v14, v13;
	v7 =	vmax.f32 v14, v13;
	v9 =	vmin.f32 v9, v17  }
0x123: {  	v5 =	vmin.f32 v5, v12;
	v13 =	vmax.f32 v15, v7;
	v12 =	vmax.f32 v3, v4  }
0x124: {  	v14 =	vmin.f32 v15, v7;
	v15 =	vmax.f32 v10, v19;
	v7 =	vmin.f32 v16, v13  }
0x125: {  	v18 =	vmin.f32 v5, v6;
	v5 =	vmax.f32 v5, v6;
	v17 =	vmin.f32 v11, v15  }
.Ltmp3:
0x126: {  	v6 =	vmin.f32 v9, v5;
	v13 =	vmax.f32 v16, v13;
	v15 =	vmax.f32 v11, v15;
	(pc) =	sbr.rel @p0 .LBB2_8-.Ltmp3, $4  }
0x127: {  	v11 =	vmin.f32 v8, v13;
	v8 =	vmin.f32 v14, v15;
	v13 =	vmax.f32 v9, v5  }
0x128: {  	v16 =	vmin.f32 v10, v19;
	v15 =	vmax.f32 v14, v15;
	v5 =	vmin.f32 v18, v12  }
0x129: {  	v9 =	vmin.f32 v7, v15;
	v10 =	vmin.f32 v16, v13;
	v14 =	vmax.f32 v16, v13  }
0x12a: {  	v12 =	vmax.f32 v18, v12;
	v13 =	vmin.f32 v17, v14;
	v14 =	vmax.f32 v17, v14  }
0x12b: {  	[tilespmem:$0x10000] =	vst v0  }
0x12c: {  	[tilespmem:$0x10010] =	vst v1  }
0x12d: {  	[tilespmem:$0x10020] =	vst v2  }
0x12e: {  	v0 =	vmin.f32 v3, v4;
	v1 =	vmax.f32 v7, v15;
	v2 =	vmax.f32 v8, v14;
	[tilespmem:$0x10040] =	vst v5  }
0x12f: {  	v3 =	vmin.f32 v6, v12;
	[tilespmem:$0x10030] =	vst v0;
	v0 =	vmax.f32 v6, v12;
	v1 =	vmin.f32 v11, v1  }
0x130: {  	v4 =	vmax.f32 v9, v2;
	[tilespmem:$0x10050] =	vst v3;
	v5 =	vmax.f32 v10, v0;
	v0 =	vmin.f32 v10, v0  }
0x131: {  	v3 =	vmin.f32 v8, v14;
	v6 =	vmin.f32 v13, v5;
	v5 =	vmax.f32 v13, v5;
	[tilespmem:$0x10060] =	vst v0  }
0x132: {  	v0 =	vmin.f32 v9, v2;
	v2 =	vmin.f32 v3, v5;
	v3 =	vmax.f32 v3, v5;
	[tilespmem:$0x10070] =	vst v6  }
0x133: {  	v1 =	vmin.f32 v1, v4;
	v5 =	vmin.f32 v0, v3;
	v0 =	vmax.f32 v0, v3;
	[tilespmem:$0x10080] =	vst v2  }
0x134: {  	v0 =	vmin.f32 v1, v0;
	[tilespmem:$0x10090] =	vst v5  }
0x135: {  	s25 =	simm.s32 $0x0;
	[tilespmem:$0x100A0] =	vst v0  }
0x136: {  	[hbm4b:s10+s25] =	stream.linear.scatter [tilespmem:s23], [sflag:$0x1], $0xB0, $0x38;
	[tilespmem:$0x100B0] =	vst v63  }
0x137: {  	_ =	swait.ge [sflag:s22], $0xB0  }
0x138: {  	[sflag:s22] =	ssyncset.done $0x0  }
0x139: {  	[sflag:s22] =	ssyncadd.s32 $0xFFFFFF50  }
0x13a: {  	[tilespmem:s25], [sflag:$0x1] =	stream.strided.gather [hbm4b:s11+s20], $0x10000, s21, s20, $0x38;
	[tilespmem:$0x100B0] =	vst v63  }
0x13b: {  	_ =	swait.ge [sflag:s22], $0x10000  }
0x13c: {  	[sflag:s22] =	ssyncset.done $0x0  }
0x13d: {  	s31 =	simm.s32 $0x0;
	[sflag:s22] =	ssyncadd.s32 $0xFFFF0000  }
0x13e: {  	v0 =	vld [tilespmem:s31+$0x0]  }
0x13f: {  	v1 =	vld [tilespmem:s31+$0x10];
	_ =	sdelay $0x1  }
0x140: {  	v2 =	vld [tilespmem:s31+$0x20]  }
0x141: {  	v5 =	vimm.f32 $+Inf  }
0x142: {  	v3 =	vmin.f32 v5, v0;
	v0 =	vmax.f32 v5, v0  }
0x143: {  	v7 =	vld [tilespmem:s31+$0x30];
	v4 =	vmin.f32 v5, v0;
	v0 =	vmax.f32 v5, v0;
	v6 =	vmin.f32 v3, v1  }
0x144: {  	v1 =	vmax.f32 v3, v1;
	v8 =	vmin.f32 v5, v0;
	v0 =	vmax.f32 v5, v0  }
0x145: {  	v3 =	vmin.f32 v4, v1;
	v1 =	vmax.f32 v4, v1;
	v4 =	vmin.f32 v6, v2  }
0x146: {  	v9 =	vmin.f32 v5, v0;
	v10 =	vmax.f32 v5, v0;
	v0 =	vmax.f32 v6, v2  }
0x147: {  	v6 =	vmin.f32 v8, v1;
	v2 =	vmax.f32 v5, v10;
	v11 =	vmin.f32 v3, v0  }
0x148: {  	v3 =	vmax.f32 v3, v0;
	v0 =	vmin.f32 v4, v7;
	v4 =	vmax.f32 v4, v7  }
0x149: {  	v10 =	vmin.f32 v5, v10;
	v7 =	vmin.f32 v5, v2;
	v12 =	vmin.f32 v6, v3  }
0x14a: {  	v6 =	vmax.f32 v6, v3;
	v3 =	vmax.f32 v8, v1;
	v1 =	vmin.f32 v11, v4  }
0x14b: {  	v2 =	vmax.f32 v5, v2;
	v4 =	vmax.f32 v11, v4;
	v8 =	vmin.f32 v9, v3  }
0x14c: {  	v11 =	vmax.f32 v5, v2;
	v9 =	vmax.f32 v9, v3;
	v13 =	vmin.f32 v5, v2  }
0x14d: {  	v2 =	vmin.f32 v12, v4;
	v4 =	vmax.f32 v12, v4;
	v3 =	vmin.f32 v8, v6  }
0x14e: {  	v14 =	vmax.f32 v10, v9;
	v6 =	vmax.f32 v8, v6;
	v8 =	vmin.f32 v5, v11  }
0x14f: {  	v11 =	vmax.f32 v5, v11;
	v9 =	vmin.f32 v10, v9;
	v15 =	vmax.f32 v7, v14  }
0x150: {  	v12 =	vmin.f32 v7, v14;
	v14 =	vmax.f32 v5, v11;
	v16 =	vmax.f32 v3, v4  }
0x151: {  	v10 =	vmin.f32 v5, v11;
	v18 =	vmin.f32 v9, v6;
	v9 =	vmax.f32 v9, v6  }
0x152: {  	v7 =	vmin.f32 v5, v14;
	v11 =	vmax.f32 v13, v15;
	v14 =	vmax.f32 v5, v14  }
0x153: {  	v6 =	vmin.f32 v12, v9;
	v12 =	vmax.f32 v12, v9;
	v13 =	vmin.f32 v13, v15  }
0x154: {  	v17 =	vmin.f32 v8, v11;
	v19 =	vmax.f32 v8, v11;
	v11 =	vmin.f32 v5, v14  }
0x155: {  	v5 =	vmin.f32 v18, v16;
	v8 =	vmin.f32 v10, v19;
	v15 =	vmax.f32 v10, v19  }
0x156: {  	v10 =	vmin.f32 v13, v12;
	v12 =	vmax.f32 v13, v12;
	v9 =	vmin.f32 v7, v15  }
0x157: {  	s25 =	simm.s32 $0x100;
	v13 =	vmin.f32 v17, v12;
	v14 =	vmax.f32 v17, v12;
	v12 =	vmax.f32 v18, v16  }
.LBB2_10:
0x158: {  	s26 =	sshra.s32 s25, $0x2;
	p0 =	sne.s32 s25, $0x3FF00;
	s25 =	sadd.s32 $0x100, s25;
	v7 =	vmax.f32 v7, v15;
	v15 =	vmax.f32 v8, v14;
	v16 =	vmax.f32 v6, v12  }
0x159: {  	v17 =	vld [tilespmem:s26+$0x0];
	v7 =	vmin.f32 v11, v7;
	v11 =	vmax.f32 v9, v15;
	v18 =	vmax.f32 v10, v16  }
0x15a: {  	v8 =	vmin.f32 v8, v14;
	v19 =	vld [tilespmem:s26+$0x10];
	v14 =	vmin.f32 v13, v18;
	v13 =	vmax.f32 v13, v18  }
0x15b: {  	v9 =	vmin.f32 v9, v15;
	v15 =	vmin.f32 v8, v13;
	v8 =	vmax.f32 v8, v13  }
0x15c: {  	v10 =	vmin.f32 v10, v16;
	v13 =	vld [tilespmem:s26+$0x20];
	v16 =	vmin.f32 v9, v8;
	v8 =	vmax.f32 v9, v8  }
0x15d: {  	v3 =	vmin.f32 v3, v4;
	v4 =	vmin.f32 v6, v12;
	v7 =	vmin.f32 v7, v11  }
0x15e: {  	v8 =	vmin.f32 v7, v8;
	v6 =	vmin.f32 v0, v17;
	v0 =	vmax.f32 v0, v17  }
0x15f: {  	v7 =	vmin.f32 v1, v0;
	v0 =	vmax.f32 v1, v0;
	v1 =	vmin.f32 v6, v19;
	v9 =	vld [tilespmem:s26+$0x30]  }
0x160: {  	v11 =	vmin.f32 v2, v0;
	v0 =	vmax.f32 v2, v0;
	v2 =	vmax.f32 v6, v19  }
0x161: {  	v6 =	vmin.f32 v7, v2;
	v2 =	vmax.f32 v7, v2;
	v7 =	vmin.f32 v1, v13  }
0x162: {  	v12 =	vmin.f32 v3, v0;
	v3 =	vmax.f32 v3, v0;
	v0 =	vmax.f32 v1, v13  }
0x163: {  	v13 =	vmax.f32 v5, v3;
	v1 =	vmin.f32 v11, v2;
	v17 =	vmin.f32 v6, v0  }
0x164: {  	v6 =	vmax.f32 v6, v0;
	v0 =	vmin.f32 v7, v9;
	v7 =	vmax.f32 v7, v9  }
0x165: {  	v18 =	vmin.f32 v1, v6;
	v6 =	vmax.f32 v1, v6;
	v9 =	vmin.f32 v4, v13  }
0x166: {  	v5 =	vmin.f32 v5, v3;
	v2 =	vmax.f32 v11, v2;
	v1 =	vmin.f32 v17, v7  }
0x167: {  	v11 =	vmin.f32 v12, v2;
	v4 =	vmax.f32 v4, v13;
	v7 =	vmax.f32 v17, v7  }
0x168: {  	v12 =	vmax.f32 v12, v2;
	v3 =	vmin.f32 v11, v6;
	v13 =	vmax.f32 v10, v4  }
0x169: {  	v6 =	vmax.f32 v11, v6;
	v10 =	vmin.f32 v10, v4;
	v17 =	vmax.f32 v5, v12  }
0x16a: {  	v19 =	vmax.f32 v9, v17;
	v2 =	vmin.f32 v18, v7;
	v4 =	vmax.f32 v18, v7  }
0x16b: {  	v11 =	vmin.f32 v14, v13;
	v7 =	vmax.f32 v14, v13;
	v9 =	vmin.f32 v9, v17  }
0x16c: {  	v5 =	vmin.f32 v5, v12;
	v13 =	vmax.f32 v15, v7;
	v12 =	vmax.f32 v3, v4  }
0x16d: {  	v14 =	vmin.f32 v15, v7;
	v15 =	vmax.f32 v10, v19;
	v7 =	vmin.f32 v16, v13  }
0x16e: {  	v18 =	vmin.f32 v5, v6;
	v5 =	vmax.f32 v5, v6;
	v17 =	vmin.f32 v11, v15  }
.Ltmp4:
0x16f: {  	v6 =	vmin.f32 v9, v5;
	v13 =	vmax.f32 v16, v13;
	v15 =	vmax.f32 v11, v15;
	(pc) =	sbr.rel @p0 .LBB2_10-.Ltmp4, $4  }
0x170: {  	v11 =	vmin.f32 v8, v13;
	v8 =	vmin.f32 v14, v15;
	v13 =	vmax.f32 v9, v5  }
0x171: {  	v16 =	vmin.f32 v10, v19;
	v15 =	vmax.f32 v14, v15;
	v5 =	vmin.f32 v18, v12  }
0x172: {  	v9 =	vmin.f32 v7, v15;
	v10 =	vmin.f32 v16, v13;
	v14 =	vmax.f32 v16, v13  }
0x173: {  	v12 =	vmax.f32 v18, v12;
	v13 =	vmin.f32 v17, v14;
	v14 =	vmax.f32 v17, v14  }
0x174: {  	[tilespmem:$0x10000] =	vst v0  }
0x175: {  	[tilespmem:$0x10010] =	vst v1  }
0x176: {  	[tilespmem:$0x10020] =	vst v2  }
0x177: {  	v0 =	vmin.f32 v3, v4;
	v1 =	vmax.f32 v7, v15;
	v2 =	vmax.f32 v8, v14;
	[tilespmem:$0x10040] =	vst v5  }
0x178: {  	v3 =	vmin.f32 v6, v12;
	[tilespmem:$0x10030] =	vst v0;
	v0 =	vmax.f32 v6, v12;
	v1 =	vmin.f32 v11, v1  }
0x179: {  	v4 =	vmax.f32 v9, v2;
	[tilespmem:$0x10050] =	vst v3;
	v5 =	vmax.f32 v10, v0;
	v0 =	vmin.f32 v10, v0  }
0x17a: {  	v3 =	vmin.f32 v8, v14;
	v6 =	vmin.f32 v13, v5;
	v5 =	vmax.f32 v13, v5;
	[tilespmem:$0x10060] =	vst v0  }
0x17b: {  	v0 =	vmin.f32 v9, v2;
	v2 =	vmin.f32 v3, v5;
	v3 =	vmax.f32 v3, v5;
	[tilespmem:$0x10070] =	vst v6  }
0x17c: {  	v1 =	vmin.f32 v1, v4;
	v5 =	vmin.f32 v0, v3;
	v0 =	vmax.f32 v0, v3;
	[tilespmem:$0x10080] =	vst v2  }
0x17d: {  	v0 =	vmin.f32 v1, v0;
	[tilespmem:$0x10090] =	vst v5  }
0x17e: {  	s25 =	simm.s32 $0x0;
	[tilespmem:$0x100A0] =	vst v0  }
0x17f: {  	[hbm4b:s12+s25] =	stream.linear.scatter [tilespmem:s23], [sflag:$0x1], $0xB0, $0x38;
	[tilespmem:$0x100B0] =	vst v63  }
0x180: {  	_ =	swait.ge [sflag:s22], $0xB0  }
0x181: {  	[sflag:s22] =	ssyncset.done $0x0  }
0x182: {  	[sflag:s22] =	ssyncadd.s32 $0xFFFFFF50  }
0x183: {  	[tilespmem:s25], [sflag:$0x1] =	stream.strided.gather [hbm4b:s13+s20], $0x10000, s21, s20, $0x38;
	[tilespmem:$0x100B0] =	vst v63  }
0x184: {  	_ =	swait.ge [sflag:s22], $0x10000  }
0x185: {  	[sflag:s22] =	ssyncset.done $0x0  }
0x186: {  	s31 =	simm.s32 $0x0;
	[sflag:s22] =	ssyncadd.s32 $0xFFFF0000  }
0x187: {  	v0 =	vld [tilespmem:s31+$0x0]  }
0x188: {  	v1 =	vld [tilespmem:s31+$0x10];
	_ =	sdelay $0x1  }
0x189: {  	v2 =	vld [tilespmem:s31+$0x20]  }
0x18a: {  	v5 =	vimm.f32 $+Inf  }
0x18b: {  	v3 =	vmin.f32 v5, v0;
	v0 =	vmax.f32 v5, v0  }
0x18c: {  	v7 =	vld [tilespmem:s31+$0x30];
	v4 =	vmin.f32 v5, v0;
	v0 =	vmax.f32 v5, v0;
	v6 =	vmin.f32 v3, v1  }
0x18d: {  	v1 =	vmax.f32 v3, v1;
	v8 =	vmin.f32 v5, v0;
	v0 =	vmax.f32 v5, v0  }
0x18e: {  	v3 =	vmin.f32 v4, v1;
	v1 =	vmax.f32 v4, v1;
	v4 =	vmin.f32 v6, v2  }
0x18f: {  	v9 =	vmin.f32 v5, v0;
	v10 =	vmax.f32 v5, v0;
	v0 =	vmax.f32 v6, v2  }
0x190: {  	v6 =	vmin.f32 v8, v1;
	v2 =	vmax.f32 v5, v10;
	v11 =	vmin.f32 v3, v0  }
0x191: {  	v3 =	vmax.f32 v3, v0;
	v0 =	vmin.f32 v4, v7;
	v4 =	vmax.f32 v4, v7  }
0x192: {  	v10 =	vmin.f32 v5, v10;
	v7 =	vmin.f32 v5, v2;
	v12 =	vmin.f32 v6, v3  }
0x193: {  	v6 =	vmax.f32 v6, v3;
	v3 =	vmax.f32 v8, v1;
	v1 =	vmin.f32 v11, v4  }
0x194: {  	v2 =	vmax.f32 v5, v2;
	v4 =	vmax.f32 v11, v4;
	v8 =	vmin.f32 v9, v3  }
0x195: {  	v11 =	vmax.f32 v5, v2;
	v9 =	vmax.f32 v9, v3;
	v13 =	vmin.f32 v5, v2  }
0x196: {  	v2 =	vmin.f32 v12, v4;
	v4 =	vmax.f32 v12, v4;
	v3 =	vmin.f32 v8, v6  }
0x197: {  	v14 =	vmax.f32 v10, v9;
	v6 =	vmax.f32 v8, v6;
	v8 =	vmin.f32 v5, v11  }
0x198: {  	v11 =	vmax.f32 v5, v11;
	v9 =	vmin.f32 v10, v9;
	v15 =	vmax.f32 v7, v14  }
0x199: {  	v12 =	vmin.f32 v7, v14;
	v14 =	vmax.f32 v5, v11;
	v16 =	vmax.f32 v3, v4  }
0x19a: {  	v10 =	vmin.f32 v5, v11;
	v18 =	vmin.f32 v9, v6;
	v9 =	vmax.f32 v9, v6  }
0x19b: {  	v7 =	vmin.f32 v5, v14;
	v11 =	vmax.f32 v13, v15;
	v14 =	vmax.f32 v5, v14  }
0x19c: {  	v6 =	vmin.f32 v12, v9;
	v12 =	vmax.f32 v12, v9;
	v13 =	vmin.f32 v13, v15  }
0x19d: {  	v17 =	vmin.f32 v8, v11;
	v19 =	vmax.f32 v8, v11;
	v11 =	vmin.f32 v5, v14  }
0x19e: {  	v5 =	vmin.f32 v18, v16;
	v8 =	vmin.f32 v10, v19;
	v15 =	vmax.f32 v10, v19  }
0x19f: {  	v10 =	vmin.f32 v13, v12;
	v12 =	vmax.f32 v13, v12;
	v9 =	vmin.f32 v7, v15  }
0x1a0: {  	s25 =	simm.s32 $0x100;
	v13 =	vmin.f32 v17, v12;
	v14 =	vmax.f32 v17, v12;
	v12 =	vmax.f32 v18, v16  }
.LBB2_12:
0x1a1: {  	s26 =	sshra.s32 s25, $0x2;
	p0 =	sne.s32 s25, $0x3FF00;
	s25 =	sadd.s32 $0x100, s25;
	v7 =	vmax.f32 v7, v15;
	v15 =	vmax.f32 v8, v14;
	v16 =	vmax.f32 v6, v12  }
0x1a2: {  	v17 =	vld [tilespmem:s26+$0x0];
	v7 =	vmin.f32 v11, v7;
	v11 =	vmax.f32 v9, v15;
	v18 =	vmax.f32 v10, v16  }
0x1a3: {  	v8 =	vmin.f32 v8, v14;
	v19 =	vld [tilespmem:s26+$0x10];
	v14 =	vmin.f32 v13, v18;
	v13 =	vmax.f32 v13, v18  }
0x1a4: {  	v9 =	vmin.f32 v9, v15;
	v15 =	vmin.f32 v8, v13;
	v8 =	vmax.f32 v8, v13  }
0x1a5: {  	v10 =	vmin.f32 v10, v16;
	v13 =	vld [tilespmem:s26+$0x20];
	v16 =	vmin.f32 v9, v8;
	v8 =	vmax.f32 v9, v8  }
0x1a6: {  	v3 =	vmin.f32 v3, v4;
	v4 =	vmin.f32 v6, v12;
	v7 =	vmin.f32 v7, v11  }
0x1a7: {  	v8 =	vmin.f32 v7, v8;
	v6 =	vmin.f32 v0, v17;
	v0 =	vmax.f32 v0, v17  }
0x1a8: {  	v7 =	vmin.f32 v1, v0;
	v0 =	vmax.f32 v1, v0;
	v1 =	vmin.f32 v6, v19;
	v9 =	vld [tilespmem:s26+$0x30]  }
0x1a9: {  	v11 =	vmin.f32 v2, v0;
	v0 =	vmax.f32 v2, v0;
	v2 =	vmax.f32 v6, v19  }
0x1aa: {  	v6 =	vmin.f32 v7, v2;
	v2 =	vmax.f32 v7, v2;
	v7 =	vmin.f32 v1, v13  }
0x1ab: {  	v12 =	vmin.f32 v3, v0;
	v3 =	vmax.f32 v3, v0;
	v0 =	vmax.f32 v1, v13  }
0x1ac: {  	v13 =	vmax.f32 v5, v3;
	v1 =	vmin.f32 v11, v2;
	v17 =	vmin.f32 v6, v0  }
0x1ad: {  	v6 =	vmax.f32 v6, v0;
	v0 =	vmin.f32 v7, v9;
	v7 =	vmax.f32 v7, v9  }
0x1ae: {  	v18 =	vmin.f32 v1, v6;
	v6 =	vmax.f32 v1, v6;
	v9 =	vmin.f32 v4, v13  }
0x1af: {  	v5 =	vmin.f32 v5, v3;
	v2 =	vmax.f32 v11, v2;
	v1 =	vmin.f32 v17, v7  }
0x1b0: {  	v11 =	vmin.f32 v12, v2;
	v4 =	vmax.f32 v4, v13;
	v7 =	vmax.f32 v17, v7  }
0x1b1: {  	v12 =	vmax.f32 v12, v2;
	v3 =	vmin.f32 v11, v6;
	v13 =	vmax.f32 v10, v4  }
0x1b2: {  	v6 =	vmax.f32 v11, v6;
	v10 =	vmin.f32 v10, v4;
	v17 =	vmax.f32 v5, v12  }
0x1b3: {  	v19 =	vmax.f32 v9, v17;
	v2 =	vmin.f32 v18, v7;
	v4 =	vmax.f32 v18, v7  }
0x1b4: {  	v11 =	vmin.f32 v14, v13;
	v7 =	vmax.f32 v14, v13;
	v9 =	vmin.f32 v9, v17  }
0x1b5: {  	v5 =	vmin.f32 v5, v12;
	v13 =	vmax.f32 v15, v7;
	v12 =	vmax.f32 v3, v4  }
0x1b6: {  	v14 =	vmin.f32 v15, v7;
	v15 =	vmax.f32 v10, v19;
	v7 =	vmin.f32 v16, v13  }
0x1b7: {  	v18 =	vmin.f32 v5, v6;
	v5 =	vmax.f32 v5, v6;
	v17 =	vmin.f32 v11, v15  }
.Ltmp5:
0x1b8: {  	v6 =	vmin.f32 v9, v5;
	v13 =	vmax.f32 v16, v13;
	v15 =	vmax.f32 v11, v15;
	(pc) =	sbr.rel @p0 .LBB2_12-.Ltmp5, $4  }
0x1b9: {  	v11 =	vmin.f32 v8, v13;
	v8 =	vmin.f32 v14, v15;
	v13 =	vmax.f32 v9, v5  }
0x1ba: {  	v16 =	vmin.f32 v10, v19;
	v15 =	vmax.f32 v14, v15;
	v5 =	vmin.f32 v18, v12  }
0x1bb: {  	v9 =	vmin.f32 v7, v15;
	v10 =	vmin.f32 v16, v13;
	v14 =	vmax.f32 v16, v13  }
0x1bc: {  	v12 =	vmax.f32 v18, v12;
	v13 =	vmin.f32 v17, v14;
	v14 =	vmax.f32 v17, v14  }
0x1bd: {  	[tilespmem:$0x10000] =	vst v0  }
0x1be: {  	[tilespmem:$0x10010] =	vst v1  }
0x1bf: {  	[tilespmem:$0x10020] =	vst v2  }
0x1c0: {  	v0 =	vmin.f32 v3, v4;
	v1 =	vmax.f32 v7, v15;
	v2 =	vmax.f32 v8, v14;
	[tilespmem:$0x10040] =	vst v5  }
0x1c1: {  	v3 =	vmin.f32 v6, v12;
	[tilespmem:$0x10030] =	vst v0;
	v0 =	vmax.f32 v6, v12;
	v1 =	vmin.f32 v11, v1  }
0x1c2: {  	v4 =	vmax.f32 v9, v2;
	[tilespmem:$0x10050] =	vst v3;
	v5 =	vmax.f32 v10, v0;
	v0 =	vmin.f32 v10, v0  }
0x1c3: {  	v3 =	vmin.f32 v8, v14;
	v6 =	vmin.f32 v13, v5;
	v5 =	vmax.f32 v13, v5;
	[tilespmem:$0x10060] =	vst v0  }
0x1c4: {  	v0 =	vmin.f32 v9, v2;
	v2 =	vmin.f32 v3, v5;
	v3 =	vmax.f32 v3, v5;
	[tilespmem:$0x10070] =	vst v6  }
0x1c5: {  	v1 =	vmin.f32 v1, v4;
	v5 =	vmin.f32 v0, v3;
	v0 =	vmax.f32 v0, v3;
	[tilespmem:$0x10080] =	vst v2  }
0x1c6: {  	v0 =	vmin.f32 v1, v0;
	[tilespmem:$0x10090] =	vst v5  }
0x1c7: {  	s25 =	simm.s32 $0x0;
	[tilespmem:$0x100A0] =	vst v0  }
0x1c8: {  	[hbm4b:s14+s25] =	stream.linear.scatter [tilespmem:s23], [sflag:$0x1], $0xB0, $0x38;
	[tilespmem:$0x100B0] =	vst v63  }
0x1c9: {  	_ =	swait.ge [sflag:s22], $0xB0  }
0x1ca: {  	[sflag:s22] =	ssyncset.done $0x0  }
0x1cb: {  	[sflag:s22] =	ssyncadd.s32 $0xFFFFFF50  }
0x1cc: {  	[tilespmem:s25], [sflag:$0x1] =	stream.strided.gather [hbm4b:s15+s20], $0x10000, s21, s20, $0x38;
	[tilespmem:$0x100B0] =	vst v63  }
0x1cd: {  	_ =	swait.ge [sflag:s22], $0x10000  }
0x1ce: {  	[sflag:s22] =	ssyncset.done $0x0  }
0x1cf: {  	s31 =	simm.s32 $0x0;
	[sflag:s22] =	ssyncadd.s32 $0xFFFF0000  }
0x1d0: {  	v0 =	vld [tilespmem:s31+$0x0]  }
0x1d1: {  	v1 =	vld [tilespmem:s31+$0x10];
	_ =	sdelay $0x1  }
0x1d2: {  	v2 =	vld [tilespmem:s31+$0x20]  }
0x1d3: {  	v5 =	vimm.f32 $+Inf  }
0x1d4: {  	v3 =	vmin.f32 v5, v0;
	v0 =	vmax.f32 v5, v0  }
0x1d5: {  	v7 =	vld [tilespmem:s31+$0x30];
	v4 =	vmin.f32 v5, v0;
	v0 =	vmax.f32 v5, v0;
	v6 =	vmin.f32 v3, v1  }
0x1d6: {  	v1 =	vmax.f32 v3, v1;
	v8 =	vmin.f32 v5, v0;
	v0 =	vmax.f32 v5, v0  }
0x1d7: {  	v3 =	vmin.f32 v4, v1;
	v1 =	vmax.f32 v4, v1;
	v4 =	vmin.f32 v6, v2  }
0x1d8: {  	v9 =	vmin.f32 v5, v0;
	v10 =	vmax.f32 v5, v0;
	v0 =	vmax.f32 v6, v2  }
0x1d9: {  	v6 =	vmin.f32 v8, v1;
	v2 =	vmax.f32 v5, v10;
	v11 =	vmin.f32 v3, v0  }
0x1da: {  	v3 =	vmax.f32 v3, v0;
	v0 =	vmin.f32 v4, v7;
	v4 =	vmax.f32 v4, v7  }
0x1db: {  	v10 =	vmin.f32 v5, v10;
	v7 =	vmin.f32 v5, v2;
	v12 =	vmin.f32 v6, v3  }
0x1dc: {  	v6 =	vmax.f32 v6, v3;
	v3 =	vmax.f32 v8, v1;
	v1 =	vmin.f32 v11, v4  }
0x1dd: {  	v2 =	vmax.f32 v5, v2;
	v4 =	vmax.f32 v11, v4;
	v8 =	vmin.f32 v9, v3  }
0x1de: {  	v11 =	vmax.f32 v5, v2;
	v9 =	vmax.f32 v9, v3;
	v13 =	vmin.f32 v5, v2  }
0x1df: {  	v2 =	vmin.f32 v12, v4;
	v4 =	vmax.f32 v12, v4;
	v3 =	vmin.f32 v8, v6  }
0x1e0: {  	v14 =	vmax.f32 v10, v9;
	v6 =	vmax.f32 v8, v6;
	v8 =	vmin.f32 v5, v11  }
0x1e1: {  	v11 =	vmax.f32 v5, v11;
	v9 =	vmin.f32 v10, v9;
	v15 =	vmax.f32 v7, v14  }
0x1e2: {  	v12 =	vmin.f32 v7, v14;
	v14 =	vmax.f32 v5, v11;
	v16 =	vmax.f32 v3, v4  }
0x1e3: {  	v10 =	vmin.f32 v5, v11;
	v18 =	vmin.f32 v9, v6;
	v9 =	vmax.f32 v9, v6  }
0x1e4: {  	v7 =	vmin.f32 v5, v14;
	v11 =	vmax.f32 v13, v15;
	v14 =	vmax.f32 v5, v14  }
0x1e5: {  	v6 =	vmin.f32 v12, v9;
	v12 =	vmax.f32 v12, v9;
	v13 =	vmin.f32 v13, v15  }
0x1e6: {  	v17 =	vmin.f32 v8, v11;
	v19 =	vmax.f32 v8, v11;
	v11 =	vmin.f32 v5, v14  }
0x1e7: {  	v5 =	vmin.f32 v18, v16;
	v8 =	vmin.f32 v10, v19;
	v15 =	vmax.f32 v10, v19  }
0x1e8: {  	v10 =	vmin.f32 v13, v12;
	v12 =	vmax.f32 v13, v12;
	v9 =	vmin.f32 v7, v15  }
0x1e9: {  	s25 =	simm.s32 $0x100;
	v13 =	vmin.f32 v17, v12;
	v14 =	vmax.f32 v17, v12;
	v12 =	vmax.f32 v18, v16  }
.LBB2_14:
0x1ea: {  	s26 =	sshra.s32 s25, $0x2;
	p0 =	sne.s32 s25, $0x3FF00;
	s25 =	sadd.s32 $0x100, s25;
	v7 =	vmax.f32 v7, v15;
	v15 =	vmax.f32 v8, v14;
	v16 =	vmax.f32 v6, v12  }
0x1eb: {  	v17 =	vld [tilespmem:s26+$0x0];
	v7 =	vmin.f32 v11, v7;
	v11 =	vmax.f32 v9, v15;
	v18 =	vmax.f32 v10, v16  }
0x1ec: {  	v8 =	vmin.f32 v8, v14;
	v19 =	vld [tilespmem:s26+$0x10];
	v14 =	vmin.f32 v13, v18;
	v13 =	vmax.f32 v13, v18  }
0x1ed: {  	v9 =	vmin.f32 v9, v15;
	v15 =	vmin.f32 v8, v13;
	v8 =	vmax.f32 v8, v13  }
0x1ee: {  	v10 =	vmin.f32 v10, v16;
	v13 =	vld [tilespmem:s26+$0x20];
	v16 =	vmin.f32 v9, v8;
	v8 =	vmax.f32 v9, v8  }
0x1ef: {  	v3 =	vmin.f32 v3, v4;
	v4 =	vmin.f32 v6, v12;
	v7 =	vmin.f32 v7, v11  }
0x1f0: {  	v8 =	vmin.f32 v7, v8;
	v6 =	vmin.f32 v0, v17;
	v0 =	vmax.f32 v0, v17  }
0x1f1: {  	v7 =	vmin.f32 v1, v0;
	v0 =	vmax.f32 v1, v0;
	v1 =	vmin.f32 v6, v19;
	v9 =	vld [tilespmem:s26+$0x30]  }
0x1f2: {  	v11 =	vmin.f32 v2, v0;
	v0 =	vmax.f32 v2, v0;
	v2 =	vmax.f32 v6, v19  }
0x1f3: {  	v6 =	vmin.f32 v7, v2;
	v2 =	vmax.f32 v7, v2;
	v7 =	vmin.f32 v1, v13  }
0x1f4: {  	v12 =	vmin.f32 v3, v0;
	v3 =	vmax.f32 v3, v0;
	v0 =	vmax.f32 v1, v13  }
0x1f5: {  	v13 =	vmax.f32 v5, v3;
	v1 =	vmin.f32 v11, v2;
	v17 =	vmin.f32 v6, v0  }
0x1f6: {  	v6 =	vmax.f32 v6, v0;
	v0 =	vmin.f32 v7, v9;
	v7 =	vmax.f32 v7, v9  }
0x1f7: {  	v18 =	vmin.f32 v1, v6;
	v6 =	vmax.f32 v1, v6;
	v9 =	vmin.f32 v4, v13  }
0x1f8: {  	v5 =	vmin.f32 v5, v3;
	v2 =	vmax.f32 v11, v2;
	v1 =	vmin.f32 v17, v7  }
0x1f9: {  	v11 =	vmin.f32 v12, v2;
	v4 =	vmax.f32 v4, v13;
	v7 =	vmax.f32 v17, v7  }
0x1fa: {  	v12 =	vmax.f32 v12, v2;
	v3 =	vmin.f32 v11, v6;
	v13 =	vmax.f32 v10, v4  }
0x1fb: {  	v6 =	vmax.f32 v11, v6;
	v10 =	vmin.f32 v10, v4;
	v17 =	vmax.f32 v5, v12  }
0x1fc: {  	v19 =	vmax.f32 v9, v17;
	v2 =	vmin.f32 v18, v7;
	v4 =	vmax.f32 v18, v7  }
0x1fd: {  	v11 =	vmin.f32 v14, v13;
	v7 =	vmax.f32 v14, v13;
	v9 =	vmin.f32 v9, v17  }
0x1fe: {  	v5 =	vmin.f32 v5, v12;
	v13 =	vmax.f32 v15, v7;
	v12 =	vmax.f32 v3, v4  }
0x1ff: {  	v14 =	vmin.f32 v15, v7;
	v15 =	vmax.f32 v10, v19;
	v7 =	vmin.f32 v16, v13  }
0x200: {  	v18 =	vmin.f32 v5, v6;
	v5 =	vmax.f32 v5, v6;
	v17 =	vmin.f32 v11, v15  }
.Ltmp6:
0x201: {  	v6 =	vmin.f32 v9, v5;
	v13 =	vmax.f32 v16, v13;
	v15 =	vmax.f32 v11, v15;
	(pc) =	sbr.rel @p0 .LBB2_14-.Ltmp6, $4  }
0x202: {  	v11 =	vmin.f32 v8, v13;
	v8 =	vmin.f32 v14, v15;
	v13 =	vmax.f32 v9, v5  }
0x203: {  	v16 =	vmin.f32 v10, v19;
	v15 =	vmax.f32 v14, v15;
	v5 =	vmin.f32 v18, v12  }
0x204: {  	v9 =	vmin.f32 v7, v15;
	v10 =	vmin.f32 v16, v13;
	v14 =	vmax.f32 v16, v13  }
0x205: {  	v12 =	vmax.f32 v18, v12;
	v13 =	vmin.f32 v17, v14;
	v14 =	vmax.f32 v17, v14  }
0x206: {  	[tilespmem:$0x10000] =	vst v0  }
0x207: {  	[tilespmem:$0x10010] =	vst v1  }
0x208: {  	[tilespmem:$0x10020] =	vst v2  }
0x209: {  	v0 =	vmin.f32 v3, v4;
	v1 =	vmax.f32 v7, v15;
	v2 =	vmax.f32 v8, v14;
	[tilespmem:$0x10040] =	vst v5  }
0x20a: {  	v3 =	vmin.f32 v6, v12;
	[tilespmem:$0x10030] =	vst v0;
	v0 =	vmax.f32 v6, v12;
	v1 =	vmin.f32 v11, v1  }
0x20b: {  	v4 =	vmax.f32 v9, v2;
	[tilespmem:$0x10050] =	vst v3;
	v5 =	vmax.f32 v10, v0;
	v0 =	vmin.f32 v10, v0  }
0x20c: {  	v3 =	vmin.f32 v8, v14;
	v6 =	vmin.f32 v13, v5;
	v5 =	vmax.f32 v13, v5;
	[tilespmem:$0x10060] =	vst v0  }
0x20d: {  	v0 =	vmin.f32 v9, v2;
	v2 =	vmin.f32 v3, v5;
	v3 =	vmax.f32 v3, v5;
	[tilespmem:$0x10070] =	vst v6  }
0x20e: {  	v1 =	vmin.f32 v1, v4;
	v5 =	vmin.f32 v0, v3;
	v0 =	vmax.f32 v0, v3;
	[tilespmem:$0x10080] =	vst v2  }
0x20f: {  	v0 =	vmin.f32 v1, v0;
	[tilespmem:$0x10090] =	vst v5  }
0x210: {  	s25 =	simm.s32 $0x0;
	[tilespmem:$0x100A0] =	vst v0  }
0x211: {  	[hbm4b:s16+s25] =	stream.linear.scatter [tilespmem:s23], [sflag:$0x1], $0xB0, $0x38;
	[tilespmem:$0x100B0] =	vst v63  }
0x212: {  	_ =	swait.ge [sflag:s22], $0xB0  }
0x213: {  	[sflag:s22] =	ssyncset.done $0x0  }
0x214: {  	[sflag:s22] =	ssyncadd.s32 $0xFFFFFF50  }
0x215: {  	[tilespmem:s25], [sflag:$0x1] =	stream.strided.gather [hbm4b:s17+s20], $0x10000, s21, s20, $0x38;
	[tilespmem:$0x100B0] =	vst v63  }
0x216: {  	_ =	swait.ge [sflag:s22], $0x10000  }
0x217: {  	[sflag:s22] =	ssyncset.done $0x0  }
0x218: {  	s31 =	simm.s32 $0x0;
	[sflag:s22] =	ssyncadd.s32 $0xFFFF0000  }
0x219: {  	v0 =	vld [tilespmem:s31+$0x0]  }
0x21a: {  	v1 =	vld [tilespmem:s31+$0x10];
	_ =	sdelay $0x1  }
0x21b: {  	v2 =	vld [tilespmem:s31+$0x20]  }
0x21c: {  	v5 =	vimm.f32 $+Inf  }
0x21d: {  	v3 =	vmin.f32 v5, v0;
	v0 =	vmax.f32 v5, v0  }
0x21e: {  	v7 =	vld [tilespmem:s31+$0x30];
	v4 =	vmin.f32 v5, v0;
	v0 =	vmax.f32 v5, v0;
	v6 =	vmin.f32 v3, v1  }
0x21f: {  	v1 =	vmax.f32 v3, v1;
	v8 =	vmin.f32 v5, v0;
	v0 =	vmax.f32 v5, v0  }
0x220: {  	v3 =	vmin.f32 v4, v1;
	v1 =	vmax.f32 v4, v1;
	v4 =	vmin.f32 v6, v2  }
0x221: {  	v9 =	vmin.f32 v5, v0;
	v10 =	vmax.f32 v5, v0;
	v0 =	vmax.f32 v6, v2  }
0x222: {  	v6 =	vmin.f32 v8, v1;
	v2 =	vmax.f32 v5, v10;
	v11 =	vmin.f32 v3, v0  }
0x223: {  	v3 =	vmax.f32 v3, v0;
	v0 =	vmin.f32 v4, v7;
	v4 =	vmax.f32 v4, v7  }
0x224: {  	v10 =	vmin.f32 v5, v10;
	v7 =	vmin.f32 v5, v2;
	v12 =	vmin.f32 v6, v3  }
0x225: {  	v6 =	vmax.f32 v6, v3;
	v3 =	vmax.f32 v8, v1;
	v1 =	vmin.f32 v11, v4  }
0x226: {  	v2 =	vmax.f32 v5, v2;
	v4 =	vmax.f32 v11, v4;
	v8 =	vmin.f32 v9, v3  }
0x227: {  	v11 =	vmax.f32 v5, v2;
	v9 =	vmax.f32 v9, v3;
	v13 =	vmin.f32 v5, v2  }
0x228: {  	v2 =	vmin.f32 v12, v4;
	v4 =	vmax.f32 v12, v4;
	v3 =	vmin.f32 v8, v6  }
0x229: {  	v14 =	vmax.f32 v10, v9;
	v6 =	vmax.f32 v8, v6;
	v8 =	vmin.f32 v5, v11  }
0x22a: {  	v11 =	vmax.f32 v5, v11;
	v9 =	vmin.f32 v10, v9;
	v15 =	vmax.f32 v7, v14  }
0x22b: {  	v12 =	vmin.f32 v7, v14;
	v14 =	vmax.f32 v5, v11;
	v16 =	vmax.f32 v3, v4  }
0x22c: {  	v10 =	vmin.f32 v5, v11;
	v18 =	vmin.f32 v9, v6;
	v9 =	vmax.f32 v9, v6  }
0x22d: {  	v7 =	vmin.f32 v5, v14;
	v11 =	vmax.f32 v13, v15;
	v14 =	vmax.f32 v5, v14  }
0x22e: {  	v6 =	vmin.f32 v12, v9;
	v12 =	vmax.f32 v12, v9;
	v13 =	vmin.f32 v13, v15  }
0x22f: {  	v17 =	vmin.f32 v8, v11;
	v19 =	vmax.f32 v8, v11;
	v11 =	vmin.f32 v5, v14  }
0x230: {  	v5 =	vmin.f32 v18, v16;
	v8 =	vmin.f32 v10, v19;
	v15 =	vmax.f32 v10, v19  }
0x231: {  	v10 =	vmin.f32 v13, v12;
	v12 =	vmax.f32 v13, v12;
	v9 =	vmin.f32 v7, v15  }
0x232: {  	s25 =	simm.s32 $0x100;
	v13 =	vmin.f32 v17, v12;
	v14 =	vmax.f32 v17, v12;
	v12 =	vmax.f32 v18, v16  }
.LBB2_16:
0x233: {  	s26 =	sshra.s32 s25, $0x2;
	p0 =	sne.s32 s25, $0x3FF00;
	s25 =	sadd.s32 $0x100, s25;
	v7 =	vmax.f32 v7, v15;
	v15 =	vmax.f32 v8, v14;
	v16 =	vmax.f32 v6, v12  }
0x234: {  	v17 =	vld [tilespmem:s26+$0x0];
	v7 =	vmin.f32 v11, v7;
	v11 =	vmax.f32 v9, v15;
	v18 =	vmax.f32 v10, v16  }
0x235: {  	v8 =	vmin.f32 v8, v14;
	v19 =	vld [tilespmem:s26+$0x10];
	v14 =	vmin.f32 v13, v18;
	v13 =	vmax.f32 v13, v18  }
0x236: {  	v9 =	vmin.f32 v9, v15;
	v15 =	vmin.f32 v8, v13;
	v8 =	vmax.f32 v8, v13  }
0x237: {  	v10 =	vmin.f32 v10, v16;
	v13 =	vld [tilespmem:s26+$0x20];
	v16 =	vmin.f32 v9, v8;
	v8 =	vmax.f32 v9, v8  }
0x238: {  	v3 =	vmin.f32 v3, v4;
	v4 =	vmin.f32 v6, v12;
	v7 =	vmin.f32 v7, v11  }
0x239: {  	v8 =	vmin.f32 v7, v8;
	v6 =	vmin.f32 v0, v17;
	v0 =	vmax.f32 v0, v17  }
0x23a: {  	v7 =	vmin.f32 v1, v0;
	v0 =	vmax.f32 v1, v0;
	v1 =	vmin.f32 v6, v19;
	v9 =	vld [tilespmem:s26+$0x30]  }
0x23b: {  	v11 =	vmin.f32 v2, v0;
	v0 =	vmax.f32 v2, v0;
	v2 =	vmax.f32 v6, v19  }
0x23c: {  	v6 =	vmin.f32 v7, v2;
	v2 =	vmax.f32 v7, v2;
	v7 =	vmin.f32 v1, v13  }
0x23d: {  	v12 =	vmin.f32 v3, v0;
	v3 =	vmax.f32 v3, v0;
	v0 =	vmax.f32 v1, v13  }
0x23e: {  	v13 =	vmax.f32 v5, v3;
	v1 =	vmin.f32 v11, v2;
	v17 =	vmin.f32 v6, v0  }
0x23f: {  	v6 =	vmax.f32 v6, v0;
	v0 =	vmin.f32 v7, v9;
	v7 =	vmax.f32 v7, v9  }
0x240: {  	v18 =	vmin.f32 v1, v6;
	v6 =	vmax.f32 v1, v6;
	v9 =	vmin.f32 v4, v13  }
0x241: {  	v5 =	vmin.f32 v5, v3;
	v2 =	vmax.f32 v11, v2;
	v1 =	vmin.f32 v17, v7  }
0x242: {  	v11 =	vmin.f32 v12, v2;
	v4 =	vmax.f32 v4, v13;
	v7 =	vmax.f32 v17, v7  }
0x243: {  	v12 =	vmax.f32 v12, v2;
	v3 =	vmin.f32 v11, v6;
	v13 =	vmax.f32 v10, v4  }
0x244: {  	v6 =	vmax.f32 v11, v6;
	v10 =	vmin.f32 v10, v4;
	v17 =	vmax.f32 v5, v12  }
0x245: {  	v19 =	vmax.f32 v9, v17;
	v2 =	vmin.f32 v18, v7;
	v4 =	vmax.f32 v18, v7  }
0x246: {  	v11 =	vmin.f32 v14, v13;
	v7 =	vmax.f32 v14, v13;
	v9 =	vmin.f32 v9, v17  }
0x247: {  	v5 =	vmin.f32 v5, v12;
	v13 =	vmax.f32 v15, v7;
	v12 =	vmax.f32 v3, v4  }
0x248: {  	v14 =	vmin.f32 v15, v7;
	v15 =	vmax.f32 v10, v19;
	v7 =	vmin.f32 v16, v13  }
0x249: {  	v18 =	vmin.f32 v5, v6;
	v5 =	vmax.f32 v5, v6;
	v17 =	vmin.f32 v11, v15  }
.Ltmp7:
0x24a: {  	v6 =	vmin.f32 v9, v5;
	v13 =	vmax.f32 v16, v13;
	v15 =	vmax.f32 v11, v15;
	(pc) =	sbr.rel @p0 .LBB2_16-.Ltmp7, $4  }
0x24b: {  	v11 =	vmin.f32 v8, v13;
	v8 =	vmin.f32 v14, v15;
	v13 =	vmax.f32 v9, v5  }
0x24c: {  	v16 =	vmin.f32 v10, v19;
	v15 =	vmax.f32 v14, v15;
	v5 =	vmin.f32 v18, v12  }
0x24d: {  	v9 =	vmin.f32 v7, v15;
	v10 =	vmin.f32 v16, v13;
	v14 =	vmax.f32 v16, v13  }
0x24e: {  	v12 =	vmax.f32 v18, v12;
	v13 =	vmin.f32 v17, v14;
	v14 =	vmax.f32 v17, v14  }
0x24f: {  	[tilespmem:$0x10000] =	vst v0  }
0x250: {  	[tilespmem:$0x10010] =	vst v1  }
0x251: {  	[tilespmem:$0x10020] =	vst v2  }
0x252: {  	v53 =	vmin.f32 v3, v4;
	v54 =	vmax.f32 v7, v15;
	v55 =	vmax.f32 v8, v14;
	[tilespmem:$0x10040] =	vst v5  }
0x253: {  	v56 =	vmax.f32 v6, v12;
	v57 =	vmin.f32 v6, v12;
	v60 =	vmin.f32 v8, v14;
	[tilespmem:$0x10030] =	vst v53  }
0x254: {  	v1 =	vmin.f32 v11, v54;
	v59 =	vmax.f32 v10, v56;
	v0 =	vmin.f32 v10, v56;
	[tilespmem:$0x10050] =	vst v57  }
0x255: {  	v58 =	vmax.f32 v9, v55;
	v61 =	vmin.f32 v13, v59;
	v5 =	vmax.f32 v13, v59;
	[tilespmem:$0x10060] =	vst v0  }
0x256: {  	v62 =	vmin.f32 v9, v55;
	v63 =	vmin.f32 v60, v5;
	v3 =	vmax.f32 v60, v5;
	[tilespmem:$0x10070] =	vst v61  }
0x257: {  	s24 =	sadd.s32 $0x1, s24;
	v1 =	vmin.f32 v1, v58;
	v5 =	vmin.f32 v62, v3;
	v0 =	vmax.f32 v62, v3;
	[tilespmem:$0x10080] =	vst v63  }
0x258: {  	p0 =	sne.s32 s24, s19;
	v0 =	vmin.f32 v1, v0;
	[tilespmem:$0x10090] =	vst v5  }
.Ltmp8:
0x259: {  	[tilespmem:$0x100A0] =	vst v0;
	(pc) =	sbr.rel @p0 .LBB2_1-.Ltmp8, $4  }
0x25a: {  	[hbm4b:s18+s2] =	stream.linear.scatter [tilespmem:s23], [sflag:$0x1], $0xB0, $0x38;
	[tilespmem:$0x100B0] =	vst v63  }
0x25b: {  	_ =	swait.ge [sflag:s22], $0xB0  }
0x25c: {  	[sflag:s22] =	ssyncset.done $0x0  }
0x25d: {  	[sflag:s22] =	ssyncadd.s32 $0xFFFFFF50  }
0x25e: {  	_ =	sfence.sel $0x180000  }
0x25f: {  	[bflag:$0x0] =	sbarrier.arrive $0xFFFF  }
0x260: {  	p0 =	sne.s32 s1, $0x0;
	_ =	strace $0x9000004A  }
0x261: {  	s0 =	sadd.s32 @!p0 $0x100000, s0;
	[bflag:$0x2] =	sbarrier.arrive $0xFFFF  }
0x262: {  	[sflag:s0] =	ssyncadd.tile.s32 @!p0 $0x1;
	_ =	shalt  }
.Lfunc_end2:
_tile_overlayer_lowered:
.L_overlay_start_2:
0x263: {  	(tag) =	ssettag $0x2  }
0x264: {  	s0 =	rddreg [dreg:$0x0];
	s2 =	stileid.u32  }
0x265: {  	s1 =	rddreg [dreg:$0x1];
	p0 =	sne.s32 s2, $0x0  }
0x266: {  	s3 =	rddreg [dreg:$0x2];
	[bflag:$0x3] =	sbarrier.arrive $0xFFFF;
	s2 =	simm.s32 @!p0 $0x1C01  }
0x267: {  	[timem:s3], [sflag:s2] =	dma.local @!p0 [hbm:s0], s1  }
0x268: {  	s0 =	simm.s32 @!p0 $0x1  }
0x269: {  	_ =	swait.ge @!p0 [sflag:s0], s1  }
0x26a: {  	s1 =	ssub.s32 @!p0 $0x0, s1;
	[sflag:s0] =	ssyncset.done @!p0 $0x0  }
0x26b: {  	[sflag:s0] =	ssyncadd.s32 @!p0 s1  }
0x26c: {  	[bflag:$0x3] =	sbarrier.arrive $0xFFFF  }
0x26d: {  	_ =	shalt  }

// kernel: sparse-core-data-format-call.cloned.1.call-start
scs
called_computation_lowered:
.L_overlay_start_0:
0x0: {  	s1 =	sld [smem:$0x3FD9]  }
0x1: {  	s2 =	sld [smem:$0x3FFE];
	_ =	sdelay $0x1  }
0x2: {  	s3 =	srdreg.scid  }
0x3: {  	s0 =	sand.u32 $0x1, s3  }
0x4: {  	s17 =	sshll.u32 s0, $0xA;
	s1 =	sadd.s32 s2, s1  }
0x5: {  	s1 =	sadd.s32 s1, s17  }
0x6: {  	[smem:$0x3FC7] =	sst s1  }
0x7: {  	_ = 	snop  }
0x8: {  	(tm) =	ssettm $0x1  }
0x9: {  	s18 =	sld [smem:$0x3FFB];
	_ =	sdelay $0x3  }
0xa: {  	_ =	strace s18  }
0xb: {  	s1 =	sld [smem:$0x3FFC];
	_ =	sdelay $0x3  }
0xc: {  	_ =	strace s1  }
0xd: {  	s1 =	sld [smem:$0x3FFD];
	_ =	sdelay $0x3  }
0xe: {  	_ =	strace s1  }
0xf: {  	_ =	strace $0x8FFFFFFF  }
0x10: {  	s19 =	sld [smem:$0x3FDB];
	_ =	sdelay $0x1  }
0x11: {  	s20 =	simm.s32 $_scs_section_size  }
0x12: {  	s4 =	simm.s32 $_size__tile_overlayer_lowered;
	s5 =	simm.s32 $_tile_overlayer_lowered  }
0x13: {  	s23 =	simm.s32 $0x1BFF;
	s22 =	sshll.u32 s5, $0x1;
	s1 =	sadd.s32 s20, s19  }
0x14: {  	s6 =	simm.s32 $0x0;
	s21 =	sshll.u32 s4, $0x1;
	s4 =	sadd.s32 s22, s1  }
0x15: {  	[timem:s6], [sflag:s23] =	dma.local [hbm:s4], s21  }
0x16: {  	_ =	swait.ge [sflag:s23], s21  }
0x17: {  	s2 =	ssub.s32 $0x0, s21;
	[sflag:s23] =	ssyncset.done $0x0  }
0x18: {  	[sflag:s23] =	ssyncadd.s32 s2;
	_ =	sdelay $0x1  }
0x19: {  	s24 =	simm.s32 $0x1B8B  }
0x1a: {  	_ =	swait.ge [sflag:s24], $0x1  }
0x1b: {  	[sflag:s24] =	ssyncset.done $0x0  }
0x1c: {  	s26 =	simm.s32 $0x1B8E;
	s25 =	sld [smem:$0x3FFE];
	[sflag:s24] =	ssyncadd.s32 $0xFFFFFFFF  }
0x1d: {  	s27 =	simm.s32 $execute0_lowered;
	[smem:$0x3FD2] =	sst s26  }
0x1e: {  	s4 =	sshll.u32 s27, $0x1;
	_ =	strace $0x80000046;
	[dreg:$0x1] =	wrdreg $0xFFFFFFFF  }
0x1f: {  	s28 =	simm.s32 $_size_execute0_lowered;
	s1 =	sadd.s32 s1, s4;
	[dreg:$0x0] =	wrdreg $0x0  }
0x20: {  	s4 =	sshll.u32 s28, $0x1;
	[dreg:$0x2] =	wrdreg s1  }
0x21: {  	[dreg:$0x3] =	wrdreg s4  }
0x22: {  	[dreg:$0x4] =	wrdreg $0xC0  }
0x23: {  	_ =	task [dreg:s6], $0x5FFFF  }
0x24: {  	[dreg:$0x1] =	wrdreg $0xFFFFFFFF  }
0x25: {  	[dreg:$0x0] =	wrdreg $0x60  }
0x26: {  	[dreg:$0x2] =	wrdreg s25  }
0x27: {  	[dreg:$0x3] =	wrdreg $0x9  }
0x28: {  	_ =	task.clear_ibuf [dreg:s6], $0x4FFFF;
	_ =	strace $0x90000046  }
0x29: {  	s29 =	simm.s32 $0x9;
	_ =	strace $0x80000048  }
0x2a: {  	_ =	swait.ge [sflag:s29], $0x1  }
0x2b: {  	[sflag:s29] =	ssyncadd.s32 $0xFFFFFFFF  }
0x2c: {  	_ =	strace $0x90000048  }
0x2d: {  	_ =	sfence  }
0x2e: {  	s30 =	sld [smem:$0x0];
	_ =	sdelay $0x2  }
0x2f: {  	s31 =	sshll.u32 s3, $0xD;
	s3 =	sshrl.u32 s3, $0x2  }
0x30: {  	s2 =	sand.u32 $0x4000, s31;
	s1 =	sadd.s32 s3, s30  }
0x31: {  	s0 =	sor.u32 s2, s0;
	s1 =	sshll.u32 s1, $0x11  }
0x32: {  	s0 =	sor.u32 s1, s0  }
0x33: {  	s0 =	sadd.s32 $0x8F2B, s0  }
0x34: {  	[sflag:s0] =	ssyncadd.remote.s32 $0x1  }
0x35: {  	_ =	sfence.sel $0xFFFF  }
0x36: {  	[dreg:$0x0] =	wrdreg $0xFFFFFFFF;
	(pc) =	sbr.abs _section_cstart, $3  }
0x37: {  	[dreg:$0x1] =	wrdreg $0xFFFFFFFF  }
0x38: {  	_ =	task.clear_ibuf [dreg:s6], $0x2FFFF;
	_ =	strace $0x9FFFFFFF  }
0x39: {  	(tm) =	ssettm $0x7FFFFFFF  }
tec
execute0_lowered:
.L_overlay_start_1:
0x0: {  	(tag) =	ssettag $0x1  }
0x1: {  	s1 =	rddreg [dreg:$0x0]  }
0x2: {  	s0 =	rddreg [dreg:$0x1]  }
0x3: {  	_ =	strace $0x80000047;
	s4 =	srdreg.scid;
	s6 =	simm.s32 $0x2  }
0x4: {  	s11 =	simm.s32 $0x0;
	p0 =	por $0x0, $0x0;
	s7 =	simm.s32 $0x1000  }
.Ltmp0:
0x5: {  	s12 =	simm.s32 $0x0;
	s9 =	simm.s32 $0x0;
	(pc) =	sbr.rel .LBB1_1-.Ltmp0, $4  }
0x6: {  	s2 =	sadd.s32 $0xA00, s1;
	s3 =	sadd.s32 $0x200A00, s1;
	s5 =	sshll.u32 s4, $0x4  }
0x7: {  	s1 =	stileid.u32;
	s4 =	simm.s32 $0x1;
	s5 =	sand.u32 $0x10, s5  }
0x8: {  	s8 =	simm.s32 $0x0;
	[sflag:s4] =	ssyncpa.u1 $0x0;
	s5 =	sor.u32 s1, s5  }
0x9: {  	[sflag:s6] =	ssyncpa.u1 $0x0;
	s6 =	simm.s32 $0x800;
	s10 =	smov.u32 s5  }
.LBB1_7:
0xa: {  	s13 =	sadd.s32 $0x10, s9  }
0xb: {  	s11 =	sadd.s32 $0x20, s10;
	s15 =	smov.u32 s10;
	p2 =	sgt.s32 s13, $0x1F  }
0xc: {  	p1 =	slt.u32 s8, $0x2;
	s15 =	smov.u32 @p2 s11  }
0xd: {  	s8 =	sadd.s32 $0x1, s8;
	s13 =	simm.s32 @p2 $0x0;
	p2 =	sgt.s32 s15, $0x1FF  }
0xe: {  	s15 =	smov.u32 @p2 s5;
	p2 =	sne.s32 s8, $0x22  }
.Ltmp1:
0xf: {  	_ = 	snop;
	(pc) =	sbr.rel @!p2 .LBB1_8-.Ltmp1, $4  }
0x10: {  	s14 =	simm.s32 @!p1 $0x2  }
0x11: {  	s12 =	smov.u32 s10;
	_ =	swait.ge @!p1 [sflag:s14], $0x4000  }
0x12: {  	p0 =	por !p0, !p0;
	s11 =	smov.u32 s9;
	[sflag:s14] =	ssyncset.done @!p1 $0x0  }
0x13: {  	s9 =	smov.u32 s13;
	[sflag:s14] =	ssyncadd.s32 @!p1 $0xFFFFC000;
	s10 =	smov.u32 s15  }
.LBB1_1:
0x14: {  	p1 =	sgt.u32 s8, $0x1F  }
0x15: {  	s13 =	sxor.u32 @!p1 $0xFFFFFFFF, s8;
	s14 =	sshll.u32 @!p1 s10, $0xC  }
0x16: {  	s15 =	sshll.u32 @!p1 s9, $0x7;
	s13 =	sshll.u32 @!p1 s13, $0xE;
	s14 =	sadd.s32 @!p1 s2, s14  }
0x17: {  	s13 =	sand.u32 @!p1 $0x4000, s13;
	s14 =	sadd.s32 @!p1 s15, s14;
	s15 =	simm.s32 @!p1 $0x0  }
0x18: {  	[tilespmem:s13], [sflag:$0x1] =	stream.linear.gather @!p1 [hbm4b:s14+s15], $0x4000, $0x38;
	[tilespmem:$0x10000] =	vst v63  }
0x19: {  	p1 =	seq.s32 s8, $0x0  }
0x1a: {  	p2 =	seq.s32 @!p1 s8, $0x21  }
0x1b: {  	p1 =	por p1, p2  }
.Ltmp2:
0x1c: {  	_ = 	snop;
	(pc) =	sbr.rel @p1 .LBB1_7-.Ltmp2, $1  }
0x1d: {  	_ =	sdelay $0x3  }
0x1e: {  	s13 =	simm.s32 $0x1;
	_ =	swait.ge [sflag:s4], $0x4000;
	s16 =	sshll.u32 s8, $0xE  }
0x1f: {  	s13 =	simm.s32 @!p0 $0x0;
	[sflag:s4] =	ssyncset.done $0x0;
	s31 =	sand.u32 $0x4000, s16  }
0x20: {  	s16 =	simm.s32 $0x0;
	s14 =	sshll.u32 s13, $0xE;
	[sflag:s4] =	ssyncadd.s32 $0xFFFFC000  }
0x21: {  	s13 =	sor.u32 $0x8040, s14;
	s15 =	sor.u32 $0x40, s14;
	s14 =	sor.u32 $0x8000, s31  }
.LBB1_3:
0x22: {  	v0 =	vmov s15;
	_ =	sdelay $0x3  }
0x23: {  	s18 =	simm.s32 $0x0  }
0x24: {  	v6 =	vld.idx.msk [tilespmem:v0+s18+$0x30 ss:$0x1], $0xffff  }
0x25: {  	v7 =	vld.idx.msk [tilespmem:v0+s18+$0xFFFFFFC0 ss:$0x1], $0xffff  }
0x26: {  	v5 =	vld.idx.msk [tilespmem:v0+s18+$0xFFFFFFD0 ss:$0x1], $0xffff  }
0x27: {  	v4 =	vld.idx.msk [tilespmem:v0+s18+$0xFFFFFFE0 ss:$0x1], $0xffff  }
0x28: {  	v3 =	vld.idx.msk [tilespmem:v0+s18+$0xFFFFFFF0 ss:$0x1], $0xffff  }
0x29: {  	v1 =	vld.idx.msk [tilespmem:v0+s18+$0x0 ss:$0x1], $0xffff  }
0x2a: {  	v2 =	vld.idx.msk [tilespmem:v0+s18+$0x10 ss:$0x1], $0xffff;
	[tilespmem:s13+$0x30] =	vst v6  }
0x2b: {  	s17 =	simm.s32 $0x80;
	s19 =	simm.s32 $0x400;
	[tilespmem:s13+$0xFFFFFFC0] =	vst v7;
	v6 =	vld.idx.msk [tilespmem:v0+s18+$0x20 ss:$0x1], $0xffff;
	s18 =	smov.u32 s13  }
.LBB1_4:
0x2c: {  	p1 =	sne.s32 s19, $0xE00;
	v7 =	vld.idx.msk [tilespmem:v0+s17+$0x30 ss:$0x1], $0xffff;
	[tilespmem:s18+$0xFFFFFFD0] =	vst v5  }
0x2d: {  	v8 =	vld.idx.msk [tilespmem:v0+s17+$0xFFFFFFC0 ss:$0x1], $0xffff;
	[tilespmem:s18+$0xFFFFFFE0] =	vst v4  }
0x2e: {  	v5 =	vld.idx.msk [tilespmem:v0+s17+$0xFFFFFFD0 ss:$0x1], $0xffff;
	[tilespmem:s18+$0xFFFFFFF0] =	vst v3  }
.Ltmp3:
0x2f: {  	v4 =	vld.idx.msk [tilespmem:v0+s17+$0xFFFFFFE0 ss:$0x1], $0xffff;
	[tilespmem:s18+$0x0] =	vst v1;
	(pc) =	sbr.rel @p1 .LBB1_4-.Ltmp3, $4  }
0x30: {  	v3 =	vld.idx.msk [tilespmem:v0+s17+$0xFFFFFFF0 ss:$0x1], $0xffff;
	[tilespmem:s18+$0x10] =	vst v2  }
0x31: {  	v1 =	vld.idx.msk [tilespmem:v0+s17+$0x0 ss:$0x1], $0xffff;
	[tilespmem:s18+$0x20] =	vst v6;
	s18 =	sadd.s32 $0x800, s18  }
0x32: {  	v2 =	vld.idx.msk [tilespmem:v0+s17+$0x10 ss:$0x1], $0xffff;
	[tilespmem:s18+$0x30] =	vst v7  }
0x33: {  	[tilespmem:s18+$0xFFFFFFC0] =	vst v8;
	v6 =	vld.idx.msk [tilespmem:v0+s17+$0x20 ss:$0x1], $0xffff;
	s17 =	sshra.s32 s19, $0x2;
	s19 =	sadd.s32 $0x200, s19  }
0x34: {  	_ =	sdelay $0x2  }
0x35: {  	[tilespmem:s18+$0xFFFFFFD0] =	vst v5  }
0x36: {  	v56 =	vld.idx.msk [tilespmem:v0+s17+$0x30 ss:$0x1], $0xffff;
	[tilespmem:s18+$0xFFFFFFE0] =	vst v4  }
0x37: {  	v57 =	vld.idx.msk [tilespmem:v0+s17+$0xFFFFFFC0 ss:$0x1], $0xffff;
	[tilespmem:s18+$0xFFFFFFF0] =	vst v3  }
0x38: {  	v58 =	vld.idx.msk [tilespmem:v0+s17+$0xFFFFFFD0 ss:$0x1], $0xffff;
	[tilespmem:s18+$0x0] =	vst v1  }
0x39: {  	v59 =	vld.idx.msk [tilespmem:v0+s17+$0xFFFFFFE0 ss:$0x1], $0xffff;
	[tilespmem:s18+$0x10] =	vst v2  }
0x3a: {  	v60 =	vld.idx.msk [tilespmem:v0+s17+$0xFFFFFFF0 ss:$0x1], $0xffff;
	s31 =	sadd.s32 $0x800, s18;
	[tilespmem:s18+$0x20] =	vst v6  }
0x3b: {  	v61 =	vld.idx.msk [tilespmem:v0+s17+$0x0 ss:$0x1], $0xffff;
	[tilespmem:s31+$0x30] =	vst v56  }
0x3c: {  	v62 =	vld.idx.msk [tilespmem:v0+s17+$0x10 ss:$0x1], $0xffff;
	s16 =	sadd.s32 $0x1, s16;
	[tilespmem:s31+$0xFFFFFFC0] =	vst v57  }
0x3d: {  	v63 =	vld.idx.msk [tilespmem:v0+s17+$0x20 ss:$0x1], $0xffff;
	p1 =	sne.s32 s16, $0x10;
	[tilespmem:s31+$0xFFFFFFD0] =	vst v58  }
.Ltmp4:
0x3e: {  	[tilespmem:s31+$0xFFFFFFE0] =	vst v59;
	(pc) =	sbr.rel @p1 .LBB1_3-.Ltmp4, $4  }
0x3f: {  	[tilespmem:s31+$0xFFFFFFF0] =	vst v60  }
0x40: {  	[tilespmem:s31+$0x0] =	vst v61  }
0x41: {  	[tilespmem:s31+$0x10] =	vst v62  }
0x42: {  	s13 =	sadd.s32 $0x80, s13;
	s15 =	sadd.s32 $0x400, s15;
	[tilespmem:s31+$0x20] =	vst v63  }
.Ltmp5:
0x43: {  	(pc) =	sbr.rel .LBB1_7-.Ltmp5, $4  }
0x44: {  	s12 =	sshll.u32 s12, $0xC;
	s11 =	sshll.u32 s11, $0x4  }
0x45: {  	s11 =	sand.u32 $0x1F0, s11;
	s12 =	sadd.s32 s3, s12  }
0x46: {  	s11 =	sadd.s32 s11, s12  }
0x47: {  	[hbm4b:s11+s6] =	stream.strided.scatter [tilespmem:s14], [sflag:$0x2], $0x4000, s7, s6, $0x38;
	[tilespmem:$0x10000] =	vst v63  }
.LBB1_8:
0x48: {  	_ =	sfence.sel $0x180000  }
0x49: {  	s2 =	simm.s32 $0x1;
	[bflag:$0x0] =	sbarrier.arrive $0xFFFF  }
0x4a: {  	s31 =	simm.s32 $0x2;
	[sflag:s2] =	ssyncpa.u1 $0x1  }
0x4b: {  	[sflag:s31] =	ssyncpa.u1 $0x1  }
0x4c: {  	p0 =	sne.s32 s1, $0x0;
	_ =	strace $0x90000047  }
0x4d: {  	s0 =	sadd.s32 @!p0 $0x100000, s0;
	[bflag:$0x2] =	sbarrier.arrive $0xFFFF  }
0x4e: {  	[sflag:s0] =	ssyncadd.tile.s32 @!p0 $0x1;
	_ =	shalt  }
.Lfunc_end1:
_tile_overlayer_lowered:
.L_overlay_start_2:
0x4f: {  	(tag) =	ssettag $0x2  }
0x50: {  	s0 =	rddreg [dreg:$0x0];
	s2 =	stileid.u32  }
0x51: {  	s1 =	rddreg [dreg:$0x1];
	p0 =	sne.s32 s2, $0x0  }
0x52: {  	s3 =	rddreg [dreg:$0x2];
	[bflag:$0x3] =	sbarrier.arrive $0xFFFF;
	s2 =	simm.s32 @!p0 $0x1C01  }
0x53: {  	[timem:s3], [sflag:s2] =	dma.local @!p0 [hbm:s0], s1  }
0x54: {  	s0 =	simm.s32 @!p0 $0x1  }
0x55: {  	_ =	swait.ge @!p0 [sflag:s0], s1  }
0x56: {  	s1 =	ssub.s32 @!p0 $0x0, s1;
	[sflag:s0] =	ssyncset.done @!p0 $0x0  }
0x57: {  	[sflag:s0] =	ssyncadd.s32 @!p0 s1  }
0x58: {  	[bflag:$0x3] =	sbarrier.arrive $0xFFFF  }
0x59: {  	_ =	shalt  }

</sc_bundles>
